<compile_context>
chip_gen: v7x
topology: tpu7x:2x2x1
jax: 0.10.2.dev20260603
libtpu: 0.0.44.dev20260713+nightly
codegen_flags: <defaults>
</compile_context>

<pallas_src>
import functools

import jax
import jax.numpy as jnp
from jax import lax
from jax.experimental import pallas as pl
from jax.experimental.pallas import tpu as pltpu
from jax.experimental.pallas import tpu_sc as plsc

N = 10000
E = 320000
D = 128
H = 128
G = 256

NC = 2
NS = 16
NW = NC * NS
CH = 128
NCHUNK = 79
EPAD = NW * NCHUNK * CH
NPAD = 10240
RPT = NPAD // NS
RCH = RPT // CH
L = 16


@functools.cache
def _mesh():
    return plsc.VectorSubcoreMesh(core_axis_name="c", subcore_axis_name="s",
                                  num_cores=NC, num_subcores=NS)


def _zero_rows(ref, nrows, ncols):
    z = jnp.zeros((L,), jnp.float32)

    def row(i, _):
        def col(j, _):
            ref[i, pl.ds(j * L, L)] = z
            return 0
        return lax.fori_loop(0, ncols // L, col, 0)

    lax.fori_loop(0, nrows, row, 0)


def _zero_vec(ref, n):
    z = jnp.zeros((L,), jnp.float32)

    def it(i, _):
        ref[pl.ds(i * L, L)] = z
        return 0

    lax.fori_loop(0, n // L, it, 0)


def _scalar_edge_pass(idx_s, idx_d, a_vmem, acc, j):
    for cc in range(CH // L):
        isrc = idx_s[j, pl.ds(cc * L, L)]
        idst = idx_d[j, pl.ds(cc * L, L)]
        vals = plsc.load_gather(a_vmem, [isrc])
        plsc.addupdate_scatter(acc, [idst], vals)


def _sc_agg_body(x_hbm, src_hbm, dst_hbm, out128,
                 idx_s, idx_d, rows128, sem, spm128):
    c = lax.axis_index("c")
    s = lax.axis_index("s")
    wid = s * NC + c

    _zero_rows(rows128, CH, D)
    for k in range(RCH):
        r0 = s * RPT + k * CH
        pltpu.sync_copy(rows128, spm128.at[pl.ds(r0, CH)])
    plsc.subcore_barrier()

    pltpu.sync_copy(src_hbm.at[wid], idx_s)
    pltpu.sync_copy(dst_hbm.at[wid], idx_d)

    def chunk(j, _):
        pltpu.async_copy(x_hbm.at[idx_s.at[j]], rows128, sem).wait()
        pltpu.sync_copy(rows128, spm128.at[idx_d.at[j]], add=True)
        return 0

    lax.fori_loop(0, NCHUNK, chunk, 0)
    plsc.subcore_barrier()

    for k in range(RCH):
        r0 = s * RPT + k * CH
        pltpu.sync_copy(spm128.at[pl.ds(r0, CH)], rows128)
        pltpu.sync_copy(rows128, out128.at[c, pl.ds(r0, CH)])


@functools.cache
def _sc_agg_kernel():
  return pl.kernel(
    _sc_agg_body,
    out_type=jax.ShapeDtypeStruct((NC, NPAD, D), jnp.float32),
    mesh=_mesh(),
    compiler_params=pltpu.CompilerParams(needs_layout_passes=False),
    scratch_types=[
        pltpu.VMEM((NCHUNK, CH), jnp.int32),
        pltpu.VMEM((NCHUNK, CH), jnp.int32),
        pltpu.VMEM((CH, D), jnp.float32),
        pltpu.SemaphoreType.DMA,
        pltpu.VMEM_SHARED((NPAD, D), jnp.float32),
    ],
  )


def _sc_agg(x, src3, dst3):
    return _sc_agg_kernel()(x, src3, dst3)


def _sc_scal_body(a_hbm, src_hbm, dst_hbm, outs, idx_s, idx_d, a_vmem, acc):
    c = lax.axis_index("c")
    s = lax.axis_index("s")
    wid = s * NC + c

    _zero_vec(acc, NPAD)
    pltpu.sync_copy(src_hbm.at[wid], idx_s)
    pltpu.sync_copy(dst_hbm.at[wid], idx_d)
    pltpu.sync_copy(a_hbm, a_vmem)

    def chunk(j, _):
        _scalar_edge_pass(idx_s, idx_d, a_vmem, acc, j)
        return 0

    lax.fori_loop(0, NCHUNK, chunk, 0)
    pltpu.sync_copy(acc, outs.at[wid])


@functools.cache
def _sc_scal_kernel():
  return pl.kernel(
    _sc_scal_body,
    out_type=jax.ShapeDtypeStruct((NW, NPAD), jnp.float32),
    mesh=_mesh(),
    compiler_params=pltpu.CompilerParams(needs_layout_passes=False),
    scratch_types=[
        pltpu.VMEM((NCHUNK, CH), jnp.int32),
        pltpu.VMEM((NCHUNK, CH), jnp.int32),
        pltpu.VMEM((N,), jnp.float32),
        pltpu.VMEM((NPAD,), jnp.float32),
    ],
  )


def _sc_scal(a, src3, dst3):
    return _sc_scal_kernel()(a, src3, dst3)



def _bn(x, g, b):
    m = jnp.mean(x, axis=0, keepdims=True)
    v = jnp.mean((x - m) * (x - m), axis=0, keepdims=True)
    return (x - m) * lax.rsqrt(v + 1e-5) * g + b


def _tc_bn0_body(x_ref, g_ref, b_ref, o_ref):
    o_ref[...] = _bn(x_ref[...], g_ref[...], b_ref[...])


def _tc_bn0(x, g, b):
    return pl.pallas_call(
        _tc_bn0_body,
        out_shape=jax.ShapeDtypeStruct((N, D), jnp.float32),
    )(x, g.reshape(1, D), b.reshape(1, D))


def _gin_mlp(x, agg, w1, b1, w2, b2, bng, bnb):
    h = x + agg
    h = jnp.maximum(jnp.dot(h, w1, preferred_element_type=jnp.float32) + b1, 0.0)
    h = jnp.dot(h, w2, preferred_element_type=jnp.float32) + b2
    return _bn(jnp.maximum(h, 0.0), bng, bnb)


def _tc_gin1_body(x_ref, p_ref, pd_ref, w1_ref, b1_ref, w2_ref, b2_ref,
                  g_ref, bb_ref, gw_ref, x1_ref, a1_ref, dinv_ref):
    agg = p_ref[0, :N] + p_ref[1, :N]
    x1 = _gin_mlp(x_ref[...], agg, w1_ref[...], b1_ref[...], w2_ref[...],
                  b2_ref[...], g_ref[...], bb_ref[...])
    x1_ref[...] = x1
    deg = jnp.sum(pd_ref[:N], axis=1, keepdims=True) + 1.0
    dinv = lax.rsqrt(deg)
    dinv_ref[...] = dinv
    xw = jnp.dot(x1, gw_ref[...], preferred_element_type=jnp.float32)
    a1_ref[...] = xw * dinv


def _tc_gin1(x, p128, pdeg_t, w1, b1, w2, b2, bng, bnb, gw):
    return pl.pallas_call(
        _tc_gin1_body,
        out_shape=(
            jax.ShapeDtypeStruct((N, H), jnp.float32),
            jax.ShapeDtypeStruct((N, 1), jnp.float32),
            jax.ShapeDtypeStruct((N, 1), jnp.float32),
        ),
    )(x, p128, pdeg_t, w1, b1.reshape(1, 2 * H), w2, b2.reshape(1, H),
      bng.reshape(1, H), bnb.reshape(1, H), gw)


def _tc_gin2_body(x1_ref, p_ref, pg_ref, a1_ref, dinv_ref, w1_ref, b1_ref,
                  w2_ref, b2_ref, g_ref, bb_ref, gw_ref, gb_ref,
                  x2_ref, a2_ref, s1_ref):
    agg = p_ref[0, :N] + p_ref[1, :N]
    x2 = _gin_mlp(x1_ref[...], agg, w1_ref[...], b1_ref[...], w2_ref[...],
                  b2_ref[...], g_ref[...], bb_ref[...])
    x2_ref[...] = x2
    dinv = dinv_ref[...]
    xw = jnp.dot(x2, gw_ref[...], preferred_element_type=jnp.float32)
    a2_ref[...] = xw * dinv
    gsum = jnp.sum(pg_ref[:N], axis=1, keepdims=True)
    s1_ref[...] = jnp.tanh(dinv * (gsum + a1_ref[...]) + gb_ref[...])


def _tc_gin2(x1, p128, pg1_t, a1, dinv, w1, b1, w2, b2, bng, bnb, gw, gb):
    return pl.pallas_call(
        _tc_gin2_body,
        out_shape=(
            jax.ShapeDtypeStruct((N, H), jnp.float32),
            jax.ShapeDtypeStruct((N, 1), jnp.float32),
            jax.ShapeDtypeStruct((N, 1), jnp.float32),
        ),
    )(x1, p128, pg1_t, a1, dinv, w1, b1.reshape(1, 2 * H), w2,
      b2.reshape(1, H), bng.reshape(1, H), bnb.reshape(1, H), gw,
      gb.reshape(1, 1))


def _pool(m, s, x):
    smax = jnp.max(jnp.where(m > 0.0, s, -1e30), axis=0, keepdims=True)
    smax = jnp.where(smax > -1e29, smax, 0.0)
    sn = jnp.sum(m * smax, axis=1, keepdims=True)
    e = jnp.exp(s - sn)
    den = jnp.sum(m * e, axis=0, keepdims=True)
    denn = jnp.sum(m * den, axis=1, keepdims=True)
    ns = e / denn
    return lax.dot_general(m, x * ns, (((0,), (0,)), ((), ())),
                           preferred_element_type=jnp.float32)


def _tc_pool_body(x1_ref, x2_ref, s1_ref, pg_ref, a2_ref, dinv_ref,
                  gb_ref, ib_ref, g1_ref, g2_ref):
    dinv = dinv_ref[...]
    gsum = jnp.sum(pg_ref[:N], axis=1, keepdims=True)
    s2 = jnp.tanh(dinv * (gsum + a2_ref[...]) + gb_ref[...])
    gid = lax.broadcasted_iota(jnp.int32, (N, G), 1)
    m = (ib_ref[...] == gid).astype(jnp.float32)
    g1_ref[...] = _pool(m, s1_ref[...], x1_ref[...])
    g2_ref[...] = _pool(m, s2, x2_ref[...])


def _tc_pool(x1, x2, s1, pg2_t, a2, dinv, gb, ibatch):
    return pl.pallas_call(
        _tc_pool_body,
        compiler_params=pltpu.CompilerParams(
            vmem_limit_bytes=100 * 1024 * 1024),
        out_shape=(
            jax.ShapeDtypeStruct((G, H), jnp.float32),
            jax.ShapeDtypeStruct((G, H), jnp.float32),
        ),
    )(x1, x2, s1, pg2_t, a2, dinv, gb.reshape(1, 1),
      ibatch.reshape(N, 1))


def kernel(drug_feature, drug_adj, ibatch, bn0_g, bn0_b, m1_w1, m1_b1,
           m1_w2, m1_b2, bn1_g, bn1_b, m2_w1, m2_b1, m2_w2, m2_b2,
           bn2_g, bn2_b, gcn1_w, gcn1_b, gcn2_w, gcn2_b):
    pad = EPAD - E
    src3 = jnp.concatenate(
        [drug_adj[0], jnp.zeros((pad,), jnp.int32)]).reshape(NW, NCHUNK, CH)
    dst3 = jnp.concatenate(
        [drug_adj[1], jnp.full((pad,), NPAD - 1, jnp.int32)]
    ).reshape(NW, NCHUNK, CH)
    ones1d = jnp.ones((N,), jnp.float32)

    x = _tc_bn0(drug_feature, bn0_g, bn0_b)
    p128 = _sc_agg(x, src3, dst3)
    pdeg = _sc_scal(ones1d, src3, dst3)
    x1, a1, dinv = _tc_gin1(x, p128, pdeg.T, m1_w1, m1_b1, m1_w2, m1_b2,
                            bn1_g, bn1_b, gcn1_w)
    p128b = _sc_agg(x1, src3, dst3)
    pg1 = _sc_scal(a1[:, 0], src3, dst3)
    x2, a2, s1 = _tc_gin2(x1, p128b, pg1.T, a1, dinv, m2_w1, m2_b1,
                          m2_w2, m2_b2, bn2_g, bn2_b, gcn2_w, gcn1_b)
    pg2 = _sc_scal(a2[:, 0], src3, dst3)
    g1, g2 = _tc_pool(x1, x2, s1, pg2.T, a2, dinv, gcn2_b, ibatch)
    return jnp.stack((g1, g2), axis=1)

# --- scband reference (transcript-rebuilt; emitter-appended) ---
"""Pipeline reference for scband-drug-gnn-74277164417510 (READ-ONLY COPY).

The authoritative reference and input builder live on the scoring server;
editing this copy changes nothing except your own understanding.
"""

import jax, jax.numpy as jnp
import numpy as np

N = 10000
E = 320000
D = 128
H = 128
G = 256


def setup_inputs(seed: int = 0):
    key = jax.random.key(seed)
    ks = jax.random.split(key, 16)
    def w(k, shape, scale):
        return jax.random.normal(k, shape, jnp.float32) * scale
    inp = {}
    inp["drug_feature"] = jax.random.normal(ks[0], (N, D), jnp.float32)
    inp["drug_adj"] = jax.random.randint(ks[1], (2, E), 0, N, dtype=jnp.int32)
    inp["ibatch"] = jnp.sort(jax.random.randint(ks[2], (N,), 0, G, dtype=jnp.int32))
    inp["bn0_g"] = jnp.ones((D,), jnp.float32)
    inp["bn0_b"] = jnp.zeros((D,), jnp.float32)
    inp["m1_w1"] = w(ks[3], (D, 2 * H), (2.0 / D) ** 0.5)
    inp["m1_b1"] = jnp.zeros((2 * H,), jnp.float32)
    inp["m1_w2"] = w(ks[4], (2 * H, H), (2.0 / (2 * H)) ** 0.5)
    inp["m1_b2"] = jnp.zeros((H,), jnp.float32)
    inp["bn1_g"] = jnp.ones((H,), jnp.float32)
    inp["bn1_b"] = jnp.zeros((H,), jnp.float32)
    inp["m2_w1"] = w(ks[5], (H, 2 * H), (2.0 / H) ** 0.5)
    inp["m2_b1"] = jnp.zeros((2 * H,), jnp.float32)
    inp["m2_w2"] = w(ks[6], (2 * H, H), (2.0 / (2 * H)) ** 0.5)
    inp["m2_b2"] = jnp.zeros((H,), jnp.float32)
    inp["bn2_g"] = jnp.ones((H,), jnp.float32)
    inp["bn2_b"] = jnp.zeros((H,), jnp.float32)
    inp["gcn1_w"] = w(ks[7], (H, 1), (1.0 / H) ** 0.5)
    inp["gcn1_b"] = jnp.zeros((1,), jnp.float32)
    inp["gcn2_w"] = w(ks[8], (H, 1), (1.0 / H) ** 0.5)
    inp["gcn2_b"] = jnp.zeros((1,), jnp.float32)
    return inp


def _bn(x, g, b):
    m = jnp.mean(x, axis=0)
    v = jnp.var(x, axis=0)
    return (x - m) / jnp.sqrt(v + 1e-5) * g + b


def _gin(x, src, dst, w1, b1, w2, b2):
    agg = jax.ops.segment_sum(x[src], dst, num_segments=N)
    h = x + agg
    h = jnp.maximum(h @ w1 + b1, 0.0)
    return h @ w2 + b2


def _gcn(x, src, dst, w, b):
    loop = jnp.arange(N, dtype=src.dtype)
    s = jnp.concatenate([src, loop])
    d = jnp.concatenate([dst, loop])
    deg = jax.ops.segment_sum(jnp.ones(s.shape[0], jnp.float32), d, num_segments=N)
    dinv = jnp.where(deg > 0, 1.0 / jnp.sqrt(deg), 0.0)
    xw = x @ w
    msg = xw[s] * (dinv[s] * dinv[d])[:, None]
    return jax.ops.segment_sum(msg, d, num_segments=N) + b


def _seg_softmax(scores, batch):
    smax = jax.ops.segment_max(scores, batch, num_segments=G)
    smax = jnp.where(jnp.isfinite(smax), smax, 0.0)
    e = jnp.exp(scores - smax[batch])
    den = jax.ops.segment_sum(e, batch, num_segments=G)
    return e / den[batch]


def reference(drug_feature, drug_adj, ibatch, bn0_g, bn0_b, m1_w1, m1_b1, m1_w2, m1_b2, bn1_g, bn1_b, m2_w1, m2_b1, m2_w2, m2_b2, bn2_g, bn2_b, gcn1_w, gcn1_b, gcn2_w, gcn2_b):
    src = drug_adj[0]
    dst = drug_adj[1]
    x = _bn(drug_feature, bn0_g, bn0_b)
    x1 = _gin(x, src, dst, m1_w1, m1_b1, m1_w2, m1_b2)
    x1 = jnp.maximum(x1, 0.0)
    x1 = _bn(x1, bn1_g, bn1_b)
    x2 = _gin(x1, src, dst, m2_w1, m2_b1, m2_w2, m2_b2)
    x2 = jnp.maximum(x2, 0.0)
    x2 = _bn(x2, bn2_g, bn2_b)
    s1 = jnp.tanh(_gcn(x1, src, dst, gcn1_w, gcn1_b)[:, 0])
    ns1 = _seg_softmax(s1, ibatch)
    g1 = jax.ops.segment_sum(x1 * ns1[:, None], ibatch, num_segments=G)
    s2 = jnp.tanh(_gcn(x2, src, dst, gcn2_w, gcn2_b)[:, 0])
    ns2 = _seg_softmax(s2, ibatch)
    g2 = jax.ops.segment_sum(x2 * ns2[:, None], ibatch, num_segments=G)
    return jnp.stack((g1, g2), axis=1)

if __name__ == "__main__":
    import jax
    _d = setup_inputs()
    print(jax.jit(kernel)(*tuple(_d.values())))

</pallas_src>

<mosaic_0001>
#map = affine_map<(d0, d1) -> (0, 0)>
#map1 = affine_map<(d0, d1) -> (0, 0, 0)>
module attributes {stable_mosaic.version = 14 : i64} {
  func.func @_sc_agg_body(%arg0: i32, %arg1: i32, %arg2: memref<10000x128xf32, #tpu.memory_space<hbm>>, %arg3: memref<32x79x128xi32, #tpu.memory_space<hbm>>, %arg4: memref<32x79x128xi32, #tpu.memory_space<hbm>>, %arg5: memref<2x10240x128xf32, #tpu.memory_space<hbm>>, %arg6: memref<79x128xi32, #tpu.memory_space<vmem>>, %arg7: memref<79x128xi32, #tpu.memory_space<vmem>>, %arg8: memref<128x128xf32, #tpu.memory_space<vmem>>, %arg9: memref<!tpu.dma_semaphore, #tpu.memory_space<semaphore_mem>>, %arg10: memref<10240x128xf32, #tpu.memory_space<vmem_shared>>) attributes {dimension_semantics = [#tpu.dimension_semantics<core_parallel>, #tpu.dimension_semantics<subcore_parallel>], iteration_bounds = array<i64: 2, 16>, scalar_prefetch = 0 : i64, scratch_operands = 5 : i64, tpu.core_type = #tpu.core_type<sc_vector_subcore>, window_params = [{transform_indices = #map}, {transform_indices = #map1}, {transform_indices = #map1}, {transform_indices = #map1}]} {
    %mul3A = arith.constant 2 : i32
    %mul3A_0 = arith.muli %arg1, %mul3A : i32
    %add3A = arith.addi %mul3A_0, %arg0 : i32
    %broadcast_in_dim3A = arith.constant 0.000000e+00 : f32
    %broadcast_in_dim3A_1 = vector.broadcast %broadcast_in_dim3A : f32 to vector<16xf32>
    %scan3A = arith.constant 0 : i32
    %scan3A_2 = arith.constant 0 : i32
    %scan3A_3 = arith.constant 128 : i32
    %scan3A_4 = arith.addi %scan3A_2, %scan3A_3 : i32
    %scan3A_5 = arith.constant 1 : i32
    %scan3A_6 = scf.for %scan3A_56 = %scan3A_2 to %scan3A_4 step %scan3A_5 iter_args(%scan3A_57 = %scan3A) -> (i32)  : i32 {
      %scan3A_58 = arith.constant 0 : i32
      %scan3A_59 = arith.constant 0 : i32
      %scan3A_60 = arith.constant 8 : i32
      %scan3A_61 = arith.addi %scan3A_59, %scan3A_60 : i32
      %scan3A_62 = arith.constant 1 : i32
      %scan3A_63 = scf.for %scan3A_65 = %scan3A_59 to %scan3A_61 step %scan3A_62 iter_args(%scan3A_66 = %scan3A_58) -> (i32)  : i32 {
        %mul3A_67 = arith.constant 16 : i32
        %mul3A_68 = arith.muli %scan3A_65, %mul3A_67 : i32
        %swap3A = arith.index_cast %scan3A_56 : i32 to index
        %swap3A_69 = arith.index_cast %mul3A_68 : i32 to index
        %swap3A_70 = tpu.vector_load %arg8[%swap3A, %swap3A_69] {strides = array<i32>} : memref<128x128xf32, #tpu.memory_space<vmem>>, vector<16xf32>,
        tpu.vector_store %arg8[%swap3A, %swap3A_69], %broadcast_in_dim3A_1 {strides = array<i32>} : memref<128x128xf32, #tpu.memory_space<vmem>>, vector<16xf32>,
        %scan3A_71 = arith.constant 0 : i32
        scf.yield %scan3A_71 : i32
      }
      %scan3A_64 = arith.constant 8 : i32
      scf.yield %scan3A_63 : i32
    }
    %scan3A_7 = arith.constant 128 : i32
    %mul3A_8 = arith.constant 640 : i32
    %mul3A_9 = arith.muli %arg1, %mul3A_8 : i32
    %add3A_10 = arith.constant 0 : i32
    %add3A_11 = arith.addi %mul3A_9, %add3A_10 : i32
    "tpu.region"() ({
      %run_scoped3A = tpu.sem_alloc : memref<!tpu.dma_semaphore, #tpu.memory_space<semaphore_mem>>
      %dma_start3A = arith.constant 0 : i32
      %dma_start3A_56 = tpu.memref_slice %arg10[%add3A_11, %dma_start3A] : memref<10240x128xf32, #tpu.memory_space<vmem_shared>> -> memref<128x128xf32, #tpu.memory_space<vmem_shared>>
      %dma_start3A_57 = arith.constant 0 : i32
      %dma_start3A_58 = tpu.memref_slice %arg10[%add3A_11, %dma_start3A_57] : memref<10240x128xf32, #tpu.memory_space<vmem_shared>> -> memref<128x128xf32, #tpu.memory_space<vmem_shared>>
      tpu.enqueue_dma source(%arg8 : memref<128x128xf32, #tpu.memory_space<vmem>>) target(%dma_start3A_58 : memref<128x128xf32, #tpu.memory_space<vmem_shared>>) target_semaphore(%run_scoped3A : memref<!tpu.dma_semaphore, #tpu.memory_space<semaphore_mem>>)
      %dma_wait3A = arith.constant 0 : i32
      %dma_wait3A_59 = tpu.memref_slice %arg10[%add3A_11, %dma_wait3A] : memref<10240x128xf32, #tpu.memory_space<vmem_shared>> -> memref<128x128xf32, #tpu.memory_space<vmem_shared>>
      %dma_wait3A_60 = arith.constant 0 : i32
      %dma_wait3A_61 = tpu.memref_slice %arg10[%add3A_11, %dma_wait3A_60] : memref<10240x128xf32, #tpu.memory_space<vmem_shared>> -> memref<128x128xf32, #tpu.memory_space<vmem_shared>>
      tpu.wait_dma2 semaphore(%run_scoped3A : memref<!tpu.dma_semaphore, #tpu.memory_space<semaphore_mem>>) src(%arg8 : memref<128x128xf32, #tpu.memory_space<vmem>>) dst(%dma_wait3A_61 : memref<128x128xf32, #tpu.memory_space<vmem_shared>>)
      tpu.yield
    }) : () -> ()
    %mul3A_12 = arith.constant 640 : i32
    %mul3A_13 = arith.muli %arg1, %mul3A_12 : i32
    %add3A_14 = arith.constant 128 : i32
    %add3A_15 = arith.addi %mul3A_13, %add3A_14 : i32
    "tpu.region"() ({
      %run_scoped3A = tpu.sem_alloc : memref<!tpu.dma_semaphore, #tpu.memory_space<semaphore_mem>>
      %dma_start3A = arith.constant 0 : i32
      %dma_start3A_56 = tpu.memref_slice %arg10[%add3A_15, %dma_start3A] : memref<10240x128xf32, #tpu.memory_space<vmem_shared>> -> memref<128x128xf32, #tpu.memory_space<vmem_shared>>
      %dma_start3A_57 = arith.constant 0 : i32
      %dma_start3A_58 = tpu.memref_slice %arg10[%add3A_15, %dma_start3A_57] : memref<10240x128xf32, #tpu.memory_space<vmem_shared>> -> memref<128x128xf32, #tpu.memory_space<vmem_shared>>
      tpu.enqueue_dma source(%arg8 : memref<128x128xf32, #tpu.memory_space<vmem>>) target(%dma_start3A_58 : memref<128x128xf32, #tpu.memory_space<vmem_shared>>) target_semaphore(%run_scoped3A : memref<!tpu.dma_semaphore, #tpu.memory_space<semaphore_mem>>)
      %dma_wait3A = arith.constant 0 : i32
      %dma_wait3A_59 = tpu.memref_slice %arg10[%add3A_15, %dma_wait3A] : memref<10240x128xf32, #tpu.memory_space<vmem_shared>> -> memref<128x128xf32, #tpu.memory_space<vmem_shared>>
      %dma_wait3A_60 = arith.constant 0 : i32
      %dma_wait3A_61 = tpu.memref_slice %arg10[%add3A_15, %dma_wait3A_60] : memref<10240x128xf32, #tpu.memory_space<vmem_shared>> -> memref<128x128xf32, #tpu.memory_space<vmem_shared>>
      tpu.wait_dma2 semaphore(%run_scoped3A : memref<!tpu.dma_semaphore, #tpu.memory_space<semaphore_mem>>) src(%arg8 : memref<128x128xf32, #tpu.memory_space<vmem>>) dst(%dma_wait3A_61 : memref<128x128xf32, #tpu.memory_space<vmem_shared>>)
      tpu.yield
    }) : () -> ()
    %mul3A_16 = arith.constant 640 : i32
    %mul3A_17 = arith.muli %arg1, %mul3A_16 : i32
    %add3A_18 = arith.constant 256 : i32
    %add3A_19 = arith.addi %mul3A_17, %add3A_18 : i32
    "tpu.region"() ({
      %run_scoped3A = tpu.sem_alloc : memref<!tpu.dma_semaphore, #tpu.memory_space<semaphore_mem>>
      %dma_start3A = arith.constant 0 : i32
      %dma_start3A_56 = tpu.memref_slice %arg10[%add3A_19, %dma_start3A] : memref<10240x128xf32, #tpu.memory_space<vmem_shared>> -> memref<128x128xf32, #tpu.memory_space<vmem_shared>>
      %dma_start3A_57 = arith.constant 0 : i32
      %dma_start3A_58 = tpu.memref_slice %arg10[%add3A_19, %dma_start3A_57] : memref<10240x128xf32, #tpu.memory_space<vmem_shared>> -> memref<128x128xf32, #tpu.memory_space<vmem_shared>>
      tpu.enqueue_dma source(%arg8 : memref<128x128xf32, #tpu.memory_space<vmem>>) target(%dma_start3A_58 : memref<128x128xf32, #tpu.memory_space<vmem_shared>>) target_semaphore(%run_scoped3A : memref<!tpu.dma_semaphore, #tpu.memory_space<semaphore_mem>>)
      %dma_wait3A = arith.constant 0 : i32
      %dma_wait3A_59 = tpu.memref_slice %arg10[%add3A_19, %dma_wait3A] : memref<10240x128xf32, #tpu.memory_space<vmem_shared>> -> memref<128x128xf32, #tpu.memory_space<vmem_shared>>
      %dma_wait3A_60 = arith.constant 0 : i32
      %dma_wait3A_61 = tpu.memref_slice %arg10[%add3A_19, %dma_wait3A_60] : memref<10240x128xf32, #tpu.memory_space<vmem_shared>> -> memref<128x128xf32, #tpu.memory_space<vmem_shared>>
      tpu.wait_dma2 semaphore(%run_scoped3A : memref<!tpu.dma_semaphore, #tpu.memory_space<semaphore_mem>>) src(%arg8 : memref<128x128xf32, #tpu.memory_space<vmem>>) dst(%dma_wait3A_61 : memref<128x128xf32, #tpu.memory_space<vmem_shared>>)
      tpu.yield
    }) : () -> ()
    %mul3A_20 = arith.constant 640 : i32
    %mul3A_21 = arith.muli %arg1, %mul3A_20 : i32
    %add3A_22 = arith.constant 384 : i32
    %add3A_23 = arith.addi %mul3A_21, %add3A_22 : i32
    "tpu.region"() ({
      %run_scoped3A = tpu.sem_alloc : memref<!tpu.dma_semaphore, #tpu.memory_space<semaphore_mem>>
      %dma_start3A = arith.constant 0 : i32
      %dma_start3A_56 = tpu.memref_slice %arg10[%add3A_23, %dma_start3A] : memref<10240x128xf32, #tpu.memory_space<vmem_shared>> -> memref<128x128xf32, #tpu.memory_space<vmem_shared>>
      %dma_start3A_57 = arith.constant 0 : i32
      %dma_start3A_58 = tpu.memref_slice %arg10[%add3A_23, %dma_start3A_57] : memref<10240x128xf32, #tpu.memory_space<vmem_shared>> -> memref<128x128xf32, #tpu.memory_space<vmem_shared>>
      tpu.enqueue_dma source(%arg8 : memref<128x128xf32, #tpu.memory_space<vmem>>) target(%dma_start3A_58 : memref<128x128xf32, #tpu.memory_space<vmem_shared>>) target_semaphore(%run_scoped3A : memref<!tpu.dma_semaphore, #tpu.memory_space<semaphore_mem>>)
      %dma_wait3A = arith.constant 0 : i32
      %dma_wait3A_59 = tpu.memref_slice %arg10[%add3A_23, %dma_wait3A] : memref<10240x128xf32, #tpu.memory_space<vmem_shared>> -> memref<128x128xf32, #tpu.memory_space<vmem_shared>>
      %dma_wait3A_60 = arith.constant 0 : i32
      %dma_wait3A_61 = tpu.memref_slice %arg10[%add3A_23, %dma_wait3A_60] : memref<10240x128xf32, #tpu.memory_space<vmem_shared>> -> memref<128x128xf32, #tpu.memory_space<vmem_shared>>
      tpu.wait_dma2 semaphore(%run_scoped3A : memref<!tpu.dma_semaphore, #tpu.memory_space<semaphore_mem>>) src(%arg8 : memref<128x128xf32, #tpu.memory_space<vmem>>) dst(%dma_wait3A_61 : memref<128x128xf32, #tpu.memory_space<vmem_shared>>)
      tpu.yield
    }) : () -> ()
    %mul3A_24 = arith.constant 640 : i32
    %mul3A_25 = arith.muli %arg1, %mul3A_24 : i32
    %add3A_26 = arith.constant 512 : i32
    %add3A_27 = arith.addi %mul3A_25, %add3A_26 : i32
    "tpu.region"() ({
      %run_scoped3A = tpu.sem_alloc : memref<!tpu.dma_semaphore, #tpu.memory_space<semaphore_mem>>
      %dma_start3A = arith.constant 0 : i32
      %dma_start3A_56 = tpu.memref_slice %arg10[%add3A_27, %dma_start3A] : memref<10240x128xf32, #tpu.memory_space<vmem_shared>> -> memref<128x128xf32, #tpu.memory_space<vmem_shared>>
      %dma_start3A_57 = arith.constant 0 : i32
      %dma_start3A_58 = tpu.memref_slice %arg10[%add3A_27, %dma_start3A_57] : memref<10240x128xf32, #tpu.memory_space<vmem_shared>> -> memref<128x128xf32, #tpu.memory_space<vmem_shared>>
      tpu.enqueue_dma source(%arg8 : memref<128x128xf32, #tpu.memory_space<vmem>>) target(%dma_start3A_58 : memref<128x128xf32, #tpu.memory_space<vmem_shared>>) target_semaphore(%run_scoped3A : memref<!tpu.dma_semaphore, #tpu.memory_space<semaphore_mem>>)
      %dma_wait3A = arith.constant 0 : i32
      %dma_wait3A_59 = tpu.memref_slice %arg10[%add3A_27, %dma_wait3A] : memref<10240x128xf32, #tpu.memory_space<vmem_shared>> -> memref<128x128xf32, #tpu.memory_space<vmem_shared>>
      %dma_wait3A_60 = arith.constant 0 : i32
      %dma_wait3A_61 = tpu.memref_slice %arg10[%add3A_27, %dma_wait3A_60] : memref<10240x128xf32, #tpu.memory_space<vmem_shared>> -> memref<128x128xf32, #tpu.memory_space<vmem_shared>>
      tpu.wait_dma2 semaphore(%run_scoped3A : memref<!tpu.dma_semaphore, #tpu.memory_space<semaphore_mem>>) src(%arg8 : memref<128x128xf32, #tpu.memory_space<vmem>>) dst(%dma_wait3A_61 : memref<128x128xf32, #tpu.memory_space<vmem_shared>>)
      tpu.yield
    }) : () -> ()
    %barrier3A = arith.constant 0 : index
    tpu.barrier barrier_id(%barrier3A)
    "tpu.region"() ({
      %run_scoped3A = tpu.sem_alloc : memref<!tpu.dma_semaphore, #tpu.memory_space<semaphore_mem>>
      %dma_start3A = arith.constant 0 : i32
      %dma_start3A_56 = arith.constant 0 : i32
      %dma_start3A_57 = tpu.memref_slice %arg3[%add3A, %dma_start3A, %dma_start3A_56] : memref<32x79x128xi32, #tpu.memory_space<hbm>> -> memref<1x79x128xi32, #tpu.memory_space<hbm>>
      %dma_start3A_58 = tpu.memref_squeeze %dma_start3A_57 : memref<1x79x128xi32, #tpu.memory_space<hbm>> -> memref<79x128xi32, #tpu.memory_space<hbm>>
      %dma_start3A_59 = arith.constant 0 : i32
      %dma_start3A_60 = arith.constant 0 : i32
      %dma_start3A_61 = tpu.memref_slice %arg3[%add3A, %dma_start3A_59, %dma_start3A_60] : memref<32x79x128xi32, #tpu.memory_space<hbm>> -> memref<1x79x128xi32, #tpu.memory_space<hbm>>
      %dma_start3A_62 = tpu.memref_squeeze %dma_start3A_61 : memref<1x79x128xi32, #tpu.memory_space<hbm>> -> memref<79x128xi32, #tpu.memory_space<hbm>>
      tpu.enqueue_dma source(%dma_start3A_62 : memref<79x128xi32, #tpu.memory_space<hbm>>) target(%arg6 : memref<79x128xi32, #tpu.memory_space<vmem>>) target_semaphore(%run_scoped3A : memref<!tpu.dma_semaphore, #tpu.memory_space<semaphore_mem>>)
      %dma_wait3A = arith.constant 0 : i32
      %dma_wait3A_63 = arith.constant 0 : i32
      %dma_wait3A_64 = tpu.memref_slice %arg3[%add3A, %dma_wait3A, %dma_wait3A_63] : memref<32x79x128xi32, #tpu.memory_space<hbm>> -> memref<1x79x128xi32, #tpu.memory_space<hbm>>
      %dma_wait3A_65 = tpu.memref_squeeze %dma_wait3A_64 : memref<1x79x128xi32, #tpu.memory_space<hbm>> -> memref<79x128xi32, #tpu.memory_space<hbm>>
      %dma_wait3A_66 = arith.constant 0 : i32
      %dma_wait3A_67 = arith.constant 0 : i32
      %dma_wait3A_68 = tpu.memref_slice %arg3[%add3A, %dma_wait3A_66, %dma_wait3A_67] : memref<32x79x128xi32, #tpu.memory_space<hbm>> -> memref<1x79x128xi32, #tpu.memory_space<hbm>>
      %dma_wait3A_69 = tpu.memref_squeeze %dma_wait3A_68 : memref<1x79x128xi32, #tpu.memory_space<hbm>> -> memref<79x128xi32, #tpu.memory_space<hbm>>
      tpu.wait_dma2 semaphore(%run_scoped3A : memref<!tpu.dma_semaphore, #tpu.memory_space<semaphore_mem>>) src(%dma_wait3A_69 : memref<79x128xi32, #tpu.memory_space<hbm>>) dst(%arg6 : memref<79x128xi32, #tpu.memory_space<vmem>>)
      tpu.yield
    }) : () -> ()
    "tpu.region"() ({
      %run_scoped3A = tpu.sem_alloc : memref<!tpu.dma_semaphore, #tpu.memory_space<semaphore_mem>>
      %dma_start3A = arith.constant 0 : i32
      %dma_start3A_56 = arith.constant 0 : i32
      %dma_start3A_57 = tpu.memref_slice %arg4[%add3A, %dma_start3A, %dma_start3A_56] : memref<32x79x128xi32, #tpu.memory_space<hbm>> -> memref<1x79x128xi32, #tpu.memory_space<hbm>>
      %dma_start3A_58 = tpu.memref_squeeze %dma_start3A_57 : memref<1x79x128xi32, #tpu.memory_space<hbm>> -> memref<79x128xi32, #tpu.memory_space<hbm>>
      %dma_start3A_59 = arith.constant 0 : i32
      %dma_start3A_60 = arith.constant 0 : i32
      %dma_start3A_61 = tpu.memref_slice %arg4[%add3A, %dma_start3A_59, %dma_start3A_60] : memref<32x79x128xi32, #tpu.memory_space<hbm>> -> memref<1x79x128xi32, #tpu.memory_space<hbm>>
      %dma_start3A_62 = tpu.memref_squeeze %dma_start3A_61 : memref<1x79x128xi32, #tpu.memory_space<hbm>> -> memref<79x128xi32, #tpu.memory_space<hbm>>
      tpu.enqueue_dma source(%dma_start3A_62 : memref<79x128xi32, #tpu.memory_space<hbm>>) target(%arg7 : memref<79x128xi32, #tpu.memory_space<vmem>>) target_semaphore(%run_scoped3A : memref<!tpu.dma_semaphore, #tpu.memory_space<semaphore_mem>>)
      %dma_wait3A = arith.constant 0 : i32
      %dma_wait3A_63 = arith.constant 0 : i32
      %dma_wait3A_64 = tpu.memref_slice %arg4[%add3A, %dma_wait3A, %dma_wait3A_63] : memref<32x79x128xi32, #tpu.memory_space<hbm>> -> memref<1x79x128xi32, #tpu.memory_space<hbm>>
      %dma_wait3A_65 = tpu.memref_squeeze %dma_wait3A_64 : memref<1x79x128xi32, #tpu.memory_space<hbm>> -> memref<79x128xi32, #tpu.memory_space<hbm>>
      %dma_wait3A_66 = arith.constant 0 : i32
      %dma_wait3A_67 = arith.constant 0 : i32
      %dma_wait3A_68 = tpu.memref_slice %arg4[%add3A, %dma_wait3A_66, %dma_wait3A_67] : memref<32x79x128xi32, #tpu.memory_space<hbm>> -> memref<1x79x128xi32, #tpu.memory_space<hbm>>
      %dma_wait3A_69 = tpu.memref_squeeze %dma_wait3A_68 : memref<1x79x128xi32, #tpu.memory_space<hbm>> -> memref<79x128xi32, #tpu.memory_space<hbm>>
      tpu.wait_dma2 semaphore(%run_scoped3A : memref<!tpu.dma_semaphore, #tpu.memory_space<semaphore_mem>>) src(%dma_wait3A_69 : memref<79x128xi32, #tpu.memory_space<hbm>>) dst(%arg7 : memref<79x128xi32, #tpu.memory_space<vmem>>)
      tpu.yield
    }) : () -> ()
    %scan3A_28 = arith.constant 0 : i32
    %scan3A_29 = arith.constant 0 : i32
    %scan3A_30 = arith.constant 79 : i32
    %scan3A_31 = arith.addi %scan3A_29, %scan3A_30 : i32
    %scan3A_32 = arith.constant 1 : i32
    %scan3A_33 = scf.for %scan3A_56 = %scan3A_29 to %scan3A_31 step %scan3A_32 iter_args(%scan3A_57 = %scan3A_28) -> (i32)  : i32 {
      %dma_start3A = arith.constant 0 : i32
      %dma_start3A_58 = tpu.memref_slice %arg6[%scan3A_56, %dma_start3A] : memref<79x128xi32, #tpu.memory_space<vmem>> -> memref<1x128xi32, #tpu.memory_space<vmem>>
      %dma_start3A_59 = tpu.memref_squeeze %dma_start3A_58 : memref<1x128xi32, #tpu.memory_space<vmem>> -> memref<128xi32, #tpu.memory_space<vmem>>
      %dma_start3A_60 = arith.constant 0 : i32
      %dma_start3A_61 = arith.constant 0 : i32
      %dma_start3A_62 = tpu.memref_slice %arg2[%dma_start3A_60, %dma_start3A_61] : memref<10000x128xf32, #tpu.memory_space<hbm>> -> memref<10000x128xf32, #tpu.memory_space<hbm>>
      tpu.enqueue_indirect_dma source(%dma_start3A_62 : memref<10000x128xf32, #tpu.memory_space<hbm>>) target(%arg8 : memref<128x128xf32, #tpu.memory_space<vmem>>) offsets(%dma_start3A_59 : memref<128xi32, #tpu.memory_space<vmem>>) semaphore(%arg9 : memref<!tpu.dma_semaphore, #tpu.memory_space<semaphore_mem>>)
      %dma_wait3A = arith.constant 0 : i32
      %dma_wait3A_63 = tpu.memref_slice %arg6[%scan3A_56, %dma_wait3A] : memref<79x128xi32, #tpu.memory_space<vmem>> -> memref<1x128xi32, #tpu.memory_space<vmem>>
      %dma_wait3A_64 = tpu.memref_squeeze %dma_wait3A_63 : memref<1x128xi32, #tpu.memory_space<vmem>> -> memref<128xi32, #tpu.memory_space<vmem>>
      %dma_wait3A_65 = arith.constant 0 : i32
      %dma_wait3A_66 = arith.constant 0 : i32
      %dma_wait3A_67 = tpu.memref_slice %arg2[%dma_wait3A_65, %dma_wait3A_66] : memref<10000x128xf32, #tpu.memory_space<hbm>> -> memref<10000x128xf32, #tpu.memory_space<hbm>>
      tpu.wait_indirect_dma semaphore(%arg9 : memref<!tpu.dma_semaphore, #tpu.memory_space<semaphore_mem>>) src(%dma_wait3A_67 : memref<10000x128xf32, #tpu.memory_space<hbm>>) dst(%arg8 : memref<128x128xf32, #tpu.memory_space<vmem>>)
      "tpu.region"() ({
        %run_scoped3A = tpu.sem_alloc : memref<!tpu.dma_semaphore, #tpu.memory_space<semaphore_mem>>
        %dma_start3A_69 = arith.constant 0 : i32
        %dma_start3A_70 = tpu.memref_slice %arg7[%scan3A_56, %dma_start3A_69] : memref<79x128xi32, #tpu.memory_space<vmem>> -> memref<1x128xi32, #tpu.memory_space<vmem>>
        %dma_start3A_71 = tpu.memref_squeeze %dma_start3A_70 : memref<1x128xi32, #tpu.memory_space<vmem>> -> memref<128xi32, #tpu.memory_space<vmem>>
        %dma_start3A_72 = arith.constant 0 : i32
        %dma_start3A_73 = arith.constant 0 : i32
        %dma_start3A_74 = tpu.memref_slice %arg10[%dma_start3A_72, %dma_start3A_73] : memref<10240x128xf32, #tpu.memory_space<vmem_shared>> -> memref<10240x128xf32, #tpu.memory_space<vmem_shared>>
        tpu.enqueue_indirect_dma source(%arg8 : memref<128x128xf32, #tpu.memory_space<vmem>>) target(%dma_start3A_74 : memref<10240x128xf32, #tpu.memory_space<vmem_shared>>) offsets(%dma_start3A_71 : memref<128xi32, #tpu.memory_space<vmem>>) semaphore(%run_scoped3A : memref<!tpu.dma_semaphore, #tpu.memory_space<semaphore_mem>>) {add = true}
        %dma_wait3A_75 = arith.constant 0 : i32
        %dma_wait3A_76 = tpu.memref_slice %arg7[%scan3A_56, %dma_wait3A_75] : memref<79x128xi32, #tpu.memory_space<vmem>> -> memref<1x128xi32, #tpu.memory_space<vmem>>
        %dma_wait3A_77 = tpu.memref_squeeze %dma_wait3A_76 : memref<1x128xi32, #tpu.memory_space<vmem>> -> memref<128xi32, #tpu.memory_space<vmem>>
        %dma_wait3A_78 = arith.constant 0 : i32
        %dma_wait3A_79 = arith.constant 0 : i32
        %dma_wait3A_80 = tpu.memref_slice %arg10[%dma_wait3A_78, %dma_wait3A_79] : memref<10240x128xf32, #tpu.memory_space<vmem_shared>> -> memref<10240x128xf32, #tpu.memory_space<vmem_shared>>
        tpu.wait_indirect_dma semaphore(%run_scoped3A : memref<!tpu.dma_semaphore, #tpu.memory_space<semaphore_mem>>) src(%arg8 : memref<128x128xf32, #tpu.memory_space<vmem>>) dst(%dma_wait3A_80 : memref<10240x128xf32, #tpu.memory_space<vmem_shared>>)
        tpu.yield
      }) : () -> ()
      %scan3A_68 = arith.constant 0 : i32
      scf.yield %scan3A_68 : i32
    }
    %scan3A_34 = arith.constant 79 : i32
    %barrier3A_35 = arith.constant 0 : index
    tpu.barrier barrier_id(%barrier3A_35)
    %mul3A_36 = arith.constant 640 : i32
    %mul3A_37 = arith.muli %arg1, %mul3A_36 : i32
    %add3A_38 = arith.constant 0 : i32
    %add3A_39 = arith.addi %mul3A_37, %add3A_38 : i32
    "tpu.region"() ({
      %run_scoped3A = tpu.sem_alloc : memref<!tpu.dma_semaphore, #tpu.memory_space<semaphore_mem>>
      %dma_start3A = arith.constant 0 : i32
      %dma_start3A_56 = tpu.memref_slice %arg10[%add3A_39, %dma_start3A] : memref<10240x128xf32, #tpu.memory_space<vmem_shared>> -> memref<128x128xf32, #tpu.memory_space<vmem_shared>>
      %dma_start3A_57 = arith.constant 0 : i32
      %dma_start3A_58 = tpu.memref_slice %arg10[%add3A_39, %dma_start3A_57] : memref<10240x128xf32, #tpu.memory_space<vmem_shared>> -> memref<128x128xf32, #tpu.memory_space<vmem_shared>>
      tpu.enqueue_dma source(%dma_start3A_58 : memref<128x128xf32, #tpu.memory_space<vmem_shared>>) target(%arg8 : memref<128x128xf32, #tpu.memory_space<vmem>>) target_semaphore(%run_scoped3A : memref<!tpu.dma_semaphore, #tpu.memory_space<semaphore_mem>>)
      %dma_wait3A = arith.constant 0 : i32
      %dma_wait3A_59 = tpu.memref_slice %arg10[%add3A_39, %dma_wait3A] : memref<10240x128xf32, #tpu.memory_space<vmem_shared>> -> memref<128x128xf32, #tpu.memory_space<vmem_shared>>
      %dma_wait3A_60 = arith.constant 0 : i32
      %dma_wait3A_61 = tpu.memref_slice %arg10[%add3A_39, %dma_wait3A_60] : memref<10240x128xf32, #tpu.memory_space<vmem_shared>> -> memref<128x128xf32, #tpu.memory_space<vmem_shared>>
      tpu.wait_dma2 semaphore(%run_scoped3A : memref<!tpu.dma_semaphore, #tpu.memory_space<semaphore_mem>>) src(%dma_wait3A_61 : memref<128x128xf32, #tpu.memory_space<vmem_shared>>) dst(%arg8 : memref<128x128xf32, #tpu.memory_space<vmem>>)
      tpu.yield
    }) : () -> ()
    "tpu.region"() ({
      %run_scoped3A = tpu.sem_alloc : memref<!tpu.dma_semaphore, #tpu.memory_space<semaphore_mem>>
      %dma_start3A = arith.constant 0 : i32
      %dma_start3A_56 = tpu.memref_slice %arg5[%arg0, %add3A_39, %dma_start3A] : memref<2x10240x128xf32, #tpu.memory_space<hbm>> -> memref<1x128x128xf32, #tpu.memory_space<hbm>>
      %dma_start3A_57 = tpu.memref_squeeze %dma_start3A_56 : memref<1x128x128xf32, #tpu.memory_space<hbm>> -> memref<128x128xf32, #tpu.memory_space<hbm>>
      %dma_start3A_58 = arith.constant 0 : i32
      %dma_start3A_59 = tpu.memref_slice %arg5[%arg0, %add3A_39, %dma_start3A_58] : memref<2x10240x128xf32, #tpu.memory_space<hbm>> -> memref<1x128x128xf32, #tpu.memory_space<hbm>>
      %dma_start3A_60 = tpu.memref_squeeze %dma_start3A_59 : memref<1x128x128xf32, #tpu.memory_space<hbm>> -> memref<128x128xf32, #tpu.memory_space<hbm>>
      tpu.enqueue_dma source(%arg8 : memref<128x128xf32, #tpu.memory_space<vmem>>) target(%dma_start3A_60 : memref<128x128xf32, #tpu.memory_space<hbm>>) target_semaphore(%run_scoped3A : memref<!tpu.dma_semaphore, #tpu.memory_space<semaphore_mem>>)
      %dma_wait3A = arith.constant 0 : i32
      %dma_wait3A_61 = tpu.memref_slice %arg5[%arg0, %add3A_39, %dma_wait3A] : memref<2x10240x128xf32, #tpu.memory_space<hbm>> -> memref<1x128x128xf32, #tpu.memory_space<hbm>>
      %dma_wait3A_62 = tpu.memref_squeeze %dma_wait3A_61 : memref<1x128x128xf32, #tpu.memory_space<hbm>> -> memref<128x128xf32, #tpu.memory_space<hbm>>
      %dma_wait3A_63 = arith.constant 0 : i32
      %dma_wait3A_64 = tpu.memref_slice %arg5[%arg0, %add3A_39, %dma_wait3A_63] : memref<2x10240x128xf32, #tpu.memory_space<hbm>> -> memref<1x128x128xf32, #tpu.memory_space<hbm>>
      %dma_wait3A_65 = tpu.memref_squeeze %dma_wait3A_64 : memref<1x128x128xf32, #tpu.memory_space<hbm>> -> memref<128x128xf32, #tpu.memory_space<hbm>>
      tpu.wait_dma2 semaphore(%run_scoped3A : memref<!tpu.dma_semaphore, #tpu.memory_space<semaphore_mem>>) src(%arg8 : memref<128x128xf32, #tpu.memory_space<vmem>>) dst(%dma_wait3A_65 : memref<128x128xf32, #tpu.memory_space<hbm>>)
      tpu.yield
    }) : () -> ()
    %mul3A_40 = arith.constant 640 : i32
    %mul3A_41 = arith.muli %arg1, %mul3A_40 : i32
    %add3A_42 = arith.constant 128 : i32
    %add3A_43 = arith.addi %mul3A_41, %add3A_42 : i32
    "tpu.region"() ({
      %run_scoped3A = tpu.sem_alloc : memref<!tpu.dma_semaphore, #tpu.memory_space<semaphore_mem>>
      %dma_start3A = arith.constant 0 : i32
      %dma_start3A_56 = tpu.memref_slice %arg10[%add3A_43, %dma_start3A] : memref<10240x128xf32, #tpu.memory_space<vmem_shared>> -> memref<128x128xf32, #tpu.memory_space<vmem_shared>>
      %dma_start3A_57 = arith.constant 0 : i32
      %dma_start3A_58 = tpu.memref_slice %arg10[%add3A_43, %dma_start3A_57] : memref<10240x128xf32, #tpu.memory_space<vmem_shared>> -> memref<128x128xf32, #tpu.memory_space<vmem_shared>>
      tpu.enqueue_dma source(%dma_start3A_58 : memref<128x128xf32, #tpu.memory_space<vmem_shared>>) target(%arg8 : memref<128x128xf32, #tpu.memory_space<vmem>>) target_semaphore(%run_scoped3A : memref<!tpu.dma_semaphore, #tpu.memory_space<semaphore_mem>>)
      %dma_wait3A = arith.constant 0 : i32
      %dma_wait3A_59 = tpu.memref_slice %arg10[%add3A_43, %dma_wait3A] : memref<10240x128xf32, #tpu.memory_space<vmem_shared>> -> memref<128x128xf32, #tpu.memory_space<vmem_shared>>
      %dma_wait3A_60 = arith.constant 0 : i32
      %dma_wait3A_61 = tpu.memref_slice %arg10[%add3A_43, %dma_wait3A_60] : memref<10240x128xf32, #tpu.memory_space<vmem_shared>> -> memref<128x128xf32, #tpu.memory_space<vmem_shared>>
      tpu.wait_dma2 semaphore(%run_scoped3A : memref<!tpu.dma_semaphore, #tpu.memory_space<semaphore_mem>>) src(%dma_wait3A_61 : memref<128x128xf32, #tpu.memory_space<vmem_shared>>) dst(%arg8 : memref<128x128xf32, #tpu.memory_space<vmem>>)
      tpu.yield
    }) : () -> ()
    "tpu.region"() ({
      %run_scoped3A = tpu.sem_alloc : memref<!tpu.dma_semaphore, #tpu.memory_space<semaphore_mem>>
      %dma_start3A = arith.constant 0 : i32
      %dma_start3A_56 = tpu.memref_slice %arg5[%arg0, %add3A_43, %dma_start3A] : memref<2x10240x128xf32, #tpu.memory_space<hbm>> -> memref<1x128x128xf32, #tpu.memory_space<hbm>>
      %dma_start3A_57 = tpu.memref_squeeze %dma_start3A_56 : memref<1x128x128xf32, #tpu.memory_space<hbm>> -> memref<128x128xf32, #tpu.memory_space<hbm>>
      %dma_start3A_58 = arith.constant 0 : i32
      %dma_start3A_59 = tpu.memref_slice %arg5[%arg0, %add3A_43, %dma_start3A_58] : memref<2x10240x128xf32, #tpu.memory_space<hbm>> -> memref<1x128x128xf32, #tpu.memory_space<hbm>>
      %dma_start3A_60 = tpu.memref_squeeze %dma_start3A_59 : memref<1x128x128xf32, #tpu.memory_space<hbm>> -> memref<128x128xf32, #tpu.memory_space<hbm>>
      tpu.enqueue_dma source(%arg8 : memref<128x128xf32, #tpu.memory_space<vmem>>) target(%dma_start3A_60 : memref<128x128xf32, #tpu.memory_space<hbm>>) target_semaphore(%run_scoped3A : memref<!tpu.dma_semaphore, #tpu.memory_space<semaphore_mem>>)
      %dma_wait3A = arith.constant 0 : i32
      %dma_wait3A_61 = tpu.memref_slice %arg5[%arg0, %add3A_43, %dma_wait3A] : memref<2x10240x128xf32, #tpu.memory_space<hbm>> -> memref<1x128x128xf32, #tpu.memory_space<hbm>>
      %dma_wait3A_62 = tpu.memref_squeeze %dma_wait3A_61 : memref<1x128x128xf32, #tpu.memory_space<hbm>> -> memref<128x128xf32, #tpu.memory_space<hbm>>
      %dma_wait3A_63 = arith.constant 0 : i32
      %dma_wait3A_64 = tpu.memref_slice %arg5[%arg0, %add3A_43, %dma_wait3A_63] : memref<2x10240x128xf32, #tpu.memory_space<hbm>> -> memref<1x128x128xf32, #tpu.memory_space<hbm>>
      %dma_wait3A_65 = tpu.memref_squeeze %dma_wait3A_64 : memref<1x128x128xf32, #tpu.memory_space<hbm>> -> memref<128x128xf32, #tpu.memory_space<hbm>>
      tpu.wait_dma2 semaphore(%run_scoped3A : memref<!tpu.dma_semaphore, #tpu.memory_space<semaphore_mem>>) src(%arg8 : memref<128x128xf32, #tpu.memory_space<vmem>>) dst(%dma_wait3A_65 : memref<128x128xf32, #tpu.memory_space<hbm>>)
      tpu.yield
    }) : () -> ()
    %mul3A_44 = arith.constant 640 : i32
    %mul3A_45 = arith.muli %arg1, %mul3A_44 : i32
    %add3A_46 = arith.constant 256 : i32
    %add3A_47 = arith.addi %mul3A_45, %add3A_46 : i32
    "tpu.region"() ({
      %run_scoped3A = tpu.sem_alloc : memref<!tpu.dma_semaphore, #tpu.memory_space<semaphore_mem>>
      %dma_start3A = arith.constant 0 : i32
      %dma_start3A_56 = tpu.memref_slice %arg10[%add3A_47, %dma_start3A] : memref<10240x128xf32, #tpu.memory_space<vmem_shared>> -> memref<128x128xf32, #tpu.memory_space<vmem_shared>>
      %dma_start3A_57 = arith.constant 0 : i32
      %dma_start3A_58 = tpu.memref_slice %arg10[%add3A_47, %dma_start3A_57] : memref<10240x128xf32, #tpu.memory_space<vmem_shared>> -> memref<128x128xf32, #tpu.memory_space<vmem_shared>>
      tpu.enqueue_dma source(%dma_start3A_58 : memref<128x128xf32, #tpu.memory_space<vmem_shared>>) target(%arg8 : memref<128x128xf32, #tpu.memory_space<vmem>>) target_semaphore(%run_scoped3A : memref<!tpu.dma_semaphore, #tpu.memory_space<semaphore_mem>>)
      %dma_wait3A = arith.constant 0 : i32
      %dma_wait3A_59 = tpu.memref_slice %arg10[%add3A_47, %dma_wait3A] : memref<10240x128xf32, #tpu.memory_space<vmem_shared>> -> memref<128x128xf32, #tpu.memory_space<vmem_shared>>
      %dma_wait3A_60 = arith.constant 0 : i32
      %dma_wait3A_61 = tpu.memref_slice %arg10[%add3A_47, %dma_wait3A_60] : memref<10240x128xf32, #tpu.memory_space<vmem_shared>> -> memref<128x128xf32, #tpu.memory_space<vmem_shared>>
      tpu.wait_dma2 semaphore(%run_scoped3A : memref<!tpu.dma_semaphore, #tpu.memory_space<semaphore_mem>>) src(%dma_wait3A_61 : memref<128x128xf32, #tpu.memory_space<vmem_shared>>) dst(%arg8 : memref<128x128xf32, #tpu.memory_space<vmem>>)
      tpu.yield
    }) : () -> ()
    "tpu.region"() ({
      %run_scoped3A = tpu.sem_alloc : memref<!tpu.dma_semaphore, #tpu.memory_space<semaphore_mem>>
      %dma_start3A = arith.constant 0 : i32
      %dma_start3A_56 = tpu.memref_slice %arg5[%arg0, %add3A_47, %dma_start3A] : memref<2x10240x128xf32, #tpu.memory_space<hbm>> -> memref<1x128x128xf32, #tpu.memory_space<hbm>>
      %dma_start3A_57 = tpu.memref_squeeze %dma_start3A_56 : memref<1x128x128xf32, #tpu.memory_space<hbm>> -> memref<128x128xf32, #tpu.memory_space<hbm>>
      %dma_start3A_58 = arith.constant 0 : i32
      %dma_start3A_59 = tpu.memref_slice %arg5[%arg0, %add3A_47, %dma_start3A_58] : memref<2x10240x128xf32, #tpu.memory_space<hbm>> -> memref<1x128x128xf32, #tpu.memory_space<hbm>>
      %dma_start3A_60 = tpu.memref_squeeze %dma_start3A_59 : memref<1x128x128xf32, #tpu.memory_space<hbm>> -> memref<128x128xf32, #tpu.memory_space<hbm>>
      tpu.enqueue_dma source(%arg8 : memref<128x128xf32, #tpu.memory_space<vmem>>) target(%dma_start3A_60 : memref<128x128xf32, #tpu.memory_space<hbm>>) target_semaphore(%run_scoped3A : memref<!tpu.dma_semaphore, #tpu.memory_space<semaphore_mem>>)
      %dma_wait3A = arith.constant 0 : i32
      %dma_wait3A_61 = tpu.memref_slice %arg5[%arg0, %add3A_47, %dma_wait3A] : memref<2x10240x128xf32, #tpu.memory_space<hbm>> -> memref<1x128x128xf32, #tpu.memory_space<hbm>>
      %dma_wait3A_62 = tpu.memref_squeeze %dma_wait3A_61 : memref<1x128x128xf32, #tpu.memory_space<hbm>> -> memref<128x128xf32, #tpu.memory_space<hbm>>
      %dma_wait3A_63 = arith.constant 0 : i32
      %dma_wait3A_64 = tpu.memref_slice %arg5[%arg0, %add3A_47, %dma_wait3A_63] : memref<2x10240x128xf32, #tpu.memory_space<hbm>> -> memref<1x128x128xf32, #tpu.memory_space<hbm>>
      %dma_wait3A_65 = tpu.memref_squeeze %dma_wait3A_64 : memref<1x128x128xf32, #tpu.memory_space<hbm>> -> memref<128x128xf32, #tpu.memory_space<hbm>>
      tpu.wait_dma2 semaphore(%run_scoped3A : memref<!tpu.dma_semaphore, #tpu.memory_space<semaphore_mem>>) src(%arg8 : memref<128x128xf32, #tpu.memory_space<vmem>>) dst(%dma_wait3A_65 : memref<128x128xf32, #tpu.memory_space<hbm>>)
      tpu.yield
    }) : () -> ()
    %mul3A_48 = arith.constant 640 : i32
    %mul3A_49 = arith.muli %arg1, %mul3A_48 : i32
    %add3A_50 = arith.constant 384 : i32
    %add3A_51 = arith.addi %mul3A_49, %add3A_50 : i32
    "tpu.region"() ({
      %run_scoped3A = tpu.sem_alloc : memref<!tpu.dma_semaphore, #tpu.memory_space<semaphore_mem>>
      %dma_start3A = arith.constant 0 : i32
      %dma_start3A_56 = tpu.memref_slice %arg10[%add3A_51, %dma_start3A] : memref<10240x128xf32, #tpu.memory_space<vmem_shared>> -> memref<128x128xf32, #tpu.memory_space<vmem_shared>>
      %dma_start3A_57 = arith.constant 0 : i32
      %dma_start3A_58 = tpu.memref_slice %arg10[%add3A_51, %dma_start3A_57] : memref<10240x128xf32, #tpu.memory_space<vmem_shared>> -> memref<128x128xf32, #tpu.memory_space<vmem_shared>>
      tpu.enqueue_dma source(%dma_start3A_58 : memref<128x128xf32, #tpu.memory_space<vmem_shared>>) target(%arg8 : memref<128x128xf32, #tpu.memory_space<vmem>>) target_semaphore(%run_scoped3A : memref<!tpu.dma_semaphore, #tpu.memory_space<semaphore_mem>>)
      %dma_wait3A = arith.constant 0 : i32
      %dma_wait3A_59 = tpu.memref_slice %arg10[%add3A_51, %dma_wait3A] : memref<10240x128xf32, #tpu.memory_space<vmem_shared>> -> memref<128x128xf32, #tpu.memory_space<vmem_shared>>
      %dma_wait3A_60 = arith.constant 0 : i32
      %dma_wait3A_61 = tpu.memref_slice %arg10[%add3A_51, %dma_wait3A_60] : memref<10240x128xf32, #tpu.memory_space<vmem_shared>> -> memref<128x128xf32, #tpu.memory_space<vmem_shared>>
      tpu.wait_dma2 semaphore(%run_scoped3A : memref<!tpu.dma_semaphore, #tpu.memory_space<semaphore_mem>>) src(%dma_wait3A_61 : memref<128x128xf32, #tpu.memory_space<vmem_shared>>) dst(%arg8 : memref<128x128xf32, #tpu.memory_space<vmem>>)
      tpu.yield
    }) : () -> ()
    "tpu.region"() ({
      %run_scoped3A = tpu.sem_alloc : memref<!tpu.dma_semaphore, #tpu.memory_space<semaphore_mem>>
      %dma_start3A = arith.constant 0 : i32
      %dma_start3A_56 = tpu.memref_slice %arg5[%arg0, %add3A_51, %dma_start3A] : memref<2x10240x128xf32, #tpu.memory_space<hbm>> -> memref<1x128x128xf32, #tpu.memory_space<hbm>>
      %dma_start3A_57 = tpu.memref_squeeze %dma_start3A_56 : memref<1x128x128xf32, #tpu.memory_space<hbm>> -> memref<128x128xf32, #tpu.memory_space<hbm>>
      %dma_start3A_58 = arith.constant 0 : i32
      %dma_start3A_59 = tpu.memref_slice %arg5[%arg0, %add3A_51, %dma_start3A_58] : memref<2x10240x128xf32, #tpu.memory_space<hbm>> -> memref<1x128x128xf32, #tpu.memory_space<hbm>>
      %dma_start3A_60 = tpu.memref_squeeze %dma_start3A_59 : memref<1x128x128xf32, #tpu.memory_space<hbm>> -> memref<128x128xf32, #tpu.memory_space<hbm>>
      tpu.enqueue_dma source(%arg8 : memref<128x128xf32, #tpu.memory_space<vmem>>) target(%dma_start3A_60 : memref<128x128xf32, #tpu.memory_space<hbm>>) target_semaphore(%run_scoped3A : memref<!tpu.dma_semaphore, #tpu.memory_space<semaphore_mem>>)
      %dma_wait3A = arith.constant 0 : i32
      %dma_wait3A_61 = tpu.memref_slice %arg5[%arg0, %add3A_51, %dma_wait3A] : memref<2x10240x128xf32, #tpu.memory_space<hbm>> -> memref<1x128x128xf32, #tpu.memory_space<hbm>>
      %dma_wait3A_62 = tpu.memref_squeeze %dma_wait3A_61 : memref<1x128x128xf32, #tpu.memory_space<hbm>> -> memref<128x128xf32, #tpu.memory_space<hbm>>
      %dma_wait3A_63 = arith.constant 0 : i32
      %dma_wait3A_64 = tpu.memref_slice %arg5[%arg0, %add3A_51, %dma_wait3A_63] : memref<2x10240x128xf32, #tpu.memory_space<hbm>> -> memref<1x128x128xf32, #tpu.memory_space<hbm>>
      %dma_wait3A_65 = tpu.memref_squeeze %dma_wait3A_64 : memref<1x128x128xf32, #tpu.memory_space<hbm>> -> memref<128x128xf32, #tpu.memory_space<hbm>>
      tpu.wait_dma2 semaphore(%run_scoped3A : memref<!tpu.dma_semaphore, #tpu.memory_space<semaphore_mem>>) src(%arg8 : memref<128x128xf32, #tpu.memory_space<vmem>>) dst(%dma_wait3A_65 : memref<128x128xf32, #tpu.memory_space<hbm>>)
      tpu.yield
    }) : () -> ()
    %mul3A_52 = arith.constant 640 : i32
    %mul3A_53 = arith.muli %arg1, %mul3A_52 : i32
    %add3A_54 = arith.constant 512 : i32
    %add3A_55 = arith.addi %mul3A_53, %add3A_54 : i32
    "tpu.region"() ({
      %run_scoped3A = tpu.sem_alloc : memref<!tpu.dma_semaphore, #tpu.memory_space<semaphore_mem>>
      %dma_start3A = arith.constant 0 : i32
      %dma_start3A_56 = tpu.memref_slice %arg10[%add3A_55, %dma_start3A] : memref<10240x128xf32, #tpu.memory_space<vmem_shared>> -> memref<128x128xf32, #tpu.memory_space<vmem_shared>>
      %dma_start3A_57 = arith.constant 0 : i32
      %dma_start3A_58 = tpu.memref_slice %arg10[%add3A_55, %dma_start3A_57] : memref<10240x128xf32, #tpu.memory_space<vmem_shared>> -> memref<128x128xf32, #tpu.memory_space<vmem_shared>>
      tpu.enqueue_dma source(%dma_start3A_58 : memref<128x128xf32, #tpu.memory_space<vmem_shared>>) target(%arg8 : memref<128x128xf32, #tpu.memory_space<vmem>>) target_semaphore(%run_scoped3A : memref<!tpu.dma_semaphore, #tpu.memory_space<semaphore_mem>>)
      %dma_wait3A = arith.constant 0 : i32
      %dma_wait3A_59 = tpu.memref_slice %arg10[%add3A_55, %dma_wait3A] : memref<10240x128xf32, #tpu.memory_space<vmem_shared>> -> memref<128x128xf32, #tpu.memory_space<vmem_shared>>
      %dma_wait3A_60 = arith.constant 0 : i32
      %dma_wait3A_61 = tpu.memref_slice %arg10[%add3A_55, %dma_wait3A_60] : memref<10240x128xf32, #tpu.memory_space<vmem_shared>> -> memref<128x128xf32, #tpu.memory_space<vmem_shared>>
      tpu.wait_dma2 semaphore(%run_scoped3A : memref<!tpu.dma_semaphore, #tpu.memory_space<semaphore_mem>>) src(%dma_wait3A_61 : memref<128x128xf32, #tpu.memory_space<vmem_shared>>) dst(%arg8 : memref<128x128xf32, #tpu.memory_space<vmem>>)
      tpu.yield
    }) : () -> ()
    "tpu.region"() ({
      %run_scoped3A = tpu.sem_alloc : memref<!tpu.dma_semaphore, #tpu.memory_space<semaphore_mem>>
      %dma_start3A = arith.constant 0 : i32
      %dma_start3A_56 = tpu.memref_slice %arg5[%arg0, %add3A_55, %dma_start3A] : memref<2x10240x128xf32, #tpu.memory_space<hbm>> -> memref<1x128x128xf32, #tpu.memory_space<hbm>>
      %dma_start3A_57 = tpu.memref_squeeze %dma_start3A_56 : memref<1x128x128xf32, #tpu.memory_space<hbm>> -> memref<128x128xf32, #tpu.memory_space<hbm>>
      %dma_start3A_58 = arith.constant 0 : i32
      %dma_start3A_59 = tpu.memref_slice %arg5[%arg0, %add3A_55, %dma_start3A_58] : memref<2x10240x128xf32, #tpu.memory_space<hbm>> -> memref<1x128x128xf32, #tpu.memory_space<hbm>>
      %dma_start3A_60 = tpu.memref_squeeze %dma_start3A_59 : memref<1x128x128xf32, #tpu.memory_space<hbm>> -> memref<128x128xf32, #tpu.memory_space<hbm>>
      tpu.enqueue_dma source(%arg8 : memref<128x128xf32, #tpu.memory_space<vmem>>) target(%dma_start3A_60 : memref<128x128xf32, #tpu.memory_space<hbm>>) target_semaphore(%run_scoped3A : memref<!tpu.dma_semaphore, #tpu.memory_space<semaphore_mem>>)
      %dma_wait3A = arith.constant 0 : i32
      %dma_wait3A_61 = tpu.memref_slice %arg5[%arg0, %add3A_55, %dma_wait3A] : memref<2x10240x128xf32, #tpu.memory_space<hbm>> -> memref<1x128x128xf32, #tpu.memory_space<hbm>>
      %dma_wait3A_62 = tpu.memref_squeeze %dma_wait3A_61 : memref<1x128x128xf32, #tpu.memory_space<hbm>> -> memref<128x128xf32, #tpu.memory_space<hbm>>
      %dma_wait3A_63 = arith.constant 0 : i32
      %dma_wait3A_64 = tpu.memref_slice %arg5[%arg0, %add3A_55, %dma_wait3A_63] : memref<2x10240x128xf32, #tpu.memory_space<hbm>> -> memref<1x128x128xf32, #tpu.memory_space<hbm>>
      %dma_wait3A_65 = tpu.memref_squeeze %dma_wait3A_64 : memref<1x128x128xf32, #tpu.memory_space<hbm>> -> memref<128x128xf32, #tpu.memory_space<hbm>>
      tpu.wait_dma2 semaphore(%run_scoped3A : memref<!tpu.dma_semaphore, #tpu.memory_space<semaphore_mem>>) src(%arg8 : memref<128x128xf32, #tpu.memory_space<vmem>>) dst(%dma_wait3A_65 : memref<128x128xf32, #tpu.memory_space<hbm>>)
      tpu.yield
    }) : () -> ()
    return
  }
}

#map = affine_map<(d0, d1) -> (0)>
#map1 = affine_map<(d0, d1) -> (0, 0, 0)>
#map2 = affine_map<(d0, d1) -> (0, 0)>
module attributes {stable_mosaic.version = 14 : i64} {
  func.func @_sc_scal_body(%arg0: i32, %arg1: i32, %arg2: memref<10000xf32, #tpu.memory_space<hbm>>, %arg3: memref<32x79x128xi32, #tpu.memory_space<hbm>>, %arg4: memref<32x79x128xi32, #tpu.memory_space<hbm>>, %arg5: memref<32x10240xf32, #tpu.memory_space<hbm>>, %arg6: memref<79x128xi32, #tpu.memory_space<vmem>>, %arg7: memref<79x128xi32, #tpu.memory_space<vmem>>, %arg8: memref<10000xf32, #tpu.memory_space<vmem>>, %arg9: memref<10240xf32, #tpu.memory_space<vmem>>) attributes {dimension_semantics = [#tpu.dimension_semantics<core_parallel>, #tpu.dimension_semantics<subcore_parallel>], iteration_bounds = array<i64: 2, 16>, scalar_prefetch = 0 : i64, scratch_operands = 4 : i64, tpu.core_type = #tpu.core_type<sc_vector_subcore>, window_params = [{transform_indices = #map}, {transform_indices = #map1}, {transform_indices = #map1}, {transform_indices = #map2}]} {
    %mul3A = arith.constant 2 : i32
    %mul3A_0 = arith.muli %arg1, %mul3A : i32
    %add3A = arith.addi %mul3A_0, %arg0 : i32
    %broadcast_in_dim3A = arith.constant 0.000000e+00 : f32
    %broadcast_in_dim3A_1 = vector.broadcast %broadcast_in_dim3A : f32 to vector<16xf32>
    %scan3A = arith.constant 0 : i32
    %scan3A_2 = arith.constant 0 : i32
    %scan3A_3 = arith.constant 640 : i32
    %scan3A_4 = arith.addi %scan3A_2, %scan3A_3 : i32
    %scan3A_5 = arith.constant 1 : i32
    %scan3A_6 = scf.for %scan3A_15 = %scan3A_2 to %scan3A_4 step %scan3A_5 iter_args(%scan3A_16 = %scan3A) -> (i32)  : i32 {
      %mul3A_17 = arith.constant 16 : i32
      %mul3A_18 = arith.muli %scan3A_15, %mul3A_17 : i32
      %swap3A = arith.index_cast %mul3A_18 : i32 to index
      %swap3A_19 = tpu.vector_load %arg9[%swap3A] {strides = array<i32>} : memref<10240xf32, #tpu.memory_space<vmem>>, vector<16xf32>,
      tpu.vector_store %arg9[%swap3A], %broadcast_in_dim3A_1 {strides = array<i32>} : memref<10240xf32, #tpu.memory_space<vmem>>, vector<16xf32>,
      %scan3A_20 = arith.constant 0 : i32
      scf.yield %scan3A_20 : i32
    }
    %scan3A_7 = arith.constant 640 : i32
    "tpu.region"() ({
      %run_scoped3A = tpu.sem_alloc : memref<!tpu.dma_semaphore, #tpu.memory_space<semaphore_mem>>
      %dma_start3A = arith.constant 0 : i32
      %dma_start3A_15 = arith.constant 0 : i32
      %dma_start3A_16 = tpu.memref_slice %arg3[%add3A, %dma_start3A, %dma_start3A_15] : memref<32x79x128xi32, #tpu.memory_space<hbm>> -> memref<1x79x128xi32, #tpu.memory_space<hbm>>
      %dma_start3A_17 = tpu.memref_squeeze %dma_start3A_16 : memref<1x79x128xi32, #tpu.memory_space<hbm>> -> memref<79x128xi32, #tpu.memory_space<hbm>>
      %dma_start3A_18 = arith.constant 0 : i32
      %dma_start3A_19 = arith.constant 0 : i32
      %dma_start3A_20 = tpu.memref_slice %arg3[%add3A, %dma_start3A_18, %dma_start3A_19] : memref<32x79x128xi32, #tpu.memory_space<hbm>> -> memref<1x79x128xi32, #tpu.memory_space<hbm>>
      %dma_start3A_21 = tpu.memref_squeeze %dma_start3A_20 : memref<1x79x128xi32, #tpu.memory_space<hbm>> -> memref<79x128xi32, #tpu.memory_space<hbm>>
      tpu.enqueue_dma source(%dma_start3A_21 : memref<79x128xi32, #tpu.memory_space<hbm>>) target(%arg6 : memref<79x128xi32, #tpu.memory_space<vmem>>) target_semaphore(%run_scoped3A : memref<!tpu.dma_semaphore, #tpu.memory_space<semaphore_mem>>)
      %dma_wait3A = arith.constant 0 : i32
      %dma_wait3A_22 = arith.constant 0 : i32
      %dma_wait3A_23 = tpu.memref_slice %arg3[%add3A, %dma_wait3A, %dma_wait3A_22] : memref<32x79x128xi32, #tpu.memory_space<hbm>> -> memref<1x79x128xi32, #tpu.memory_space<hbm>>
      %dma_wait3A_24 = tpu.memref_squeeze %dma_wait3A_23 : memref<1x79x128xi32, #tpu.memory_space<hbm>> -> memref<79x128xi32, #tpu.memory_space<hbm>>
      %dma_wait3A_25 = arith.constant 0 : i32
      %dma_wait3A_26 = arith.constant 0 : i32
      %dma_wait3A_27 = tpu.memref_slice %arg3[%add3A, %dma_wait3A_25, %dma_wait3A_26] : memref<32x79x128xi32, #tpu.memory_space<hbm>> -> memref<1x79x128xi32, #tpu.memory_space<hbm>>
      %dma_wait3A_28 = tpu.memref_squeeze %dma_wait3A_27 : memref<1x79x128xi32, #tpu.memory_space<hbm>> -> memref<79x128xi32, #tpu.memory_space<hbm>>
      tpu.wait_dma2 semaphore(%run_scoped3A : memref<!tpu.dma_semaphore, #tpu.memory_space<semaphore_mem>>) src(%dma_wait3A_28 : memref<79x128xi32, #tpu.memory_space<hbm>>) dst(%arg6 : memref<79x128xi32, #tpu.memory_space<vmem>>)
      tpu.yield
    }) : () -> ()
    "tpu.region"() ({
      %run_scoped3A = tpu.sem_alloc : memref<!tpu.dma_semaphore, #tpu.memory_space<semaphore_mem>>
      %dma_start3A = arith.constant 0 : i32
      %dma_start3A_15 = arith.constant 0 : i32
      %dma_start3A_16 = tpu.memref_slice %arg4[%add3A, %dma_start3A, %dma_start3A_15] : memref<32x79x128xi32, #tpu.memory_space<hbm>> -> memref<1x79x128xi32, #tpu.memory_space<hbm>>
      %dma_start3A_17 = tpu.memref_squeeze %dma_start3A_16 : memref<1x79x128xi32, #tpu.memory_space<hbm>> -> memref<79x128xi32, #tpu.memory_space<hbm>>
      %dma_start3A_18 = arith.constant 0 : i32
      %dma_start3A_19 = arith.constant 0 : i32
      %dma_start3A_20 = tpu.memref_slice %arg4[%add3A, %dma_start3A_18, %dma_start3A_19] : memref<32x79x128xi32, #tpu.memory_space<hbm>> -> memref<1x79x128xi32, #tpu.memory_space<hbm>>
      %dma_start3A_21 = tpu.memref_squeeze %dma_start3A_20 : memref<1x79x128xi32, #tpu.memory_space<hbm>> -> memref<79x128xi32, #tpu.memory_space<hbm>>
      tpu.enqueue_dma source(%dma_start3A_21 : memref<79x128xi32, #tpu.memory_space<hbm>>) target(%arg7 : memref<79x128xi32, #tpu.memory_space<vmem>>) target_semaphore(%run_scoped3A : memref<!tpu.dma_semaphore, #tpu.memory_space<semaphore_mem>>)
      %dma_wait3A = arith.constant 0 : i32
      %dma_wait3A_22 = arith.constant 0 : i32
      %dma_wait3A_23 = tpu.memref_slice %arg4[%add3A, %dma_wait3A, %dma_wait3A_22] : memref<32x79x128xi32, #tpu.memory_space<hbm>> -> memref<1x79x128xi32, #tpu.memory_space<hbm>>
      %dma_wait3A_24 = tpu.memref_squeeze %dma_wait3A_23 : memref<1x79x128xi32, #tpu.memory_space<hbm>> -> memref<79x128xi32, #tpu.memory_space<hbm>>
      %dma_wait3A_25 = arith.constant 0 : i32
      %dma_wait3A_26 = arith.constant 0 : i32
      %dma_wait3A_27 = tpu.memref_slice %arg4[%add3A, %dma_wait3A_25, %dma_wait3A_26] : memref<32x79x128xi32, #tpu.memory_space<hbm>> -> memref<1x79x128xi32, #tpu.memory_space<hbm>>
      %dma_wait3A_28 = tpu.memref_squeeze %dma_wait3A_27 : memref<1x79x128xi32, #tpu.memory_space<hbm>> -> memref<79x128xi32, #tpu.memory_space<hbm>>
      tpu.wait_dma2 semaphore(%run_scoped3A : memref<!tpu.dma_semaphore, #tpu.memory_space<semaphore_mem>>) src(%dma_wait3A_28 : memref<79x128xi32, #tpu.memory_space<hbm>>) dst(%arg7 : memref<79x128xi32, #tpu.memory_space<vmem>>)
      tpu.yield
    }) : () -> ()
    "tpu.region"() ({
      %run_scoped3A = tpu.sem_alloc : memref<!tpu.dma_semaphore, #tpu.memory_space<semaphore_mem>>
      tpu.enqueue_dma source(%arg2 : memref<10000xf32, #tpu.memory_space<hbm>>) target(%arg8 : memref<10000xf32, #tpu.memory_space<vmem>>) target_semaphore(%run_scoped3A : memref<!tpu.dma_semaphore, #tpu.memory_space<semaphore_mem>>)
      tpu.wait_dma2 semaphore(%run_scoped3A : memref<!tpu.dma_semaphore, #tpu.memory_space<semaphore_mem>>) src(%arg2 : memref<10000xf32, #tpu.memory_space<hbm>>) dst(%arg8 : memref<10000xf32, #tpu.memory_space<vmem>>)
      tpu.yield
    }) : () -> ()
    %scan3A_8 = arith.constant 0 : i32
    %scan3A_9 = arith.constant 0 : i32
    %scan3A_10 = arith.constant 79 : i32
    %scan3A_11 = arith.addi %scan3A_9, %scan3A_10 : i32
    %scan3A_12 = arith.constant 1 : i32
    %scan3A_13 = scf.for %scan3A_15 = %scan3A_9 to %scan3A_11 step %scan3A_12 iter_args(%scan3A_16 = %scan3A_8) -> (i32)  : i32 {
      %get3A = arith.index_cast %scan3A_15 : i32 to index
      %get3A_17 = arith.constant 0 : index
      %get3A_18 = tpu.vector_load %arg6[%get3A, %get3A_17] {strides = array<i32>} : memref<79x128xi32, #tpu.memory_space<vmem>>, vector<16xi32>,
      %get3A_19 = arith.index_cast %scan3A_15 : i32 to index
      %get3A_20 = arith.constant 0 : index
      %get3A_21 = tpu.vector_load %arg7[%get3A_19, %get3A_20] {strides = array<i32>} : memref<79x128xi32, #tpu.memory_space<vmem>>, vector<16xi32>,
      %gather3A = tpu.vector_load_idx %arg8[%get3A_18] : memref<10000xf32, #tpu.memory_space<vmem>>[vector<16xi32>], vector<16xf32>,
      tpu.vector_store_idx %arg9[%get3A_21], %gather3A {add = true} : memref<10240xf32, #tpu.memory_space<vmem>>[vector<16xi32>], vector<16xf32>,
      %get3A_22 = arith.index_cast %scan3A_15 : i32 to index
      %get3A_23 = arith.constant 16 : index
      %get3A_24 = tpu.vector_load %arg6[%get3A_22, %get3A_23] {strides = array<i32>} : memref<79x128xi32, #tpu.memory_space<vmem>>, vector<16xi32>,
      %get3A_25 = arith.index_cast %scan3A_15 : i32 to index
      %get3A_26 = arith.constant 16 : index
      %get3A_27 = tpu.vector_load %arg7[%get3A_25, %get3A_26] {strides = array<i32>} : memref<79x128xi32, #tpu.memory_space<vmem>>, vector<16xi32>,
      %gather3A_28 = tpu.vector_load_idx %arg8[%get3A_24] : memref<10000xf32, #tpu.memory_space<vmem>>[vector<16xi32>], vector<16xf32>,
      tpu.vector_store_idx %arg9[%get3A_27], %gather3A_28 {add = true} : memref<10240xf32, #tpu.memory_space<vmem>>[vector<16xi32>], vector<16xf32>,
      %get3A_29 = arith.index_cast %scan3A_15 : i32 to index
      %get3A_30 = arith.constant 32 : index
      %get3A_31 = tpu.vector_load %arg6[%get3A_29, %get3A_30] {strides = array<i32>} : memref<79x128xi32, #tpu.memory_space<vmem>>, vector<16xi32>,
      %get3A_32 = arith.index_cast %scan3A_15 : i32 to index
      %get3A_33 = arith.constant 32 : index
      %get3A_34 = tpu.vector_load %arg7[%get3A_32, %get3A_33] {strides = array<i32>} : memref<79x128xi32, #tpu.memory_space<vmem>>, vector<16xi32>,
      %gather3A_35 = tpu.vector_load_idx %arg8[%get3A_31] : memref<10000xf32, #tpu.memory_space<vmem>>[vector<16xi32>], vector<16xf32>,
      tpu.vector_store_idx %arg9[%get3A_34], %gather3A_35 {add = true} : memref<10240xf32, #tpu.memory_space<vmem>>[vector<16xi32>], vector<16xf32>,
      %get3A_36 = arith.index_cast %scan3A_15 : i32 to index
      %get3A_37 = arith.constant 48 : index
      %get3A_38 = tpu.vector_load %arg6[%get3A_36, %get3A_37] {strides = array<i32>} : memref<79x128xi32, #tpu.memory_space<vmem>>, vector<16xi32>,
      %get3A_39 = arith.index_cast %scan3A_15 : i32 to index
      %get3A_40 = arith.constant 48 : index
      %get3A_41 = tpu.vector_load %arg7[%get3A_39, %get3A_40] {strides = array<i32>} : memref<79x128xi32, #tpu.memory_space<vmem>>, vector<16xi32>,
      %gather3A_42 = tpu.vector_load_idx %arg8[%get3A_38] : memref<10000xf32, #tpu.memory_space<vmem>>[vector<16xi32>], vector<16xf32>,
      tpu.vector_store_idx %arg9[%get3A_41], %gather3A_42 {add = true} : memref<10240xf32, #tpu.memory_space<vmem>>[vector<16xi32>], vector<16xf32>,
      %get3A_43 = arith.index_cast %scan3A_15 : i32 to index
      %get3A_44 = arith.constant 64 : index
      %get3A_45 = tpu.vector_load %arg6[%get3A_43, %get3A_44] {strides = array<i32>} : memref<79x128xi32, #tpu.memory_space<vmem>>, vector<16xi32>,
      %get3A_46 = arith.index_cast %scan3A_15 : i32 to index
      %get3A_47 = arith.constant 64 : index
      %get3A_48 = tpu.vector_load %arg7[%get3A_46, %get3A_47] {strides = array<i32>} : memref<79x128xi32, #tpu.memory_space<vmem>>, vector<16xi32>,
      %gather3A_49 = tpu.vector_load_idx %arg8[%get3A_45] : memref<10000xf32, #tpu.memory_space<vmem>>[vector<16xi32>], vector<16xf32>,
      tpu.vector_store_idx %arg9[%get3A_48], %gather3A_49 {add = true} : memref<10240xf32, #tpu.memory_space<vmem>>[vector<16xi32>], vector<16xf32>,
      %get3A_50 = arith.index_cast %scan3A_15 : i32 to index
      %get3A_51 = arith.constant 80 : index
      %get3A_52 = tpu.vector_load %arg6[%get3A_50, %get3A_51] {strides = array<i32>} : memref<79x128xi32, #tpu.memory_space<vmem>>, vector<16xi32>,
      %get3A_53 = arith.index_cast %scan3A_15 : i32 to index
      %get3A_54 = arith.constant 80 : index
      %get3A_55 = tpu.vector_load %arg7[%get3A_53, %get3A_54] {strides = array<i32>} : memref<79x128xi32, #tpu.memory_space<vmem>>, vector<16xi32>,
      %gather3A_56 = tpu.vector_load_idx %arg8[%get3A_52] : memref<10000xf32, #tpu.memory_space<vmem>>[vector<16xi32>], vector<16xf32>,
      tpu.vector_store_idx %arg9[%get3A_55], %gather3A_56 {add = true} : memref<10240xf32, #tpu.memory_space<vmem>>[vector<16xi32>], vector<16xf32>,
      %get3A_57 = arith.index_cast %scan3A_15 : i32 to index
      %get3A_58 = arith.constant 96 : index
      %get3A_59 = tpu.vector_load %arg6[%get3A_57, %get3A_58] {strides = array<i32>} : memref<79x128xi32, #tpu.memory_space<vmem>>, vector<16xi32>,
      %get3A_60 = arith.index_cast %scan3A_15 : i32 to index
      %get3A_61 = arith.constant 96 : index
      %get3A_62 = tpu.vector_load %arg7[%get3A_60, %get3A_61] {strides = array<i32>} : memref<79x128xi32, #tpu.memory_space<vmem>>, vector<16xi32>,
      %gather3A_63 = tpu.vector_load_idx %arg8[%get3A_59] : memref<10000xf32, #tpu.memory_space<vmem>>[vector<16xi32>], vector<16xf32>,
      tpu.vector_store_idx %arg9[%get3A_62], %gather3A_63 {add = true} : memref<10240xf32, #tpu.memory_space<vmem>>[vector<16xi32>], vector<16xf32>,
      %get3A_64 = arith.index_cast %scan3A_15 : i32 to index
      %get3A_65 = arith.constant 112 : index
      %get3A_66 = tpu.vector_load %arg6[%get3A_64, %get3A_65] {strides = array<i32>} : memref<79x128xi32, #tpu.memory_space<vmem>>, vector<16xi32>,
      %get3A_67 = arith.index_cast %scan3A_15 : i32 to index
      %get3A_68 = arith.constant 112 : index
      %get3A_69 = tpu.vector_load %arg7[%get3A_67, %get3A_68] {strides = array<i32>} : memref<79x128xi32, #tpu.memory_space<vmem>>, vector<16xi32>,
      %gather3A_70 = tpu.vector_load_idx %arg8[%get3A_66] : memref<10000xf32, #tpu.memory_space<vmem>>[vector<16xi32>], vector<16xf32>,
      tpu.vector_store_idx %arg9[%get3A_69], %gather3A_70 {add = true} : memref<10240xf32, #tpu.memory_space<vmem>>[vector<16xi32>], vector<16xf32>,
      %scan3A_71 = arith.constant 0 : i32
      scf.yield %scan3A_71 : i32
    }
    %scan3A_14 = arith.constant 79 : i32
    "tpu.region"() ({
      %run_scoped3A = tpu.sem_alloc : memref<!tpu.dma_semaphore, #tpu.memory_space<semaphore_mem>>
      %dma_start3A = arith.constant 0 : i32
      %dma_start3A_15 = tpu.memref_slice %arg5[%add3A, %dma_start3A] : memref<32x10240xf32, #tpu.memory_space<hbm>> -> memref<1x10240xf32, #tpu.memory_space<hbm>>
      %dma_start3A_16 = tpu.memref_squeeze %dma_start3A_15 : memref<1x10240xf32, #tpu.memory_space<hbm>> -> memref<10240xf32, #tpu.memory_space<hbm>>
      %dma_start3A_17 = arith.constant 0 : i32
      %dma_start3A_18 = tpu.memref_slice %arg5[%add3A, %dma_start3A_17] : memref<32x10240xf32, #tpu.memory_space<hbm>> -> memref<1x10240xf32, #tpu.memory_space<hbm>>
      %dma_start3A_19 = tpu.memref_squeeze %dma_start3A_18 : memref<1x10240xf32, #tpu.memory_space<hbm>> -> memref<10240xf32, #tpu.memory_space<hbm>>
      tpu.enqueue_dma source(%arg9 : memref<10240xf32, #tpu.memory_space<vmem>>) target(%dma_start3A_19 : memref<10240xf32, #tpu.memory_space<hbm>>) target_semaphore(%run_scoped3A : memref<!tpu.dma_semaphore, #tpu.memory_space<semaphore_mem>>)
      %dma_wait3A = arith.constant 0 : i32
      %dma_wait3A_20 = tpu.memref_slice %arg5[%add3A, %dma_wait3A] : memref<32x10240xf32, #tpu.memory_space<hbm>> -> memref<1x10240xf32, #tpu.memory_space<hbm>>
      %dma_wait3A_21 = tpu.memref_squeeze %dma_wait3A_20 : memref<1x10240xf32, #tpu.memory_space<hbm>> -> memref<10240xf32, #tpu.memory_space<hbm>>
      %dma_wait3A_22 = arith.constant 0 : i32
      %dma_wait3A_23 = tpu.memref_slice %arg5[%add3A, %dma_wait3A_22] : memref<32x10240xf32, #tpu.memory_space<hbm>> -> memref<1x10240xf32, #tpu.memory_space<hbm>>
      %dma_wait3A_24 = tpu.memref_squeeze %dma_wait3A_23 : memref<1x10240xf32, #tpu.memory_space<hbm>> -> memref<10240xf32, #tpu.memory_space<hbm>>
      tpu.wait_dma2 semaphore(%run_scoped3A : memref<!tpu.dma_semaphore, #tpu.memory_space<semaphore_mem>>) src(%arg9 : memref<10240xf32, #tpu.memory_space<vmem>>) dst(%dma_wait3A_24 : memref<10240xf32, #tpu.memory_space<hbm>>)
      tpu.yield
    }) : () -> ()
    return
  }
}

#map = affine_map<(d0, d1) -> (0, 0)>
#map1 = affine_map<(d0, d1) -> (0, 0, 0)>
module attributes {stable_mosaic.version = 14 : i64} {
  func.func @_sc_agg_body(%arg0: i32, %arg1: i32, %arg2: memref<10000x128xf32, #tpu.memory_space<hbm>>, %arg3: memref<32x79x128xi32, #tpu.memory_space<hbm>>, %arg4: memref<32x79x128xi32, #tpu.memory_space<hbm>>, %arg5: memref<2x10240x128xf32, #tpu.memory_space<hbm>>, %arg6: memref<79x128xi32, #tpu.memory_space<vmem>>, %arg7: memref<79x128xi32, #tpu.memory_space<vmem>>, %arg8: memref<128x128xf32, #tpu.memory_space<vmem>>, %arg9: memref<!tpu.dma_semaphore, #tpu.memory_space<semaphore_mem>>, %arg10: memref<10240x128xf32, #tpu.memory_space<vmem_shared>>) attributes {dimension_semantics = [#tpu.dimension_semantics<core_parallel>, #tpu.dimension_semantics<subcore_parallel>], iteration_bounds = array<i64: 2, 16>, scalar_prefetch = 0 : i64, scratch_operands = 5 : i64, tpu.core_type = #tpu.core_type<sc_vector_subcore>, window_params = [{transform_indices = #map}, {transform_indices = #map1}, {transform_indices = #map1}, {transform_indices = #map1}]} {
    %mul3A = arith.constant 2 : i32
    %mul3A_0 = arith.muli %arg1, %mul3A : i32
    %add3A = arith.addi %mul3A_0, %arg0 : i32
    %broadcast_in_dim3A = arith.constant 0.000000e+00 : f32
    %broadcast_in_dim3A_1 = vector.broadcast %broadcast_in_dim3A : f32 to vector<16xf32>
    %scan3A = arith.constant 0 : i32
    %scan3A_2 = arith.constant 0 : i32
    %scan3A_3 = arith.constant 128 : i32
    %scan3A_4 = arith.addi %scan3A_2, %scan3A_3 : i32
    %scan3A_5 = arith.constant 1 : i32
    %scan3A_6 = scf.for %scan3A_56 = %scan3A_2 to %scan3A_4 step %scan3A_5 iter_args(%scan3A_57 = %scan3A) -> (i32)  : i32 {
      %scan3A_58 = arith.constant 0 : i32
      %scan3A_59 = arith.constant 0 : i32
      %scan3A_60 = arith.constant 8 : i32
      %scan3A_61 = arith.addi %scan3A_59, %scan3A_60 : i32
      %scan3A_62 = arith.constant 1 : i32
      %scan3A_63 = scf.for %scan3A_65 = %scan3A_59 to %scan3A_61 step %scan3A_62 iter_args(%scan3A_66 = %scan3A_58) -> (i32)  : i32 {
        %mul3A_67 = arith.constant 16 : i32
        %mul3A_68 = arith.muli %scan3A_65, %mul3A_67 : i32
        %swap3A = arith.index_cast %scan3A_56 : i32 to index
        %swap3A_69 = arith.index_cast %mul3A_68 : i32 to index
        %swap3A_70 = tpu.vector_load %arg8[%swap3A, %swap3A_69] {strides = array<i32>} : memref<128x128xf32, #tpu.memory_space<vmem>>, vector<16xf32>,
        tpu.vector_store %arg8[%swap3A, %swap3A_69], %broadcast_in_dim3A_1 {strides = array<i32>} : memref<128x128xf32, #tpu.memory_space<vmem>>, vector<16xf32>,
        %scan3A_71 = arith.constant 0 : i32
        scf.yield %scan3A_71 : i32
      }
      %scan3A_64 = arith.constant 8 : i32
      scf.yield %scan3A_63 : i32
    }
    %scan3A_7 = arith.constant 128 : i32
    %mul3A_8 = arith.constant 640 : i32
    %mul3A_9 = arith.muli %arg1, %mul3A_8 : i32
    %add3A_10 = arith.constant 0 : i32
    %add3A_11 = arith.addi %mul3A_9, %add3A_10 : i32
    "tpu.region"() ({
      %run_scoped3A = tpu.sem_alloc : memref<!tpu.dma_semaphore, #tpu.memory_space<semaphore_mem>>
      %dma_start3A = arith.constant 0 : i32
      %dma_start3A_56 = tpu.memref_slice %arg10[%add3A_11, %dma_start3A] : memref<10240x128xf32, #tpu.memory_space<vmem_shared>> -> memref<128x128xf32, #tpu.memory_space<vmem_shared>>
      %dma_start3A_57 = arith.constant 0 : i32
      %dma_start3A_58 = tpu.memref_slice %arg10[%add3A_11, %dma_start3A_57] : memref<10240x128xf32, #tpu.memory_space<vmem_shared>> -> memref<128x128xf32, #tpu.memory_space<vmem_shared>>
      tpu.enqueue_dma source(%arg8 : memref<128x128xf32, #tpu.memory_space<vmem>>) target(%dma_start3A_58 : memref<128x128xf32, #tpu.memory_space<vmem_shared>>) target_semaphore(%run_scoped3A : memref<!tpu.dma_semaphore, #tpu.memory_space<semaphore_mem>>)
      %dma_wait3A = arith.constant 0 : i32
      %dma_wait3A_59 = tpu.memref_slice %arg10[%add3A_11, %dma_wait3A] : memref<10240x128xf32, #tpu.memory_space<vmem_shared>> -> memref<128x128xf32, #tpu.memory_space<vmem_shared>>
      %dma_wait3A_60 = arith.constant 0 : i32
      %dma_wait3A_61 = tpu.memref_slice %arg10[%add3A_11, %dma_wait3A_60] : memref<10240x128xf32, #tpu.memory_space<vmem_shared>> -> memref<128x128xf32, #tpu.memory_space<vmem_shared>>
      tpu.wait_dma2 semaphore(%run_scoped3A : memref<!tpu.dma_semaphore, #tpu.memory_space<semaphore_mem>>) src(%arg8 : memref<128x128xf32, #tpu.memory_space<vmem>>) dst(%dma_wait3A_61 : memref<128x128xf32, #tpu.memory_space<vmem_shared>>)
      tpu.yield
    }) : () -> ()
    %mul3A_12 = arith.constant 640 : i32
    %mul3A_13 = arith.muli %arg1, %mul3A_12 : i32
    %add3A_14 = arith.constant 128 : i32
    %add3A_15 = arith.addi %mul3A_13, %add3A_14 : i32
    "tpu.region"() ({
      %run_scoped3A = tpu.sem_alloc : memref<!tpu.dma_semaphore, #tpu.memory_space<semaphore_mem>>
      %dma_start3A = arith.constant 0 : i32
      %dma_start3A_56 = tpu.memref_slice %arg10[%add3A_15, %dma_start3A] : memref<10240x128xf32, #tpu.memory_space<vmem_shared>> -> memref<128x128xf32, #tpu.memory_space<vmem_shared>>
      %dma_start3A_57 = arith.constant 0 : i32
      %dma_start3A_58 = tpu.memref_slice %arg10[%add3A_15, %dma_start3A_57] : memref<10240x128xf32, #tpu.memory_space<vmem_shared>> -> memref<128x128xf32, #tpu.memory_space<vmem_shared>>
      tpu.enqueue_dma source(%arg8 : memref<128x128xf32, #tpu.memory_space<vmem>>) target(%dma_start3A_58 : memref<128x128xf32, #tpu.memory_space<vmem_shared>>) target_semaphore(%run_scoped3A : memref<!tpu.dma_semaphore, #tpu.memory_space<semaphore_mem>>)
      %dma_wait3A = arith.constant 0 : i32
      %dma_wait3A_59 = tpu.memref_slice %arg10[%add3A_15, %dma_wait3A] : memref<10240x128xf32, #tpu.memory_space<vmem_shared>> -> memref<128x128xf32, #tpu.memory_space<vmem_shared>>
      %dma_wait3A_60 = arith.constant 0 : i32
      %dma_wait3A_61 = tpu.memref_slice %arg10[%add3A_15, %dma_wait3A_60] : memref<10240x128xf32, #tpu.memory_space<vmem_shared>> -> memref<128x128xf32, #tpu.memory_space<vmem_shared>>
      tpu.wait_dma2 semaphore(%run_scoped3A : memref<!tpu.dma_semaphore, #tpu.memory_space<semaphore_mem>>) src(%arg8 : memref<128x128xf32, #tpu.memory_space<vmem>>) dst(%dma_wait3A_61 : memref<128x128xf32, #tpu.memory_space<vmem_shared>>)
      tpu.yield
    }) : () -> ()
    %mul3A_16 = arith.constant 640 : i32
    %mul3A_17 = arith.muli %arg1, %mul3A_16 : i32
    %add3A_18 = arith.constant 256 : i32
    %add3A_19 = arith.addi %mul3A_17, %add3A_18 : i32
    "tpu.region"() ({
      %run_scoped3A = tpu.sem_alloc : memref<!tpu.dma_semaphore, #tpu.memory_space<semaphore_mem>>
      %dma_start3A = arith.constant 0 : i32
      %dma_start3A_56 = tpu.memref_slice %arg10[%add3A_19, %dma_start3A] : memref<10240x128xf32, #tpu.memory_space<vmem_shared>> -> memref<128x128xf32, #tpu.memory_space<vmem_shared>>
      %dma_start3A_57 = arith.constant 0 : i32
      %dma_start3A_58 = tpu.memref_slice %arg10[%add3A_19, %dma_start3A_57] : memref<10240x128xf32, #tpu.memory_space<vmem_shared>> -> memref<128x128xf32, #tpu.memory_space<vmem_shared>>
      tpu.enqueue_dma source(%arg8 : memref<128x128xf32, #tpu.memory_space<vmem>>) target(%dma_start3A_58 : memref<128x128xf32, #tpu.memory_space<vmem_shared>>) target_semaphore(%run_scoped3A : memref<!tpu.dma_semaphore, #tpu.memory_space<semaphore_mem>>)
      %dma_wait3A = arith.constant 0 : i32
      %dma_wait3A_59 = tpu.memref_slice %arg10[%add3A_19, %dma_wait3A] : memref<10240x128xf32, #tpu.memory_space<vmem_shared>> -> memref<128x128xf32, #tpu.memory_space<vmem_shared>>
      %dma_wait3A_60 = arith.constant 0 : i32
      %dma_wait3A_61 = tpu.memref_slice %arg10[%add3A_19, %dma_wait3A_60] : memref<10240x128xf32, #tpu.memory_space<vmem_shared>> -> memref<128x128xf32, #tpu.memory_space<vmem_shared>>
      tpu.wait_dma2 semaphore(%run_scoped3A : memref<!tpu.dma_semaphore, #tpu.memory_space<semaphore_mem>>) src(%arg8 : memref<128x128xf32, #tpu.memory_space<vmem>>) dst(%dma_wait3A_61 : memref<128x128xf32, #tpu.memory_space<vmem_shared>>)
      tpu.yield
    }) : () -> ()
    %mul3A_20 = arith.constant 640 : i32
    %mul3A_21 = arith.muli %arg1, %mul3A_20 : i32
    %add3A_22 = arith.constant 384 : i32
    %add3A_23 = arith.addi %mul3A_21, %add3A_22 : i32
    "tpu.region"() ({
      %run_scoped3A = tpu.sem_alloc : memref<!tpu.dma_semaphore, #tpu.memory_space<semaphore_mem>>
      %dma_start3A = arith.constant 0 : i32
      %dma_start3A_56 = tpu.memref_slice %arg10[%add3A_23, %dma_start3A] : memref<10240x128xf32, #tpu.memory_space<vmem_shared>> -> memref<128x128xf32, #tpu.memory_space<vmem_shared>>
      %dma_start3A_57 = arith.constant 0 : i32
      %dma_start3A_58 = tpu.memref_slice %arg10[%add3A_23, %dma_start3A_57] : memref<10240x128xf32, #tpu.memory_space<vmem_shared>> -> memref<128x128xf32, #tpu.memory_space<vmem_shared>>
      tpu.enqueue_dma source(%arg8 : memref<128x128xf32, #tpu.memory_space<vmem>>) target(%dma_start3A_58 : memref<128x128xf32, #tpu.memory_space<vmem_shared>>) target_semaphore(%run_scoped3A : memref<!tpu.dma_semaphore, #tpu.memory_space<semaphore_mem>>)
      %dma_wait3A = arith.constant 0 : i32
      %dma_wait3A_59 = tpu.memref_slice %arg10[%add3A_23, %dma_wait3A] : memref<10240x128xf32, #tpu.memory_space<vmem_shared>> -> memref<128x128xf32, #tpu.memory_space<vmem_shared>>
      %dma_wait3A_60 = arith.constant 0 : i32
      %dma_wait3A_61 = tpu.memref_slice %arg10[%add3A_23, %dma_wait3A_60] : memref<10240x128xf32, #tpu.memory_space<vmem_shared>> -> memref<128x128xf32, #tpu.memory_space<vmem_shared>>
      tpu.wait_dma2 semaphore(%run_scoped3A : memref<!tpu.dma_semaphore, #tpu.memory_space<semaphore_mem>>) src(%arg8 : memref<128x128xf32, #tpu.memory_space<vmem>>) dst(%dma_wait3A_61 : memref<128x128xf32, #tpu.memory_space<vmem_shared>>)
      tpu.yield
    }) : () -> ()
    %mul3A_24 = arith.constant 640 : i32
    %mul3A_25 = arith.muli %arg1, %mul3A_24 : i32
    %add3A_26 = arith.constant 512 : i32
    %add3A_27 = arith.addi %mul3A_25, %add3A_26 : i32
    "tpu.region"() ({
      %run_scoped3A = tpu.sem_alloc : memref<!tpu.dma_semaphore, #tpu.memory_space<semaphore_mem>>
      %dma_start3A = arith.constant 0 : i32
      %dma_start3A_56 = tpu.memref_slice %arg10[%add3A_27, %dma_start3A] : memref<10240x128xf32, #tpu.memory_space<vmem_shared>> -> memref<128x128xf32, #tpu.memory_space<vmem_shared>>
      %dma_start3A_57 = arith.constant 0 : i32
      %dma_start3A_58 = tpu.memref_slice %arg10[%add3A_27, %dma_start3A_57] : memref<10240x128xf32, #tpu.memory_space<vmem_shared>> -> memref<128x128xf32, #tpu.memory_space<vmem_shared>>
      tpu.enqueue_dma source(%arg8 : memref<128x128xf32, #tpu.memory_space<vmem>>) target(%dma_start3A_58 : memref<128x128xf32, #tpu.memory_space<vmem_shared>>) target_semaphore(%run_scoped3A : memref<!tpu.dma_semaphore, #tpu.memory_space<semaphore_mem>>)
      %dma_wait3A = arith.constant 0 : i32
      %dma_wait3A_59 = tpu.memref_slice %arg10[%add3A_27, %dma_wait3A] : memref<10240x128xf32, #tpu.memory_space<vmem_shared>> -> memref<128x128xf32, #tpu.memory_space<vmem_shared>>
      %dma_wait3A_60 = arith.constant 0 : i32
      %dma_wait3A_61 = tpu.memref_slice %arg10[%add3A_27, %dma_wait3A_60] : memref<10240x128xf32, #tpu.memory_space<vmem_shared>> -> memref<128x128xf32, #tpu.memory_space<vmem_shared>>
      tpu.wait_dma2 semaphore(%run_scoped3A : memref<!tpu.dma_semaphore, #tpu.memory_space<semaphore_mem>>) src(%arg8 : memref<128x128xf32, #tpu.memory_space<vmem>>) dst(%dma_wait3A_61 : memref<128x128xf32, #tpu.memory_space<vmem_shared>>)
      tpu.yield
    }) : () -> ()
    %barrier3A = arith.constant 0 : index
    tpu.barrier barrier_id(%barrier3A)
    "tpu.region"() ({
      %run_scoped3A = tpu.sem_alloc : memref<!tpu.dma_semaphore, #tpu.memory_space<semaphore_mem>>
      %dma_start3A = arith.constant 0 : i32
      %dma_start3A_56 = arith.constant 0 : i32
      %dma_start3A_57 = tpu.memref_slice %arg3[%add3A, %dma_start3A, %dma_start3A_56] : memref<32x79x128xi32, #tpu.memory_space<hbm>> -> memref<1x79x128xi32, #tpu.memory_space<hbm>>
      %dma_start3A_58 = tpu.memref_squeeze %dma_start3A_57 : memref<1x79x128xi32, #tpu.memory_space<hbm>> -> memref<79x128xi32, #tpu.memory_space<hbm>>
      %dma_start3A_59 = arith.constant 0 : i32
      %dma_start3A_60 = arith.constant 0 : i32
      %dma_start3A_61 = tpu.memref_slice %arg3[%add3A, %dma_start3A_59, %dma_start3A_60] : memref<32x79x128xi32, #tpu.memory_space<hbm>> -> memref<1x79x128xi32, #tpu.memory_space<hbm>>
      %dma_start3A_62 = tpu.memref_squeeze %dma_start3A_61 : memref<1x79x128xi32, #tpu.memory_space<hbm>> -> memref<79x128xi32, #tpu.memory_space<hbm>>
      tpu.enqueue_dma source(%dma_start3A_62 : memref<79x128xi32, #tpu.memory_space<hbm>>) target(%arg6 : memref<79x128xi32, #tpu.memory_space<vmem>>) target_semaphore(%run_scoped3A : memref<!tpu.dma_semaphore, #tpu.memory_space<semaphore_mem>>)
      %dma_wait3A = arith.constant 0 : i32
      %dma_wait3A_63 = arith.constant 0 : i32
      %dma_wait3A_64 = tpu.memref_slice %arg3[%add3A, %dma_wait3A, %dma_wait3A_63] : memref<32x79x128xi32, #tpu.memory_space<hbm>> -> memref<1x79x128xi32, #tpu.memory_space<hbm>>
      %dma_wait3A_65 = tpu.memref_squeeze %dma_wait3A_64 : memref<1x79x128xi32, #tpu.memory_space<hbm>> -> memref<79x128xi32, #tpu.memory_space<hbm>>
      %dma_wait3A_66 = arith.constant 0 : i32
      %dma_wait3A_67 = arith.constant 0 : i32
      %dma_wait3A_68 = tpu.memref_slice %arg3[%add3A, %dma_wait3A_66, %dma_wait3A_67] : memref<32x79x128xi32, #tpu.memory_space<hbm>> -> memref<1x79x128xi32, #tpu.memory_space<hbm>>
      %dma_wait3A_69 = tpu.memref_squeeze %dma_wait3A_68 : memref<1x79x128xi32, #tpu.memory_space<hbm>> -> memref<79x128xi32, #tpu.memory_space<hbm>>
      tpu.wait_dma2 semaphore(%run_scoped3A : memref<!tpu.dma_semaphore, #tpu.memory_space<semaphore_mem>>) src(%dma_wait3A_69 : memref<79x128xi32, #tpu.memory_space<hbm>>) dst(%arg6 : memref<79x128xi32, #tpu.memory_space<vmem>>)
      tpu.yield
    }) : () -> ()
    "tpu.region"() ({
      %run_scoped3A = tpu.sem_alloc : memref<!tpu.dma_semaphore, #tpu.memory_space<semaphore_mem>>
      %dma_start3A = arith.constant 0 : i32
      %dma_start3A_56 = arith.constant 0 : i32
      %dma_start3A_57 = tpu.memref_slice %arg4[%add3A, %dma_start3A, %dma_start3A_56] : memref<32x79x128xi32, #tpu.memory_space<hbm>> -> memref<1x79x128xi32, #tpu.memory_space<hbm>>
      %dma_start3A_58 = tpu.memref_squeeze %dma_start3A_57 : memref<1x79x128xi32, #tpu.memory_space<hbm>> -> memref<79x128xi32, #tpu.memory_space<hbm>>
      %dma_start3A_59 = arith.constant 0 : i32
      %dma_start3A_60 = arith.constant 0 : i32
      %dma_start3A_61 = tpu.memref_slice %arg4[%add3A, %dma_start3A_59, %dma_start3A_60] : memref<32x79x128xi32, #tpu.memory_space<hbm>> -> memref<1x79x128xi32, #tpu.memory_space<hbm>>
      %dma_start3A_62 = tpu.memref_squeeze %dma_start3A_61 : memref<1x79x128xi32, #tpu.memory_space<hbm>> -> memref<79x128xi32, #tpu.memory_space<hbm>>
      tpu.enqueue_dma source(%dma_start3A_62 : memref<79x128xi32, #tpu.memory_space<hbm>>) target(%arg7 : memref<79x128xi32, #tpu.memory_space<vmem>>) target_semaphore(%run_scoped3A : memref<!tpu.dma_semaphore, #tpu.memory_space<semaphore_mem>>)
      %dma_wait3A = arith.constant 0 : i32
      %dma_wait3A_63 = arith.constant 0 : i32
      %dma_wait3A_64 = tpu.memref_slice %arg4[%add3A, %dma_wait3A, %dma_wait3A_63] : memref<32x79x128xi32, #tpu.memory_space<hbm>> -> memref<1x79x128xi32, #tpu.memory_space<hbm>>
      %dma_wait3A_65 = tpu.memref_squeeze %dma_wait3A_64 : memref<1x79x128xi32, #tpu.memory_space<hbm>> -> memref<79x128xi32, #tpu.memory_space<hbm>>
      %dma_wait3A_66 = arith.constant 0 : i32
      %dma_wait3A_67 = arith.constant 0 : i32
      %dma_wait3A_68 = tpu.memref_slice %arg4[%add3A, %dma_wait3A_66, %dma_wait3A_67] : memref<32x79x128xi32, #tpu.memory_space<hbm>> -> memref<1x79x128xi32, #tpu.memory_space<hbm>>
      %dma_wait3A_69 = tpu.memref_squeeze %dma_wait3A_68 : memref<1x79x128xi32, #tpu.memory_space<hbm>> -> memref<79x128xi32, #tpu.memory_space<hbm>>
      tpu.wait_dma2 semaphore(%run_scoped3A : memref<!tpu.dma_semaphore, #tpu.memory_space<semaphore_mem>>) src(%dma_wait3A_69 : memref<79x128xi32, #tpu.memory_space<hbm>>) dst(%arg7 : memref<79x128xi32, #tpu.memory_space<vmem>>)
      tpu.yield
    }) : () -> ()
    %scan3A_28 = arith.constant 0 : i32
    %scan3A_29 = arith.constant 0 : i32
    %scan3A_30 = arith.constant 79 : i32
    %scan3A_31 = arith.addi %scan3A_29, %scan3A_30 : i32
    %scan3A_32 = arith.constant 1 : i32
    %scan3A_33 = scf.for %scan3A_56 = %scan3A_29 to %scan3A_31 step %scan3A_32 iter_args(%scan3A_57 = %scan3A_28) -> (i32)  : i32 {
      %dma_start3A = arith.constant 0 : i32
      %dma_start3A_58 = tpu.memref_slice %arg6[%scan3A_56, %dma_start3A] : memref<79x128xi32, #tpu.memory_space<vmem>> -> memref<1x128xi32, #tpu.memory_space<vmem>>
      %dma_start3A_59 = tpu.memref_squeeze %dma_start3A_58 : memref<1x128xi32, #tpu.memory_space<vmem>> -> memref<128xi32, #tpu.memory_space<vmem>>
      %dma_start3A_60 = arith.constant 0 : i32
      %dma_start3A_61 = arith.constant 0 : i32
      %dma_start3A_62 = tpu.memref_slice %arg2[%dma_start3A_60, %dma_start3A_61] : memref<10000x128xf32, #tpu.memory_space<hbm>> -> memref<10000x128xf32, #tpu.memory_space<hbm>>
      tpu.enqueue_indirect_dma source(%dma_start3A_62 : memref<10000x128xf32, #tpu.memory_space<hbm>>) target(%arg8 : memref<128x128xf32, #tpu.memory_space<vmem>>) offsets(%dma_start3A_59 : memref<128xi32, #tpu.memory_space<vmem>>) semaphore(%arg9 : memref<!tpu.dma_semaphore, #tpu.memory_space<semaphore_mem>>)
      %dma_wait3A = arith.constant 0 : i32
      %dma_wait3A_63 = tpu.memref_slice %arg6[%scan3A_56, %dma_wait3A] : memref<79x128xi32, #tpu.memory_space<vmem>> -> memref<1x128xi32, #tpu.memory_space<vmem>>
      %dma_wait3A_64 = tpu.memref_squeeze %dma_wait3A_63 : memref<1x128xi32, #tpu.memory_space<vmem>> -> memref<128xi32, #tpu.memory_space<vmem>>
      %dma_wait3A_65 = arith.constant 0 : i32
      %dma_wait3A_66 = arith.constant 0 : i32
      %dma_wait3A_67 = tpu.memref_slice %arg2[%dma_wait3A_65, %dma_wait3A_66] : memref<10000x128xf32, #tpu.memory_space<hbm>> -> memref<10000x128xf32, #tpu.memory_space<hbm>>
      tpu.wait_indirect_dma semaphore(%arg9 : memref<!tpu.dma_semaphore, #tpu.memory_space<semaphore_mem>>) src(%dma_wait3A_67 : memref<10000x128xf32, #tpu.memory_space<hbm>>) dst(%arg8 : memref<128x128xf32, #tpu.memory_space<vmem>>)
      "tpu.region"() ({
        %run_scoped3A = tpu.sem_alloc : memref<!tpu.dma_semaphore, #tpu.memory_space<semaphore_mem>>
        %dma_start3A_69 = arith.constant 0 : i32
        %dma_start3A_70 = tpu.memref_slice %arg7[%scan3A_56, %dma_start3A_69] : memref<79x128xi32, #tpu.memory_space<vmem>> -> memref<1x128xi32, #tpu.memory_space<vmem>>
        %dma_start3A_71 = tpu.memref_squeeze %dma_start3A_70 : memref<1x128xi32, #tpu.memory_space<vmem>> -> memref<128xi32, #tpu.memory_space<vmem>>
        %dma_start3A_72 = arith.constant 0 : i32
        %dma_start3A_73 = arith.constant 0 : i32
        %dma_start3A_74 = tpu.memref_slice %arg10[%dma_start3A_72, %dma_start3A_73] : memref<10240x128xf32, #tpu.memory_space<vmem_shared>> -> memref<10240x128xf32, #tpu.memory_space<vmem_shared>>
        tpu.enqueue_indirect_dma source(%arg8 : memref<128x128xf32, #tpu.memory_space<vmem>>) target(%dma_start3A_74 : memref<10240x128xf32, #tpu.memory_space<vmem_shared>>) offsets(%dma_start3A_71 : memref<128xi32, #tpu.memory_space<vmem>>) semaphore(%run_scoped3A : memref<!tpu.dma_semaphore, #tpu.memory_space<semaphore_mem>>) {add = true}
        %dma_wait3A_75 = arith.constant 0 : i32
        %dma_wait3A_76 = tpu.memref_slice %arg7[%scan3A_56, %dma_wait3A_75] : memref<79x128xi32, #tpu.memory_space<vmem>> -> memref<1x128xi32, #tpu.memory_space<vmem>>
        %dma_wait3A_77 = tpu.memref_squeeze %dma_wait3A_76 : memref<1x128xi32, #tpu.memory_space<vmem>> -> memref<128xi32, #tpu.memory_space<vmem>>
        %dma_wait3A_78 = arith.constant 0 : i32
        %dma_wait3A_79 = arith.constant 0 : i32
        %dma_wait3A_80 = tpu.memref_slice %arg10[%dma_wait3A_78, %dma_wait3A_79] : memref<10240x128xf32, #tpu.memory_space<vmem_shared>> -> memref<10240x128xf32, #tpu.memory_space<vmem_shared>>
        tpu.wait_indirect_dma semaphore(%run_scoped3A : memref<!tpu.dma_semaphore, #tpu.memory_space<semaphore_mem>>) src(%arg8 : memref<128x128xf32, #tpu.memory_space<vmem>>) dst(%dma_wait3A_80 : memref<10240x128xf32, #tpu.memory_space<vmem_shared>>)
        tpu.yield
      }) : () -> ()
      %scan3A_68 = arith.constant 0 : i32
      scf.yield %scan3A_68 : i32
    }
    %scan3A_34 = arith.constant 79 : i32
    %barrier3A_35 = arith.constant 0 : index
    tpu.barrier barrier_id(%barrier3A_35)
    %mul3A_36 = arith.constant 640 : i32
    %mul3A_37 = arith.muli %arg1, %mul3A_36 : i32
    %add3A_38 = arith.constant 0 : i32
    %add3A_39 = arith.addi %mul3A_37, %add3A_38 : i32
    "tpu.region"() ({
      %run_scoped3A = tpu.sem_alloc : memref<!tpu.dma_semaphore, #tpu.memory_space<semaphore_mem>>
      %dma_start3A = arith.constant 0 : i32
      %dma_start3A_56 = tpu.memref_slice %arg10[%add3A_39, %dma_start3A] : memref<10240x128xf32, #tpu.memory_space<vmem_shared>> -> memref<128x128xf32, #tpu.memory_space<vmem_shared>>
      %dma_start3A_57 = arith.constant 0 : i32
      %dma_start3A_58 = tpu.memref_slice %arg10[%add3A_39, %dma_start3A_57] : memref<10240x128xf32, #tpu.memory_space<vmem_shared>> -> memref<128x128xf32, #tpu.memory_space<vmem_shared>>
      tpu.enqueue_dma source(%dma_start3A_58 : memref<128x128xf32, #tpu.memory_space<vmem_shared>>) target(%arg8 : memref<128x128xf32, #tpu.memory_space<vmem>>) target_semaphore(%run_scoped3A : memref<!tpu.dma_semaphore, #tpu.memory_space<semaphore_mem>>)
      %dma_wait3A = arith.constant 0 : i32
      %dma_wait3A_59 = tpu.memref_slice %arg10[%add3A_39, %dma_wait3A] : memref<10240x128xf32, #tpu.memory_space<vmem_shared>> -> memref<128x128xf32, #tpu.memory_space<vmem_shared>>
      %dma_wait3A_60 = arith.constant 0 : i32
      %dma_wait3A_61 = tpu.memref_slice %arg10[%add3A_39, %dma_wait3A_60] : memref<10240x128xf32, #tpu.memory_space<vmem_shared>> -> memref<128x128xf32, #tpu.memory_space<vmem_shared>>
      tpu.wait_dma2 semaphore(%run_scoped3A : memref<!tpu.dma_semaphore, #tpu.memory_space<semaphore_mem>>) src(%dma_wait3A_61 : memref<128x128xf32, #tpu.memory_space<vmem_shared>>) dst(%arg8 : memref<128x128xf32, #tpu.memory_space<vmem>>)
      tpu.yield
    }) : () -> ()
    "tpu.region"() ({
      %run_scoped3A = tpu.sem_alloc : memref<!tpu.dma_semaphore, #tpu.memory_space<semaphore_mem>>
      %dma_start3A = arith.constant 0 : i32
      %dma_start3A_56 = tpu.memref_slice %arg5[%arg0, %add3A_39, %dma_start3A] : memref<2x10240x128xf32, #tpu.memory_space<hbm>> -> memref<1x128x128xf32, #tpu.memory_space<hbm>>
      %dma_start3A_57 = tpu.memref_squeeze %dma_start3A_56 : memref<1x128x128xf32, #tpu.memory_space<hbm>> -> memref<128x128xf32, #tpu.memory_space<hbm>>
      %dma_start3A_58 = arith.constant 0 : i32
      %dma_start3A_59 = tpu.memref_slice %arg5[%arg0, %add3A_39, %dma_start3A_58] : memref<2x10240x128xf32, #tpu.memory_space<hbm>> -> memref<1x128x128xf32, #tpu.memory_space<hbm>>
      %dma_start3A_60 = tpu.memref_squeeze %dma_start3A_59 : memref<1x128x128xf32, #tpu.memory_space<hbm>> -> memref<128x128xf32, #tpu.memory_space<hbm>>
      tpu.enqueue_dma source(%arg8 : memref<128x128xf32, #tpu.memory_space<vmem>>) target(%dma_start3A_60 : memref<128x128xf32, #tpu.memory_space<hbm>>) target_semaphore(%run_scoped3A : memref<!tpu.dma_semaphore, #tpu.memory_space<semaphore_mem>>)
      %dma_wait3A = arith.constant 0 : i32
      %dma_wait3A_61 = tpu.memref_slice %arg5[%arg0, %add3A_39, %dma_wait3A] : memref<2x10240x128xf32, #tpu.memory_space<hbm>> -> memref<1x128x128xf32, #tpu.memory_space<hbm>>
      %dma_wait3A_62 = tpu.memref_squeeze %dma_wait3A_61 : memref<1x128x128xf32, #tpu.memory_space<hbm>> -> memref<128x128xf32, #tpu.memory_space<hbm>>
      %dma_wait3A_63 = arith.constant 0 : i32
      %dma_wait3A_64 = tpu.memref_slice %arg5[%arg0, %add3A_39, %dma_wait3A_63] : memref<2x10240x128xf32, #tpu.memory_space<hbm>> -> memref<1x128x128xf32, #tpu.memory_space<hbm>>
      %dma_wait3A_65 = tpu.memref_squeeze %dma_wait3A_64 : memref<1x128x128xf32, #tpu.memory_space<hbm>> -> memref<128x128xf32, #tpu.memory_space<hbm>>
      tpu.wait_dma2 semaphore(%run_scoped3A : memref<!tpu.dma_semaphore, #tpu.memory_space<semaphore_mem>>) src(%arg8 : memref<128x128xf32, #tpu.memory_space<vmem>>) dst(%dma_wait3A_65 : memref<128x128xf32, #tpu.memory_space<hbm>>)
      tpu.yield
    }) : () -> ()
    %mul3A_40 = arith.constant 640 : i32
    %mul3A_41 = arith.muli %arg1, %mul3A_40 : i32
    %add3A_42 = arith.constant 128 : i32
    %add3A_43 = arith.addi %mul3A_41, %add3A_42 : i32
    "tpu.region"() ({
      %run_scoped3A = tpu.sem_alloc : memref<!tpu.dma_semaphore, #tpu.memory_space<semaphore_mem>>
      %dma_start3A = arith.constant 0 : i32
      %dma_start3A_56 = tpu.memref_slice %arg10[%add3A_43, %dma_start3A] : memref<10240x128xf32, #tpu.memory_space<vmem_shared>> -> memref<128x128xf32, #tpu.memory_space<vmem_shared>>
      %dma_start3A_57 = arith.constant 0 : i32
      %dma_start3A_58 = tpu.memref_slice %arg10[%add3A_43, %dma_start3A_57] : memref<10240x128xf32, #tpu.memory_space<vmem_shared>> -> memref<128x128xf32, #tpu.memory_space<vmem_shared>>
      tpu.enqueue_dma source(%dma_start3A_58 : memref<128x128xf32, #tpu.memory_space<vmem_shared>>) target(%arg8 : memref<128x128xf32, #tpu.memory_space<vmem>>) target_semaphore(%run_scoped3A : memref<!tpu.dma_semaphore, #tpu.memory_space<semaphore_mem>>)
      %dma_wait3A = arith.constant 0 : i32
      %dma_wait3A_59 = tpu.memref_slice %arg10[%add3A_43, %dma_wait3A] : memref<10240x128xf32, #tpu.memory_space<vmem_shared>> -> memref<128x128xf32, #tpu.memory_space<vmem_shared>>
      %dma_wait3A_60 = arith.constant 0 : i32
      %dma_wait3A_61 = tpu.memref_slice %arg10[%add3A_43, %dma_wait3A_60] : memref<10240x128xf32, #tpu.memory_space<vmem_shared>> -> memref<128x128xf32, #tpu.memory_space<vmem_shared>>
      tpu.wait_dma2 semaphore(%run_scoped3A : memref<!tpu.dma_semaphore, #tpu.memory_space<semaphore_mem>>) src(%dma_wait3A_61 : memref<128x128xf32, #tpu.memory_space<vmem_shared>>) dst(%arg8 : memref<128x128xf32, #tpu.memory_space<vmem>>)
      tpu.yield
    }) : () -> ()
    "tpu.region"() ({
      %run_scoped3A = tpu.sem_alloc : memref<!tpu.dma_semaphore, #tpu.memory_space<semaphore_mem>>
      %dma_start3A = arith.constant 0 : i32
      %dma_start3A_56 = tpu.memref_slice %arg5[%arg0, %add3A_43, %dma_start3A] : memref<2x10240x128xf32, #tpu.memory_space<hbm>> -> memref<1x128x128xf32, #tpu.memory_space<hbm>>
      %dma_start3A_57 = tpu.memref_squeeze %dma_start3A_56 : memref<1x128x128xf32, #tpu.memory_space<hbm>> -> memref<128x128xf32, #tpu.memory_space<hbm>>
      %dma_start3A_58 = arith.constant 0 : i32
      %dma_start3A_59 = tpu.memref_slice %arg5[%arg0, %add3A_43, %dma_start3A_58] : memref<2x10240x128xf32, #tpu.memory_space<hbm>> -> memref<1x128x128xf32, #tpu.memory_space<hbm>>
      %dma_start3A_60 = tpu.memref_squeeze %dma_start3A_59 : memref<1x128x128xf32, #tpu.memory_space<hbm>> -> memref<128x128xf32, #tpu.memory_space<hbm>>
      tpu.enqueue_dma source(%arg8 : memref<128x128xf32, #tpu.memory_space<vmem>>) target(%dma_start3A_60 : memref<128x128xf32, #tpu.memory_space<hbm>>) target_semaphore(%run_scoped3A : memref<!tpu.dma_semaphore, #tpu.memory_space<semaphore_mem>>)
      %dma_wait3A = arith.constant 0 : i32
      %dma_wait3A_61 = tpu.memref_slice %arg5[%arg0, %add3A_43, %dma_wait3A] : memref<2x10240x128xf32, #tpu.memory_space<hbm>> -> memref<1x128x128xf32, #tpu.memory_space<hbm>>
      %dma_wait3A_62 = tpu.memref_squeeze %dma_wait3A_61 : memref<1x128x128xf32, #tpu.memory_space<hbm>> -> memref<128x128xf32, #tpu.memory_space<hbm>>
      %dma_wait3A_63 = arith.constant 0 : i32
      %dma_wait3A_64 = tpu.memref_slice %arg5[%arg0, %add3A_43, %dma_wait3A_63] : memref<2x10240x128xf32, #tpu.memory_space<hbm>> -> memref<1x128x128xf32, #tpu.memory_space<hbm>>
      %dma_wait3A_65 = tpu.memref_squeeze %dma_wait3A_64 : memref<1x128x128xf32, #tpu.memory_space<hbm>> -> memref<128x128xf32, #tpu.memory_space<hbm>>
      tpu.wait_dma2 semaphore(%run_scoped3A : memref<!tpu.dma_semaphore, #tpu.memory_space<semaphore_mem>>) src(%arg8 : memref<128x128xf32, #tpu.memory_space<vmem>>) dst(%dma_wait3A_65 : memref<128x128xf32, #tpu.memory_space<hbm>>)
      tpu.yield
    }) : () -> ()
    %mul3A_44 = arith.constant 640 : i32
    %mul3A_45 = arith.muli %arg1, %mul3A_44 : i32
    %add3A_46 = arith.constant 256 : i32
    %add3A_47 = arith.addi %mul3A_45, %add3A_46 : i32
    "tpu.region"() ({
      %run_scoped3A = tpu.sem_alloc : memref<!tpu.dma_semaphore, #tpu.memory_space<semaphore_mem>>
      %dma_start3A = arith.constant 0 : i32
      %dma_start3A_56 = tpu.memref_slice %arg10[%add3A_47, %dma_start3A] : memref<10240x128xf32, #tpu.memory_space<vmem_shared>> -> memref<128x128xf32, #tpu.memory_space<vmem_shared>>
      %dma_start3A_57 = arith.constant 0 : i32
      %dma_start3A_58 = tpu.memref_slice %arg10[%add3A_47, %dma_start3A_57] : memref<10240x128xf32, #tpu.memory_space<vmem_shared>> -> memref<128x128xf32, #tpu.memory_space<vmem_shared>>
      tpu.enqueue_dma source(%dma_start3A_58 : memref<128x128xf32, #tpu.memory_space<vmem_shared>>) target(%arg8 : memref<128x128xf32, #tpu.memory_space<vmem>>) target_semaphore(%run_scoped3A : memref<!tpu.dma_semaphore, #tpu.memory_space<semaphore_mem>>)
      %dma_wait3A = arith.constant 0 : i32
      %dma_wait3A_59 = tpu.memref_slice %arg10[%add3A_47, %dma_wait3A] : memref<10240x128xf32, #tpu.memory_space<vmem_shared>> -> memref<128x128xf32, #tpu.memory_space<vmem_shared>>
      %dma_wait3A_60 = arith.constant 0 : i32
      %dma_wait3A_61 = tpu.memref_slice %arg10[%add3A_47, %dma_wait3A_60] : memref<10240x128xf32, #tpu.memory_space<vmem_shared>> -> memref<128x128xf32, #tpu.memory_space<vmem_shared>>
      tpu.wait_dma2 semaphore(%run_scoped3A : memref<!tpu.dma_semaphore, #tpu.memory_space<semaphore_mem>>) src(%dma_wait3A_61 : memref<128x128xf32, #tpu.memory_space<vmem_shared>>) dst(%arg8 : memref<128x128xf32, #tpu.memory_space<vmem>>)
      tpu.yield
    }) : () -> ()
    "tpu.region"() ({
      %run_scoped3A = tpu.sem_alloc : memref<!tpu.dma_semaphore, #tpu.memory_space<semaphore_mem>>
      %dma_start3A = arith.constant 0 : i32
      %dma_start3A_56 = tpu.memref_slice %arg5[%arg0, %add3A_47, %dma_start3A] : memref<2x10240x128xf32, #tpu.memory_space<hbm>> -> memref<1x128x128xf32, #tpu.memory_space<hbm>>
      %dma_start3A_57 = tpu.memref_squeeze %dma_start3A_56 : memref<1x128x128xf32, #tpu.memory_space<hbm>> -> memref<128x128xf32, #tpu.memory_space<hbm>>
      %dma_start3A_58 = arith.constant 0 : i32
      %dma_start3A_59 = tpu.memref_slice %arg5[%arg0, %add3A_47, %dma_start3A_58] : memref<2x10240x128xf32, #tpu.memory_space<hbm>> -> memref<1x128x128xf32, #tpu.memory_space<hbm>>
      %dma_start3A_60 = tpu.memref_squeeze %dma_start3A_59 : memref<1x128x128xf32, #tpu.memory_space<hbm>> -> memref<128x128xf32, #tpu.memory_space<hbm>>
      tpu.enqueue_dma source(%arg8 : memref<128x128xf32, #tpu.memory_space<vmem>>) target(%dma_start3A_60 : memref<128x128xf32, #tpu.memory_space<hbm>>) target_semaphore(%run_scoped3A : memref<!tpu.dma_semaphore, #tpu.memory_space<semaphore_mem>>)
      %dma_wait3A = arith.constant 0 : i32
      %dma_wait3A_61 = tpu.memref_slice %arg5[%arg0, %add3A_47, %dma_wait3A] : memref<2x10240x128xf32, #tpu.memory_space<hbm>> -> memref<1x128x128xf32, #tpu.memory_space<hbm>>
      %dma_wait3A_62 = tpu.memref_squeeze %dma_wait3A_61 : memref<1x128x128xf32, #tpu.memory_space<hbm>> -> memref<128x128xf32, #tpu.memory_space<hbm>>
      %dma_wait3A_63 = arith.constant 0 : i32
      %dma_wait3A_64 = tpu.memref_slice %arg5[%arg0, %add3A_47, %dma_wait3A_63] : memref<2x10240x128xf32, #tpu.memory_space<hbm>> -> memref<1x128x128xf32, #tpu.memory_space<hbm>>
      %dma_wait3A_65 = tpu.memref_squeeze %dma_wait3A_64 : memref<1x128x128xf32, #tpu.memory_space<hbm>> -> memref<128x128xf32, #tpu.memory_space<hbm>>
      tpu.wait_dma2 semaphore(%run_scoped3A : memref<!tpu.dma_semaphore, #tpu.memory_space<semaphore_mem>>) src(%arg8 : memref<128x128xf32, #tpu.memory_space<vmem>>) dst(%dma_wait3A_65 : memref<128x128xf32, #tpu.memory_space<hbm>>)
      tpu.yield
    }) : () -> ()
    %mul3A_48 = arith.constant 640 : i32
    %mul3A_49 = arith.muli %arg1, %mul3A_48 : i32
    %add3A_50 = arith.constant 384 : i32
    %add3A_51 = arith.addi %mul3A_49, %add3A_50 : i32
    "tpu.region"() ({
      %run_scoped3A = tpu.sem_alloc : memref<!tpu.dma_semaphore, #tpu.memory_space<semaphore_mem>>
      %dma_start3A = arith.constant 0 : i32
      %dma_start3A_56 = tpu.memref_slice %arg10[%add3A_51, %dma_start3A] : memref<10240x128xf32, #tpu.memory_space<vmem_shared>> -> memref<128x128xf32, #tpu.memory_space<vmem_shared>>
      %dma_start3A_57 = arith.constant 0 : i32
      %dma_start3A_58 = tpu.memref_slice %arg10[%add3A_51, %dma_start3A_57] : memref<10240x128xf32, #tpu.memory_space<vmem_shared>> -> memref<128x128xf32, #tpu.memory_space<vmem_shared>>
      tpu.enqueue_dma source(%dma_start3A_58 : memref<128x128xf32, #tpu.memory_space<vmem_shared>>) target(%arg8 : memref<128x128xf32, #tpu.memory_space<vmem>>) target_semaphore(%run_scoped3A : memref<!tpu.dma_semaphore, #tpu.memory_space<semaphore_mem>>)
      %dma_wait3A = arith.constant 0 : i32
      %dma_wait3A_59 = tpu.memref_slice %arg10[%add3A_51, %dma_wait3A] : memref<10240x128xf32, #tpu.memory_space<vmem_shared>> -> memref<128x128xf32, #tpu.memory_space<vmem_shared>>
      %dma_wait3A_60 = arith.constant 0 : i32
      %dma_wait3A_61 = tpu.memref_slice %arg10[%add3A_51, %dma_wait3A_60] : memref<10240x128xf32, #tpu.memory_space<vmem_shared>> -> memref<128x128xf32, #tpu.memory_space<vmem_shared>>
      tpu.wait_dma2 semaphore(%run_scoped3A : memref<!tpu.dma_semaphore, #tpu.memory_space<semaphore_mem>>) src(%dma_wait3A_61 : memref<128x128xf32, #tpu.memory_space<vmem_shared>>) dst(%arg8 : memref<128x128xf32, #tpu.memory_space<vmem>>)
      tpu.yield
    }) : () -> ()
    "tpu.region"() ({
      %run_scoped3A = tpu.sem_alloc : memref<!tpu.dma_semaphore, #tpu.memory_space<semaphore_mem>>
      %dma_start3A = arith.constant 0 : i32
      %dma_start3A_56 = tpu.memref_slice %arg5[%arg0, %add3A_51, %dma_start3A] : memref<2x10240x128xf32, #tpu.memory_space<hbm>> -> memref<1x128x128xf32, #tpu.memory_space<hbm>>
      %dma_start3A_57 = tpu.memref_squeeze %dma_start3A_56 : memref<1x128x128xf32, #tpu.memory_space<hbm>> -> memref<128x128xf32, #tpu.memory_space<hbm>>
      %dma_start3A_58 = arith.constant 0 : i32
      %dma_start3A_59 = tpu.memref_slice %arg5[%arg0, %add3A_51, %dma_start3A_58] : memref<2x10240x128xf32, #tpu.memory_space<hbm>> -> memref<1x128x128xf32, #tpu.memory_space<hbm>>
      %dma_start3A_60 = tpu.memref_squeeze %dma_start3A_59 : memref<1x128x128xf32, #tpu.memory_space<hbm>> -> memref<128x128xf32, #tpu.memory_space<hbm>>
      tpu.enqueue_dma source(%arg8 : memref<128x128xf32, #tpu.memory_space<vmem>>) target(%dma_start3A_60 : memref<128x128xf32, #tpu.memory_space<hbm>>) target_semaphore(%run_scoped3A : memref<!tpu.dma_semaphore, #tpu.memory_space<semaphore_mem>>)
      %dma_wait3A = arith.constant 0 : i32
      %dma_wait3A_61 = tpu.memref_slice %arg5[%arg0, %add3A_51, %dma_wait3A] : memref<2x10240x128xf32, #tpu.memory_space<hbm>> -> memref<1x128x128xf32, #tpu.memory_space<hbm>>
      %dma_wait3A_62 = tpu.memref_squeeze %dma_wait3A_61 : memref<1x128x128xf32, #tpu.memory_space<hbm>> -> memref<128x128xf32, #tpu.memory_space<hbm>>
      %dma_wait3A_63 = arith.constant 0 : i32
      %dma_wait3A_64 = tpu.memref_slice %arg5[%arg0, %add3A_51, %dma_wait3A_63] : memref<2x10240x128xf32, #tpu.memory_space<hbm>> -> memref<1x128x128xf32, #tpu.memory_space<hbm>>
      %dma_wait3A_65 = tpu.memref_squeeze %dma_wait3A_64 : memref<1x128x128xf32, #tpu.memory_space<hbm>> -> memref<128x128xf32, #tpu.memory_space<hbm>>
      tpu.wait_dma2 semaphore(%run_scoped3A : memref<!tpu.dma_semaphore, #tpu.memory_space<semaphore_mem>>) src(%arg8 : memref<128x128xf32, #tpu.memory_space<vmem>>) dst(%dma_wait3A_65 : memref<128x128xf32, #tpu.memory_space<hbm>>)
      tpu.yield
    }) : () -> ()
    %mul3A_52 = arith.constant 640 : i32
    %mul3A_53 = arith.muli %arg1, %mul3A_52 : i32
    %add3A_54 = arith.constant 512 : i32
    %add3A_55 = arith.addi %mul3A_53, %add3A_54 : i32
    "tpu.region"() ({
      %run_scoped3A = tpu.sem_alloc : memref<!tpu.dma_semaphore, #tpu.memory_space<semaphore_mem>>
      %dma_start3A = arith.constant 0 : i32
      %dma_start3A_56 = tpu.memref_slice %arg10[%add3A_55, %dma_start3A] : memref<10240x128xf32, #tpu.memory_space<vmem_shared>> -> memref<128x128xf32, #tpu.memory_space<vmem_shared>>
      %dma_start3A_57 = arith.constant 0 : i32
      %dma_start3A_58 = tpu.memref_slice %arg10[%add3A_55, %dma_start3A_57] : memref<10240x128xf32, #tpu.memory_space<vmem_shared>> -> memref<128x128xf32, #tpu.memory_space<vmem_shared>>
      tpu.enqueue_dma source(%dma_start3A_58 : memref<128x128xf32, #tpu.memory_space<vmem_shared>>) target(%arg8 : memref<128x128xf32, #tpu.memory_space<vmem>>) target_semaphore(%run_scoped3A : memref<!tpu.dma_semaphore, #tpu.memory_space<semaphore_mem>>)
      %dma_wait3A = arith.constant 0 : i32
      %dma_wait3A_59 = tpu.memref_slice %arg10[%add3A_55, %dma_wait3A] : memref<10240x128xf32, #tpu.memory_space<vmem_shared>> -> memref<128x128xf32, #tpu.memory_space<vmem_shared>>
      %dma_wait3A_60 = arith.constant 0 : i32
      %dma_wait3A_61 = tpu.memref_slice %arg10[%add3A_55, %dma_wait3A_60] : memref<10240x128xf32, #tpu.memory_space<vmem_shared>> -> memref<128x128xf32, #tpu.memory_space<vmem_shared>>
      tpu.wait_dma2 semaphore(%run_scoped3A : memref<!tpu.dma_semaphore, #tpu.memory_space<semaphore_mem>>) src(%dma_wait3A_61 : memref<128x128xf32, #tpu.memory_space<vmem_shared>>) dst(%arg8 : memref<128x128xf32, #tpu.memory_space<vmem>>)
      tpu.yield
    }) : () -> ()
    "tpu.region"() ({
      %run_scoped3A = tpu.sem_alloc : memref<!tpu.dma_semaphore, #tpu.memory_space<semaphore_mem>>
      %dma_start3A = arith.constant 0 : i32
      %dma_start3A_56 = tpu.memref_slice %arg5[%arg0, %add3A_55, %dma_start3A] : memref<2x10240x128xf32, #tpu.memory_space<hbm>> -> memref<1x128x128xf32, #tpu.memory_space<hbm>>
      %dma_start3A_57 = tpu.memref_squeeze %dma_start3A_56 : memref<1x128x128xf32, #tpu.memory_space<hbm>> -> memref<128x128xf32, #tpu.memory_space<hbm>>
      %dma_start3A_58 = arith.constant 0 : i32
      %dma_start3A_59 = tpu.memref_slice %arg5[%arg0, %add3A_55, %dma_start3A_58] : memref<2x10240x128xf32, #tpu.memory_space<hbm>> -> memref<1x128x128xf32, #tpu.memory_space<hbm>>
      %dma_start3A_60 = tpu.memref_squeeze %dma_start3A_59 : memref<1x128x128xf32, #tpu.memory_space<hbm>> -> memref<128x128xf32, #tpu.memory_space<hbm>>
      tpu.enqueue_dma source(%arg8 : memref<128x128xf32, #tpu.memory_space<vmem>>) target(%dma_start3A_60 : memref<128x128xf32, #tpu.memory_space<hbm>>) target_semaphore(%run_scoped3A : memref<!tpu.dma_semaphore, #tpu.memory_space<semaphore_mem>>)
      %dma_wait3A = arith.constant 0 : i32
      %dma_wait3A_61 = tpu.memref_slice %arg5[%arg0, %add3A_55, %dma_wait3A] : memref<2x10240x128xf32, #tpu.memory_space<hbm>> -> memref<1x128x128xf32, #tpu.memory_space<hbm>>
      %dma_wait3A_62 = tpu.memref_squeeze %dma_wait3A_61 : memref<1x128x128xf32, #tpu.memory_space<hbm>> -> memref<128x128xf32, #tpu.memory_space<hbm>>
      %dma_wait3A_63 = arith.constant 0 : i32
      %dma_wait3A_64 = tpu.memref_slice %arg5[%arg0, %add3A_55, %dma_wait3A_63] : memref<2x10240x128xf32, #tpu.memory_space<hbm>> -> memref<1x128x128xf32, #tpu.memory_space<hbm>>
      %dma_wait3A_65 = tpu.memref_squeeze %dma_wait3A_64 : memref<1x128x128xf32, #tpu.memory_space<hbm>> -> memref<128x128xf32, #tpu.memory_space<hbm>>
      tpu.wait_dma2 semaphore(%run_scoped3A : memref<!tpu.dma_semaphore, #tpu.memory_space<semaphore_mem>>) src(%arg8 : memref<128x128xf32, #tpu.memory_space<vmem>>) dst(%dma_wait3A_65 : memref<128x128xf32, #tpu.memory_space<hbm>>)
      tpu.yield
    }) : () -> ()
    return
  }
}

#map = affine_map<(d0, d1) -> (0)>
#map1 = affine_map<(d0, d1) -> (0, 0, 0)>
#map2 = affine_map<(d0, d1) -> (0, 0)>
module attributes {stable_mosaic.version = 14 : i64} {
  func.func @_sc_scal_body(%arg0: i32, %arg1: i32, %arg2: memref<10000xf32, #tpu.memory_space<hbm>>, %arg3: memref<32x79x128xi32, #tpu.memory_space<hbm>>, %arg4: memref<32x79x128xi32, #tpu.memory_space<hbm>>, %arg5: memref<32x10240xf32, #tpu.memory_space<hbm>>, %arg6: memref<79x128xi32, #tpu.memory_space<vmem>>, %arg7: memref<79x128xi32, #tpu.memory_space<vmem>>, %arg8: memref<10000xf32, #tpu.memory_space<vmem>>, %arg9: memref<10240xf32, #tpu.memory_space<vmem>>) attributes {dimension_semantics = [#tpu.dimension_semantics<core_parallel>, #tpu.dimension_semantics<subcore_parallel>], iteration_bounds = array<i64: 2, 16>, scalar_prefetch = 0 : i64, scratch_operands = 4 : i64, tpu.core_type = #tpu.core_type<sc_vector_subcore>, window_params = [{transform_indices = #map}, {transform_indices = #map1}, {transform_indices = #map1}, {transform_indices = #map2}]} {
    %mul3A = arith.constant 2 : i32
    %mul3A_0 = arith.muli %arg1, %mul3A : i32
    %add3A = arith.addi %mul3A_0, %arg0 : i32
    %broadcast_in_dim3A = arith.constant 0.000000e+00 : f32
    %broadcast_in_dim3A_1 = vector.broadcast %broadcast_in_dim3A : f32 to vector<16xf32>
    %scan3A = arith.constant 0 : i32
    %scan3A_2 = arith.constant 0 : i32
    %scan3A_3 = arith.constant 640 : i32
    %scan3A_4 = arith.addi %scan3A_2, %scan3A_3 : i32
    %scan3A_5 = arith.constant 1 : i32
    %scan3A_6 = scf.for %scan3A_15 = %scan3A_2 to %scan3A_4 step %scan3A_5 iter_args(%scan3A_16 = %scan3A) -> (i32)  : i32 {
      %mul3A_17 = arith.constant 16 : i32
      %mul3A_18 = arith.muli %scan3A_15, %mul3A_17 : i32
      %swap3A = arith.index_cast %mul3A_18 : i32 to index
      %swap3A_19 = tpu.vector_load %arg9[%swap3A] {strides = array<i32>} : memref<10240xf32, #tpu.memory_space<vmem>>, vector<16xf32>,
      tpu.vector_store %arg9[%swap3A], %broadcast_in_dim3A_1 {strides = array<i32>} : memref<10240xf32, #tpu.memory_space<vmem>>, vector<16xf32>,
      %scan3A_20 = arith.constant 0 : i32
      scf.yield %scan3A_20 : i32
    }
    %scan3A_7 = arith.constant 640 : i32
    "tpu.region"() ({
      %run_scoped3A = tpu.sem_alloc : memref<!tpu.dma_semaphore, #tpu.memory_space<semaphore_mem>>
      %dma_start3A = arith.constant 0 : i32
      %dma_start3A_15 = arith.constant 0 : i32
      %dma_start3A_16 = tpu.memref_slice %arg3[%add3A, %dma_start3A, %dma_start3A_15] : memref<32x79x128xi32, #tpu.memory_space<hbm>> -> memref<1x79x128xi32, #tpu.memory_space<hbm>>
      %dma_start3A_17 = tpu.memref_squeeze %dma_start3A_16 : memref<1x79x128xi32, #tpu.memory_space<hbm>> -> memref<79x128xi32, #tpu.memory_space<hbm>>
      %dma_start3A_18 = arith.constant 0 : i32
      %dma_start3A_19 = arith.constant 0 : i32
      %dma_start3A_20 = tpu.memref_slice %arg3[%add3A, %dma_start3A_18, %dma_start3A_19] : memref<32x79x128xi32, #tpu.memory_space<hbm>> -> memref<1x79x128xi32, #tpu.memory_space<hbm>>
      %dma_start3A_21 = tpu.memref_squeeze %dma_start3A_20 : memref<1x79x128xi32, #tpu.memory_space<hbm>> -> memref<79x128xi32, #tpu.memory_space<hbm>>
      tpu.enqueue_dma source(%dma_start3A_21 : memref<79x128xi32, #tpu.memory_space<hbm>>) target(%arg6 : memref<79x128xi32, #tpu.memory_space<vmem>>) target_semaphore(%run_scoped3A : memref<!tpu.dma_semaphore, #tpu.memory_space<semaphore_mem>>)
      %dma_wait3A = arith.constant 0 : i32
      %dma_wait3A_22 = arith.constant 0 : i32
      %dma_wait3A_23 = tpu.memref_slice %arg3[%add3A, %dma_wait3A, %dma_wait3A_22] : memref<32x79x128xi32, #tpu.memory_space<hbm>> -> memref<1x79x128xi32, #tpu.memory_space<hbm>>
      %dma_wait3A_24 = tpu.memref_squeeze %dma_wait3A_23 : memref<1x79x128xi32, #tpu.memory_space<hbm>> -> memref<79x128xi32, #tpu.memory_space<hbm>>
      %dma_wait3A_25 = arith.constant 0 : i32
      %dma_wait3A_26 = arith.constant 0 : i32
      %dma_wait3A_27 = tpu.memref_slice %arg3[%add3A, %dma_wait3A_25, %dma_wait3A_26] : memref<32x79x128xi32, #tpu.memory_space<hbm>> -> memref<1x79x128xi32, #tpu.memory_space<hbm>>
      %dma_wait3A_28 = tpu.memref_squeeze %dma_wait3A_27 : memref<1x79x128xi32, #tpu.memory_space<hbm>> -> memref<79x128xi32, #tpu.memory_space<hbm>>
      tpu.wait_dma2 semaphore(%run_scoped3A : memref<!tpu.dma_semaphore, #tpu.memory_space<semaphore_mem>>) src(%dma_wait3A_28 : memref<79x128xi32, #tpu.memory_space<hbm>>) dst(%arg6 : memref<79x128xi32, #tpu.memory_space<vmem>>)
      tpu.yield
    }) : () -> ()
    "tpu.region"() ({
      %run_scoped3A = tpu.sem_alloc : memref<!tpu.dma_semaphore, #tpu.memory_space<semaphore_mem>>
      %dma_start3A = arith.constant 0 : i32
      %dma_start3A_15 = arith.constant 0 : i32
      %dma_start3A_16 = tpu.memref_slice %arg4[%add3A, %dma_start3A, %dma_start3A_15] : memref<32x79x128xi32, #tpu.memory_space<hbm>> -> memref<1x79x128xi32, #tpu.memory_space<hbm>>
      %dma_start3A_17 = tpu.memref_squeeze %dma_start3A_16 : memref<1x79x128xi32, #tpu.memory_space<hbm>> -> memref<79x128xi32, #tpu.memory_space<hbm>>
      %dma_start3A_18 = arith.constant 0 : i32
      %dma_start3A_19 = arith.constant 0 : i32
      %dma_start3A_20 = tpu.memref_slice %arg4[%add3A, %dma_start3A_18, %dma_start3A_19] : memref<32x79x128xi32, #tpu.memory_space<hbm>> -> memref<1x79x128xi32, #tpu.memory_space<hbm>>
      %dma_start3A_21 = tpu.memref_squeeze %dma_start3A_20 : memref<1x79x128xi32, #tpu.memory_space<hbm>> -> memref<79x128xi32, #tpu.memory_space<hbm>>
      tpu.enqueue_dma source(%dma_start3A_21 : memref<79x128xi32, #tpu.memory_space<hbm>>) target(%arg7 : memref<79x128xi32, #tpu.memory_space<vmem>>) target_semaphore(%run_scoped3A : memref<!tpu.dma_semaphore, #tpu.memory_space<semaphore_mem>>)
      %dma_wait3A = arith.constant 0 : i32
      %dma_wait3A_22 = arith.constant 0 : i32
      %dma_wait3A_23 = tpu.memref_slice %arg4[%add3A, %dma_wait3A, %dma_wait3A_22] : memref<32x79x128xi32, #tpu.memory_space<hbm>> -> memref<1x79x128xi32, #tpu.memory_space<hbm>>
      %dma_wait3A_24 = tpu.memref_squeeze %dma_wait3A_23 : memref<1x79x128xi32, #tpu.memory_space<hbm>> -> memref<79x128xi32, #tpu.memory_space<hbm>>
      %dma_wait3A_25 = arith.constant 0 : i32
      %dma_wait3A_26 = arith.constant 0 : i32
      %dma_wait3A_27 = tpu.memref_slice %arg4[%add3A, %dma_wait3A_25, %dma_wait3A_26] : memref<32x79x128xi32, #tpu.memory_space<hbm>> -> memref<1x79x128xi32, #tpu.memory_space<hbm>>
      %dma_wait3A_28 = tpu.memref_squeeze %dma_wait3A_27 : memref<1x79x128xi32, #tpu.memory_space<hbm>> -> memref<79x128xi32, #tpu.memory_space<hbm>>
      tpu.wait_dma2 semaphore(%run_scoped3A : memref<!tpu.dma_semaphore, #tpu.memory_space<semaphore_mem>>) src(%dma_wait3A_28 : memref<79x128xi32, #tpu.memory_space<hbm>>) dst(%arg7 : memref<79x128xi32, #tpu.memory_space<vmem>>)
      tpu.yield
    }) : () -> ()
    "tpu.region"() ({
      %run_scoped3A = tpu.sem_alloc : memref<!tpu.dma_semaphore, #tpu.memory_space<semaphore_mem>>
      tpu.enqueue_dma source(%arg2 : memref<10000xf32, #tpu.memory_space<hbm>>) target(%arg8 : memref<10000xf32, #tpu.memory_space<vmem>>) target_semaphore(%run_scoped3A : memref<!tpu.dma_semaphore, #tpu.memory_space<semaphore_mem>>)
      tpu.wait_dma2 semaphore(%run_scoped3A : memref<!tpu.dma_semaphore, #tpu.memory_space<semaphore_mem>>) src(%arg2 : memref<10000xf32, #tpu.memory_space<hbm>>) dst(%arg8 : memref<10000xf32, #tpu.memory_space<vmem>>)
      tpu.yield
    }) : () -> ()
    %scan3A_8 = arith.constant 0 : i32
    %scan3A_9 = arith.constant 0 : i32
    %scan3A_10 = arith.constant 79 : i32
    %scan3A_11 = arith.addi %scan3A_9, %scan3A_10 : i32
    %scan3A_12 = arith.constant 1 : i32
    %scan3A_13 = scf.for %scan3A_15 = %scan3A_9 to %scan3A_11 step %scan3A_12 iter_args(%scan3A_16 = %scan3A_8) -> (i32)  : i32 {
      %get3A = arith.index_cast %scan3A_15 : i32 to index
      %get3A_17 = arith.constant 0 : index
      %get3A_18 = tpu.vector_load %arg6[%get3A, %get3A_17] {strides = array<i32>} : memref<79x128xi32, #tpu.memory_space<vmem>>, vector<16xi32>,
      %get3A_19 = arith.index_cast %scan3A_15 : i32 to index
      %get3A_20 = arith.constant 0 : index
      %get3A_21 = tpu.vector_load %arg7[%get3A_19, %get3A_20] {strides = array<i32>} : memref<79x128xi32, #tpu.memory_space<vmem>>, vector<16xi32>,
      %gather3A = tpu.vector_load_idx %arg8[%get3A_18] : memref<10000xf32, #tpu.memory_space<vmem>>[vector<16xi32>], vector<16xf32>,
      tpu.vector_store_idx %arg9[%get3A_21], %gather3A {add = true} : memref<10240xf32, #tpu.memory_space<vmem>>[vector<16xi32>], vector<16xf32>,
      %get3A_22 = arith.index_cast %scan3A_15 : i32 to index
      %get3A_23 = arith.constant 16 : index
      %get3A_24 = tpu.vector_load %arg6[%get3A_22, %get3A_23] {strides = array<i32>} : memref<79x128xi32, #tpu.memory_space<vmem>>, vector<16xi32>,
      %get3A_25 = arith.index_cast %scan3A_15 : i32 to index
      %get3A_26 = arith.constant 16 : index
      %get3A_27 = tpu.vector_load %arg7[%get3A_25, %get3A_26] {strides = array<i32>} : memref<79x128xi32, #tpu.memory_space<vmem>>, vector<16xi32>,
      %gather3A_28 = tpu.vector_load_idx %arg8[%get3A_24] : memref<10000xf32, #tpu.memory_space<vmem>>[vector<16xi32>], vector<16xf32>,
      tpu.vector_store_idx %arg9[%get3A_27], %gather3A_28 {add = true} : memref<10240xf32, #tpu.memory_space<vmem>>[vector<16xi32>], vector<16xf32>,
      %get3A_29 = arith.index_cast %scan3A_15 : i32 to index
      %get3A_30 = arith.constant 32 : index
      %get3A_31 = tpu.vector_load %arg6[%get3A_29, %get3A_30] {strides = array<i32>} : memref<79x128xi32, #tpu.memory_space<vmem>>, vector<16xi32>,
      %get3A_32 = arith.index_cast %scan3A_15 : i32 to index
      %get3A_33 = arith.constant 32 : index
      %get3A_34 = tpu.vector_load %arg7[%get3A_32, %get3A_33] {strides = array<i32>} : memref<79x128xi32, #tpu.memory_space<vmem>>, vector<16xi32>,
      %gather3A_35 = tpu.vector_load_idx %arg8[%get3A_31] : memref<10000xf32, #tpu.memory_space<vmem>>[vector<16xi32>], vector<16xf32>,
      tpu.vector_store_idx %arg9[%get3A_34], %gather3A_35 {add = true} : memref<10240xf32, #tpu.memory_space<vmem>>[vector<16xi32>], vector<16xf32>,
      %get3A_36 = arith.index_cast %scan3A_15 : i32 to index
      %get3A_37 = arith.constant 48 : index
      %get3A_38 = tpu.vector_load %arg6[%get3A_36, %get3A_37] {strides = array<i32>} : memref<79x128xi32, #tpu.memory_space<vmem>>, vector<16xi32>,
      %get3A_39 = arith.index_cast %scan3A_15 : i32 to index
      %get3A_40 = arith.constant 48 : index
      %get3A_41 = tpu.vector_load %arg7[%get3A_39, %get3A_40] {strides = array<i32>} : memref<79x128xi32, #tpu.memory_space<vmem>>, vector<16xi32>,
      %gather3A_42 = tpu.vector_load_idx %arg8[%get3A_38] : memref<10000xf32, #tpu.memory_space<vmem>>[vector<16xi32>], vector<16xf32>,
      tpu.vector_store_idx %arg9[%get3A_41], %gather3A_42 {add = true} : memref<10240xf32, #tpu.memory_space<vmem>>[vector<16xi32>], vector<16xf32>,
      %get3A_43 = arith.index_cast %scan3A_15 : i32 to index
      %get3A_44 = arith.constant 64 : index
      %get3A_45 = tpu.vector_load %arg6[%get3A_43, %get3A_44] {strides = array<i32>} : memref<79x128xi32, #tpu.memory_space<vmem>>, vector<16xi32>,
      %get3A_46 = arith.index_cast %scan3A_15 : i32 to index
      %get3A_47 = arith.constant 64 : index
      %get3A_48 = tpu.vector_load %arg7[%get3A_46, %get3A_47] {strides = array<i32>} : memref<79x128xi32, #tpu.memory_space<vmem>>, vector<16xi32>,
      %gather3A_49 = tpu.vector_load_idx %arg8[%get3A_45] : memref<10000xf32, #tpu.memory_space<vmem>>[vector<16xi32>], vector<16xf32>,
      tpu.vector_store_idx %arg9[%get3A_48], %gather3A_49 {add = true} : memref<10240xf32, #tpu.memory_space<vmem>>[vector<16xi32>], vector<16xf32>,
      %get3A_50 = arith.index_cast %scan3A_15 : i32 to index
      %get3A_51 = arith.constant 80 : index
      %get3A_52 = tpu.vector_load %arg6[%get3A_50, %get3A_51] {strides = array<i32>} : memref<79x128xi32, #tpu.memory_space<vmem>>, vector<16xi32>,
      %get3A_53 = arith.index_cast %scan3A_15 : i32 to index
      %get3A_54 = arith.constant 80 : index
      %get3A_55 = tpu.vector_load %arg7[%get3A_53, %get3A_54] {strides = array<i32>} : memref<79x128xi32, #tpu.memory_space<vmem>>, vector<16xi32>,
      %gather3A_56 = tpu.vector_load_idx %arg8[%get3A_52] : memref<10000xf32, #tpu.memory_space<vmem>>[vector<16xi32>], vector<16xf32>,
      tpu.vector_store_idx %arg9[%get3A_55], %gather3A_56 {add = true} : memref<10240xf32, #tpu.memory_space<vmem>>[vector<16xi32>], vector<16xf32>,
      %get3A_57 = arith.index_cast %scan3A_15 : i32 to index
      %get3A_58 = arith.constant 96 : index
      %get3A_59 = tpu.vector_load %arg6[%get3A_57, %get3A_58] {strides = array<i32>} : memref<79x128xi32, #tpu.memory_space<vmem>>, vector<16xi32>,
      %get3A_60 = arith.index_cast %scan3A_15 : i32 to index
      %get3A_61 = arith.constant 96 : index
      %get3A_62 = tpu.vector_load %arg7[%get3A_60, %get3A_61] {strides = array<i32>} : memref<79x128xi32, #tpu.memory_space<vmem>>, vector<16xi32>,
      %gather3A_63 = tpu.vector_load_idx %arg8[%get3A_59] : memref<10000xf32, #tpu.memory_space<vmem>>[vector<16xi32>], vector<16xf32>,
      tpu.vector_store_idx %arg9[%get3A_62], %gather3A_63 {add = true} : memref<10240xf32, #tpu.memory_space<vmem>>[vector<16xi32>], vector<16xf32>,
      %get3A_64 = arith.index_cast %scan3A_15 : i32 to index
      %get3A_65 = arith.constant 112 : index
      %get3A_66 = tpu.vector_load %arg6[%get3A_64, %get3A_65] {strides = array<i32>} : memref<79x128xi32, #tpu.memory_space<vmem>>, vector<16xi32>,
      %get3A_67 = arith.index_cast %scan3A_15 : i32 to index
      %get3A_68 = arith.constant 112 : index
      %get3A_69 = tpu.vector_load %arg7[%get3A_67, %get3A_68] {strides = array<i32>} : memref<79x128xi32, #tpu.memory_space<vmem>>, vector<16xi32>,
      %gather3A_70 = tpu.vector_load_idx %arg8[%get3A_66] : memref<10000xf32, #tpu.memory_space<vmem>>[vector<16xi32>], vector<16xf32>,
      tpu.vector_store_idx %arg9[%get3A_69], %gather3A_70 {add = true} : memref<10240xf32, #tpu.memory_space<vmem>>[vector<16xi32>], vector<16xf32>,
      %scan3A_71 = arith.constant 0 : i32
      scf.yield %scan3A_71 : i32
    }
    %scan3A_14 = arith.constant 79 : i32
    "tpu.region"() ({
      %run_scoped3A = tpu.sem_alloc : memref<!tpu.dma_semaphore, #tpu.memory_space<semaphore_mem>>
      %dma_start3A = arith.constant 0 : i32
      %dma_start3A_15 = tpu.memref_slice %arg5[%add3A, %dma_start3A] : memref<32x10240xf32, #tpu.memory_space<hbm>> -> memref<1x10240xf32, #tpu.memory_space<hbm>>
      %dma_start3A_16 = tpu.memref_squeeze %dma_start3A_15 : memref<1x10240xf32, #tpu.memory_space<hbm>> -> memref<10240xf32, #tpu.memory_space<hbm>>
      %dma_start3A_17 = arith.constant 0 : i32
      %dma_start3A_18 = tpu.memref_slice %arg5[%add3A, %dma_start3A_17] : memref<32x10240xf32, #tpu.memory_space<hbm>> -> memref<1x10240xf32, #tpu.memory_space<hbm>>
      %dma_start3A_19 = tpu.memref_squeeze %dma_start3A_18 : memref<1x10240xf32, #tpu.memory_space<hbm>> -> memref<10240xf32, #tpu.memory_space<hbm>>
      tpu.enqueue_dma source(%arg9 : memref<10240xf32, #tpu.memory_space<vmem>>) target(%dma_start3A_19 : memref<10240xf32, #tpu.memory_space<hbm>>) target_semaphore(%run_scoped3A : memref<!tpu.dma_semaphore, #tpu.memory_space<semaphore_mem>>)
      %dma_wait3A = arith.constant 0 : i32
      %dma_wait3A_20 = tpu.memref_slice %arg5[%add3A, %dma_wait3A] : memref<32x10240xf32, #tpu.memory_space<hbm>> -> memref<1x10240xf32, #tpu.memory_space<hbm>>
      %dma_wait3A_21 = tpu.memref_squeeze %dma_wait3A_20 : memref<1x10240xf32, #tpu.memory_space<hbm>> -> memref<10240xf32, #tpu.memory_space<hbm>>
      %dma_wait3A_22 = arith.constant 0 : i32
      %dma_wait3A_23 = tpu.memref_slice %arg5[%add3A, %dma_wait3A_22] : memref<32x10240xf32, #tpu.memory_space<hbm>> -> memref<1x10240xf32, #tpu.memory_space<hbm>>
      %dma_wait3A_24 = tpu.memref_squeeze %dma_wait3A_23 : memref<1x10240xf32, #tpu.memory_space<hbm>> -> memref<10240xf32, #tpu.memory_space<hbm>>
      tpu.wait_dma2 semaphore(%run_scoped3A : memref<!tpu.dma_semaphore, #tpu.memory_space<semaphore_mem>>) src(%arg9 : memref<10240xf32, #tpu.memory_space<vmem>>) dst(%dma_wait3A_24 : memref<10240xf32, #tpu.memory_space<hbm>>)
      tpu.yield
    }) : () -> ()
    return
  }
}

#map = affine_map<(d0, d1) -> (0)>
#map1 = affine_map<(d0, d1) -> (0, 0, 0)>
#map2 = affine_map<(d0, d1) -> (0, 0)>
module attributes {stable_mosaic.version = 14 : i64} {
  func.func @_sc_scal_body(%arg0: i32, %arg1: i32, %arg2: memref<10000xf32, #tpu.memory_space<hbm>>, %arg3: memref<32x79x128xi32, #tpu.memory_space<hbm>>, %arg4: memref<32x79x128xi32, #tpu.memory_space<hbm>>, %arg5: memref<32x10240xf32, #tpu.memory_space<hbm>>, %arg6: memref<79x128xi32, #tpu.memory_space<vmem>>, %arg7: memref<79x128xi32, #tpu.memory_space<vmem>>, %arg8: memref<10000xf32, #tpu.memory_space<vmem>>, %arg9: memref<10240xf32, #tpu.memory_space<vmem>>) attributes {dimension_semantics = [#tpu.dimension_semantics<core_parallel>, #tpu.dimension_semantics<subcore_parallel>], iteration_bounds = array<i64: 2, 16>, scalar_prefetch = 0 : i64, scratch_operands = 4 : i64, tpu.core_type = #tpu.core_type<sc_vector_subcore>, window_params = [{transform_indices = #map}, {transform_indices = #map1}, {transform_indices = #map1}, {transform_indices = #map2}]} {
    %mul3A = arith.constant 2 : i32
    %mul3A_0 = arith.muli %arg1, %mul3A : i32
    %add3A = arith.addi %mul3A_0, %arg0 : i32
    %broadcast_in_dim3A = arith.constant 0.000000e+00 : f32
    %broadcast_in_dim3A_1 = vector.broadcast %broadcast_in_dim3A : f32 to vector<16xf32>
    %scan3A = arith.constant 0 : i32
    %scan3A_2 = arith.constant 0 : i32
    %scan3A_3 = arith.constant 640 : i32
    %scan3A_4 = arith.addi %scan3A_2, %scan3A_3 : i32
    %scan3A_5 = arith.constant 1 : i32
    %scan3A_6 = scf.for %scan3A_15 = %scan3A_2 to %scan3A_4 step %scan3A_5 iter_args(%scan3A_16 = %scan3A) -> (i32)  : i32 {
      %mul3A_17 = arith.constant 16 : i32
      %mul3A_18 = arith.muli %scan3A_15, %mul3A_17 : i32
      %swap3A = arith.index_cast %mul3A_18 : i32 to index
      %swap3A_19 = tpu.vector_load %arg9[%swap3A] {strides = array<i32>} : memref<10240xf32, #tpu.memory_space<vmem>>, vector<16xf32>,
      tpu.vector_store %arg9[%swap3A], %broadcast_in_dim3A_1 {strides = array<i32>} : memref<10240xf32, #tpu.memory_space<vmem>>, vector<16xf32>,
      %scan3A_20 = arith.constant 0 : i32
      scf.yield %scan3A_20 : i32
    }
    %scan3A_7 = arith.constant 640 : i32
    "tpu.region"() ({
      %run_scoped3A = tpu.sem_alloc : memref<!tpu.dma_semaphore, #tpu.memory_space<semaphore_mem>>
      %dma_start3A = arith.constant 0 : i32
      %dma_start3A_15 = arith.constant 0 : i32
      %dma_start3A_16 = tpu.memref_slice %arg3[%add3A, %dma_start3A, %dma_start3A_15] : memref<32x79x128xi32, #tpu.memory_space<hbm>> -> memref<1x79x128xi32, #tpu.memory_space<hbm>>
      %dma_start3A_17 = tpu.memref_squeeze %dma_start3A_16 : memref<1x79x128xi32, #tpu.memory_space<hbm>> -> memref<79x128xi32, #tpu.memory_space<hbm>>
      %dma_start3A_18 = arith.constant 0 : i32
      %dma_start3A_19 = arith.constant 0 : i32
      %dma_start3A_20 = tpu.memref_slice %arg3[%add3A, %dma_start3A_18, %dma_start3A_19] : memref<32x79x128xi32, #tpu.memory_space<hbm>> -> memref<1x79x128xi32, #tpu.memory_space<hbm>>
      %dma_start3A_21 = tpu.memref_squeeze %dma_start3A_20 : memref<1x79x128xi32, #tpu.memory_space<hbm>> -> memref<79x128xi32, #tpu.memory_space<hbm>>
      tpu.enqueue_dma source(%dma_start3A_21 : memref<79x128xi32, #tpu.memory_space<hbm>>) target(%arg6 : memref<79x128xi32, #tpu.memory_space<vmem>>) target_semaphore(%run_scoped3A : memref<!tpu.dma_semaphore, #tpu.memory_space<semaphore_mem>>)
      %dma_wait3A = arith.constant 0 : i32
      %dma_wait3A_22 = arith.constant 0 : i32
      %dma_wait3A_23 = tpu.memref_slice %arg3[%add3A, %dma_wait3A, %dma_wait3A_22] : memref<32x79x128xi32, #tpu.memory_space<hbm>> -> memref<1x79x128xi32, #tpu.memory_space<hbm>>
      %dma_wait3A_24 = tpu.memref_squeeze %dma_wait3A_23 : memref<1x79x128xi32, #tpu.memory_space<hbm>> -> memref<79x128xi32, #tpu.memory_space<hbm>>
      %dma_wait3A_25 = arith.constant 0 : i32
      %dma_wait3A_26 = arith.constant 0 : i32
      %dma_wait3A_27 = tpu.memref_slice %arg3[%add3A, %dma_wait3A_25, %dma_wait3A_26] : memref<32x79x128xi32, #tpu.memory_space<hbm>> -> memref<1x79x128xi32, #tpu.memory_space<hbm>>
      %dma_wait3A_28 = tpu.memref_squeeze %dma_wait3A_27 : memref<1x79x128xi32, #tpu.memory_space<hbm>> -> memref<79x128xi32, #tpu.memory_space<hbm>>
      tpu.wait_dma2 semaphore(%run_scoped3A : memref<!tpu.dma_semaphore, #tpu.memory_space<semaphore_mem>>) src(%dma_wait3A_28 : memref<79x128xi32, #tpu.memory_space<hbm>>) dst(%arg6 : memref<79x128xi32, #tpu.memory_space<vmem>>)
      tpu.yield
    }) : () -> ()
    "tpu.region"() ({
      %run_scoped3A = tpu.sem_alloc : memref<!tpu.dma_semaphore, #tpu.memory_space<semaphore_mem>>
      %dma_start3A = arith.constant 0 : i32
      %dma_start3A_15 = arith.constant 0 : i32
      %dma_start3A_16 = tpu.memref_slice %arg4[%add3A, %dma_start3A, %dma_start3A_15] : memref<32x79x128xi32, #tpu.memory_space<hbm>> -> memref<1x79x128xi32, #tpu.memory_space<hbm>>
      %dma_start3A_17 = tpu.memref_squeeze %dma_start3A_16 : memref<1x79x128xi32, #tpu.memory_space<hbm>> -> memref<79x128xi32, #tpu.memory_space<hbm>>
      %dma_start3A_18 = arith.constant 0 : i32
      %dma_start3A_19 = arith.constant 0 : i32
      %dma_start3A_20 = tpu.memref_slice %arg4[%add3A, %dma_start3A_18, %dma_start3A_19] : memref<32x79x128xi32, #tpu.memory_space<hbm>> -> memref<1x79x128xi32, #tpu.memory_space<hbm>>
      %dma_start3A_21 = tpu.memref_squeeze %dma_start3A_20 : memref<1x79x128xi32, #tpu.memory_space<hbm>> -> memref<79x128xi32, #tpu.memory_space<hbm>>
      tpu.enqueue_dma source(%dma_start3A_21 : memref<79x128xi32, #tpu.memory_space<hbm>>) target(%arg7 : memref<79x128xi32, #tpu.memory_space<vmem>>) target_semaphore(%run_scoped3A : memref<!tpu.dma_semaphore, #tpu.memory_space<semaphore_mem>>)
      %dma_wait3A = arith.constant 0 : i32
      %dma_wait3A_22 = arith.constant 0 : i32
      %dma_wait3A_23 = tpu.memref_slice %arg4[%add3A, %dma_wait3A, %dma_wait3A_22] : memref<32x79x128xi32, #tpu.memory_space<hbm>> -> memref<1x79x128xi32, #tpu.memory_space<hbm>>
      %dma_wait3A_24 = tpu.memref_squeeze %dma_wait3A_23 : memref<1x79x128xi32, #tpu.memory_space<hbm>> -> memref<79x128xi32, #tpu.memory_space<hbm>>
      %dma_wait3A_25 = arith.constant 0 : i32
      %dma_wait3A_26 = arith.constant 0 : i32
      %dma_wait3A_27 = tpu.memref_slice %arg4[%add3A, %dma_wait3A_25, %dma_wait3A_26] : memref<32x79x128xi32, #tpu.memory_space<hbm>> -> memref<1x79x128xi32, #tpu.memory_space<hbm>>
      %dma_wait3A_28 = tpu.memref_squeeze %dma_wait3A_27 : memref<1x79x128xi32, #tpu.memory_space<hbm>> -> memref<79x128xi32, #tpu.memory_space<hbm>>
      tpu.wait_dma2 semaphore(%run_scoped3A : memref<!tpu.dma_semaphore, #tpu.memory_space<semaphore_mem>>) src(%dma_wait3A_28 : memref<79x128xi32, #tpu.memory_space<hbm>>) dst(%arg7 : memref<79x128xi32, #tpu.memory_space<vmem>>)
      tpu.yield
    }) : () -> ()
    "tpu.region"() ({
      %run_scoped3A = tpu.sem_alloc : memref<!tpu.dma_semaphore, #tpu.memory_space<semaphore_mem>>
      tpu.enqueue_dma source(%arg2 : memref<10000xf32, #tpu.memory_space<hbm>>) target(%arg8 : memref<10000xf32, #tpu.memory_space<vmem>>) target_semaphore(%run_scoped3A : memref<!tpu.dma_semaphore, #tpu.memory_space<semaphore_mem>>)
      tpu.wait_dma2 semaphore(%run_scoped3A : memref<!tpu.dma_semaphore, #tpu.memory_space<semaphore_mem>>) src(%arg2 : memref<10000xf32, #tpu.memory_space<hbm>>) dst(%arg8 : memref<10000xf32, #tpu.memory_space<vmem>>)
      tpu.yield
    }) : () -> ()
    %scan3A_8 = arith.constant 0 : i32
    %scan3A_9 = arith.constant 0 : i32
    %scan3A_10 = arith.constant 79 : i32
    %scan3A_11 = arith.addi %scan3A_9, %scan3A_10 : i32
    %scan3A_12 = arith.constant 1 : i32
    %scan3A_13 = scf.for %scan3A_15 = %scan3A_9 to %scan3A_11 step %scan3A_12 iter_args(%scan3A_16 = %scan3A_8) -> (i32)  : i32 {
      %get3A = arith.index_cast %scan3A_15 : i32 to index
      %get3A_17 = arith.constant 0 : index
      %get3A_18 = tpu.vector_load %arg6[%get3A, %get3A_17] {strides = array<i32>} : memref<79x128xi32, #tpu.memory_space<vmem>>, vector<16xi32>,
      %get3A_19 = arith.index_cast %scan3A_15 : i32 to index
      %get3A_20 = arith.constant 0 : index
      %get3A_21 = tpu.vector_load %arg7[%get3A_19, %get3A_20] {strides = array<i32>} : memref<79x128xi32, #tpu.memory_space<vmem>>, vector<16xi32>,
      %gather3A = tpu.vector_load_idx %arg8[%get3A_18] : memref<10000xf32, #tpu.memory_space<vmem>>[vector<16xi32>], vector<16xf32>,
      tpu.vector_store_idx %arg9[%get3A_21], %gather3A {add = true} : memref<10240xf32, #tpu.memory_space<vmem>>[vector<16xi32>], vector<16xf32>,
      %get3A_22 = arith.index_cast %scan3A_15 : i32 to index
      %get3A_23 = arith.constant 16 : index
      %get3A_24 = tpu.vector_load %arg6[%get3A_22, %get3A_23] {strides = array<i32>} : memref<79x128xi32, #tpu.memory_space<vmem>>, vector<16xi32>,
      %get3A_25 = arith.index_cast %scan3A_15 : i32 to index
      %get3A_26 = arith.constant 16 : index
      %get3A_27 = tpu.vector_load %arg7[%get3A_25, %get3A_26] {strides = array<i32>} : memref<79x128xi32, #tpu.memory_space<vmem>>, vector<16xi32>,
      %gather3A_28 = tpu.vector_load_idx %arg8[%get3A_24] : memref<10000xf32, #tpu.memory_space<vmem>>[vector<16xi32>], vector<16xf32>,
      tpu.vector_store_idx %arg9[%get3A_27], %gather3A_28 {add = true} : memref<10240xf32, #tpu.memory_space<vmem>>[vector<16xi32>], vector<16xf32>,
      %get3A_29 = arith.index_cast %scan3A_15 : i32 to index
      %get3A_30 = arith.constant 32 : index
      %get3A_31 = tpu.vector_load %arg6[%get3A_29, %get3A_30] {strides = array<i32>} : memref<79x128xi32, #tpu.memory_space<vmem>>, vector<16xi32>,
      %get3A_32 = arith.index_cast %scan3A_15 : i32 to index
      %get3A_33 = arith.constant 32 : index
      %get3A_34 = tpu.vector_load %arg7[%get3A_32, %get3A_33] {strides = array<i32>} : memref<79x128xi32, #tpu.memory_space<vmem>>, vector<16xi32>,
      %gather3A_35 = tpu.vector_load_idx %arg8[%get3A_31] : memref<10000xf32, #tpu.memory_space<vmem>>[vector<16xi32>], vector<16xf32>,
      tpu.vector_store_idx %arg9[%get3A_34], %gather3A_35 {add = true} : memref<10240xf32, #tpu.memory_space<vmem>>[vector<16xi32>], vector<16xf32>,
      %get3A_36 = arith.index_cast %scan3A_15 : i32 to index
      %get3A_37 = arith.constant 48 : index
      %get3A_38 = tpu.vector_load %arg6[%get3A_36, %get3A_37] {strides = array<i32>} : memref<79x128xi32, #tpu.memory_space<vmem>>, vector<16xi32>,
      %get3A_39 = arith.index_cast %scan3A_15 : i32 to index
      %get3A_40 = arith.constant 48 : index
      %get3A_41 = tpu.vector_load %arg7[%get3A_39, %get3A_40] {strides = array<i32>} : memref<79x128xi32, #tpu.memory_space<vmem>>, vector<16xi32>,
      %gather3A_42 = tpu.vector_load_idx %arg8[%get3A_38] : memref<10000xf32, #tpu.memory_space<vmem>>[vector<16xi32>], vector<16xf32>,
      tpu.vector_store_idx %arg9[%get3A_41], %gather3A_42 {add = true} : memref<10240xf32, #tpu.memory_space<vmem>>[vector<16xi32>], vector<16xf32>,
      %get3A_43 = arith.index_cast %scan3A_15 : i32 to index
      %get3A_44 = arith.constant 64 : index
      %get3A_45 = tpu.vector_load %arg6[%get3A_43, %get3A_44] {strides = array<i32>} : memref<79x128xi32, #tpu.memory_space<vmem>>, vector<16xi32>,
      %get3A_46 = arith.index_cast %scan3A_15 : i32 to index
      %get3A_47 = arith.constant 64 : index
      %get3A_48 = tpu.vector_load %arg7[%get3A_46, %get3A_47] {strides = array<i32>} : memref<79x128xi32, #tpu.memory_space<vmem>>, vector<16xi32>,
      %gather3A_49 = tpu.vector_load_idx %arg8[%get3A_45] : memref<10000xf32, #tpu.memory_space<vmem>>[vector<16xi32>], vector<16xf32>,
      tpu.vector_store_idx %arg9[%get3A_48], %gather3A_49 {add = true} : memref<10240xf32, #tpu.memory_space<vmem>>[vector<16xi32>], vector<16xf32>,
      %get3A_50 = arith.index_cast %scan3A_15 : i32 to index
      %get3A_51 = arith.constant 80 : index
      %get3A_52 = tpu.vector_load %arg6[%get3A_50, %get3A_51] {strides = array<i32>} : memref<79x128xi32, #tpu.memory_space<vmem>>, vector<16xi32>,
      %get3A_53 = arith.index_cast %scan3A_15 : i32 to index
      %get3A_54 = arith.constant 80 : index
      %get3A_55 = tpu.vector_load %arg7[%get3A_53, %get3A_54] {strides = array<i32>} : memref<79x128xi32, #tpu.memory_space<vmem>>, vector<16xi32>,
      %gather3A_56 = tpu.vector_load_idx %arg8[%get3A_52] : memref<10000xf32, #tpu.memory_space<vmem>>[vector<16xi32>], vector<16xf32>,
      tpu.vector_store_idx %arg9[%get3A_55], %gather3A_56 {add = true} : memref<10240xf32, #tpu.memory_space<vmem>>[vector<16xi32>], vector<16xf32>,
      %get3A_57 = arith.index_cast %scan3A_15 : i32 to index
      %get3A_58 = arith.constant 96 : index
      %get3A_59 = tpu.vector_load %arg6[%get3A_57, %get3A_58] {strides = array<i32>} : memref<79x128xi32, #tpu.memory_space<vmem>>, vector<16xi32>,
      %get3A_60 = arith.index_cast %scan3A_15 : i32 to index
      %get3A_61 = arith.constant 96 : index
      %get3A_62 = tpu.vector_load %arg7[%get3A_60, %get3A_61] {strides = array<i32>} : memref<79x128xi32, #tpu.memory_space<vmem>>, vector<16xi32>,
      %gather3A_63 = tpu.vector_load_idx %arg8[%get3A_59] : memref<10000xf32, #tpu.memory_space<vmem>>[vector<16xi32>], vector<16xf32>,
      tpu.vector_store_idx %arg9[%get3A_62], %gather3A_63 {add = true} : memref<10240xf32, #tpu.memory_space<vmem>>[vector<16xi32>], vector<16xf32>,
      %get3A_64 = arith.index_cast %scan3A_15 : i32 to index
      %get3A_65 = arith.constant 112 : index
      %get3A_66 = tpu.vector_load %arg6[%get3A_64, %get3A_65] {strides = array<i32>} : memref<79x128xi32, #tpu.memory_space<vmem>>, vector<16xi32>,
      %get3A_67 = arith.index_cast %scan3A_15 : i32 to index
      %get3A_68 = arith.constant 112 : index
      %get3A_69 = tpu.vector_load %arg7[%get3A_67, %get3A_68] {strides = array<i32>} : memref<79x128xi32, #tpu.memory_space<vmem>>, vector<16xi32>,
      %gather3A_70 = tpu.vector_load_idx %arg8[%get3A_66] : memref<10000xf32, #tpu.memory_space<vmem>>[vector<16xi32>], vector<16xf32>,
      tpu.vector_store_idx %arg9[%get3A_69], %gather3A_70 {add = true} : memref<10240xf32, #tpu.memory_space<vmem>>[vector<16xi32>], vector<16xf32>,
      %scan3A_71 = arith.constant 0 : i32
      scf.yield %scan3A_71 : i32
    }
    %scan3A_14 = arith.constant 79 : i32
    "tpu.region"() ({
      %run_scoped3A = tpu.sem_alloc : memref<!tpu.dma_semaphore, #tpu.memory_space<semaphore_mem>>
      %dma_start3A = arith.constant 0 : i32
      %dma_start3A_15 = tpu.memref_slice %arg5[%add3A, %dma_start3A] : memref<32x10240xf32, #tpu.memory_space<hbm>> -> memref<1x10240xf32, #tpu.memory_space<hbm>>
      %dma_start3A_16 = tpu.memref_squeeze %dma_start3A_15 : memref<1x10240xf32, #tpu.memory_space<hbm>> -> memref<10240xf32, #tpu.memory_space<hbm>>
      %dma_start3A_17 = arith.constant 0 : i32
      %dma_start3A_18 = tpu.memref_slice %arg5[%add3A, %dma_start3A_17] : memref<32x10240xf32, #tpu.memory_space<hbm>> -> memref<1x10240xf32, #tpu.memory_space<hbm>>
      %dma_start3A_19 = tpu.memref_squeeze %dma_start3A_18 : memref<1x10240xf32, #tpu.memory_space<hbm>> -> memref<10240xf32, #tpu.memory_space<hbm>>
      tpu.enqueue_dma source(%arg9 : memref<10240xf32, #tpu.memory_space<vmem>>) target(%dma_start3A_19 : memref<10240xf32, #tpu.memory_space<hbm>>) target_semaphore(%run_scoped3A : memref<!tpu.dma_semaphore, #tpu.memory_space<semaphore_mem>>)
      %dma_wait3A = arith.constant 0 : i32
      %dma_wait3A_20 = tpu.memref_slice %arg5[%add3A, %dma_wait3A] : memref<32x10240xf32, #tpu.memory_space<hbm>> -> memref<1x10240xf32, #tpu.memory_space<hbm>>
      %dma_wait3A_21 = tpu.memref_squeeze %dma_wait3A_20 : memref<1x10240xf32, #tpu.memory_space<hbm>> -> memref<10240xf32, #tpu.memory_space<hbm>>
      %dma_wait3A_22 = arith.constant 0 : i32
      %dma_wait3A_23 = tpu.memref_slice %arg5[%add3A, %dma_wait3A_22] : memref<32x10240xf32, #tpu.memory_space<hbm>> -> memref<1x10240xf32, #tpu.memory_space<hbm>>
      %dma_wait3A_24 = tpu.memref_squeeze %dma_wait3A_23 : memref<1x10240xf32, #tpu.memory_space<hbm>> -> memref<10240xf32, #tpu.memory_space<hbm>>
      tpu.wait_dma2 semaphore(%run_scoped3A : memref<!tpu.dma_semaphore, #tpu.memory_space<semaphore_mem>>) src(%arg9 : memref<10240xf32, #tpu.memory_space<vmem>>) dst(%dma_wait3A_24 : memref<10240xf32, #tpu.memory_space<hbm>>)
      tpu.yield
    }) : () -> ()
    return
  }
}

module attributes {stable_mosaic.version = 14 : i64} {
  func.func @_tc_bn0_body(%arg0: memref<10000x128xf32, #tpu.memory_space<vmem>>, %arg1: memref<1x128xf32, #tpu.memory_space<vmem>>, %arg2: memref<1x128xf32, #tpu.memory_space<vmem>>, %arg3: memref<10000x128xf32, #tpu.memory_space<vmem>>) attributes {dimension_semantics = [], scalar_prefetch = 0 : i64, scratch_operands = 0 : i64, tpu.core_type = #tpu.core_type<tc>} {
    %get3A = arith.constant 0 : index
    %get3A_0 = arith.constant 0 : index
    %get3A_1 = vector.load %arg0[%get3A, %get3A_0] : memref<10000x128xf32, #tpu.memory_space<vmem>>, vector<10000x128xf32>
    %get3A_2 = arith.constant 0 : index
    %get3A_3 = arith.constant 0 : index
    %get3A_4 = vector.load %arg1[%get3A_2, %get3A_3] : memref<1x128xf32, #tpu.memory_space<vmem>>, vector<1x128xf32>
    %get3A_5 = arith.constant 0 : index
    %get3A_6 = arith.constant 0 : index
    %get3A_7 = vector.load %arg2[%get3A_5, %get3A_6] : memref<1x128xf32, #tpu.memory_space<vmem>>, vector<1x128xf32>
    %reduce_sum3A = arith.constant dense<0.000000e+00> : vector<128xf32>
    %reduce_sum3A_8 = vector.multi_reduction <add>, %get3A_1, %reduce_sum3A [0] : vector<10000x128xf32> to vector<128xf32>
    %div3A = arith.constant 1.000000e+04 : f32
    %div3A_9 = vector.broadcast %div3A : f32 to vector<128xf32>
    %div3A_10 = arith.divf %reduce_sum3A_8, %div3A_9 : vector<128xf32>
    %jit3A = arith.constant 0 : i32
    %reduce_sum3A_11 = arith.constant dense<0.000000e+00> : vector<128xf32>
    %reduce_sum3A_12 = vector.multi_reduction <add>, %get3A_1, %reduce_sum3A_11 [0] : vector<10000x128xf32> to vector<128xf32>
    %broadcast_in_dim3A = vector.shape_cast %reduce_sum3A_12 : vector<128xf32> to vector<1x128xf32>
    %div3A_13 = arith.constant 1.000000e+04 : f32
    %div3A_14 = vector.broadcast %div3A_13 : f32 to vector<1x128xf32>
    %div3A_15 = arith.divf %broadcast_in_dim3A, %div3A_14 : vector<1x128xf32>
    %sub3A = vector.broadcast %div3A_15 : vector<1x128xf32> to vector<10000x128xf32>
    %sub3A_16 = arith.subf %get3A_1, %sub3A : vector<10000x128xf32>
    %square3A = arith.mulf %sub3A_16, %sub3A_16 : vector<10000x128xf32>
    %convert_element_type3A = arith.sitofp %jit3A : i32 to f32
    %sub3A_17 = arith.constant 1.000000e+04 : f32
    %sub3A_18 = arith.subf %sub3A_17, %convert_element_type3A : f32
    %reduce_sum3A_19 = arith.constant dense<0.000000e+00> : vector<128xf32>
    %reduce_sum3A_20 = vector.multi_reduction <add>, %square3A, %reduce_sum3A_19 [0] : vector<10000x128xf32> to vector<128xf32>
    %div3A_21 = vector.broadcast %sub3A_18 : f32 to vector<128xf32>
    %div3A_22 = arith.divf %reduce_sum3A_20, %div3A_21 : vector<128xf32>
    %gt3A = arith.constant 0.000000e+00 : f32
    %gt3A_23 = arith.cmpf ogt, %sub3A_18, %gt3A : f32
    %jit3A_24 = arith.constant 0x7FC00000 : f32
    %broadcast_in_dim3A_25 = vector.broadcast %jit3A_24 : f32 to vector<128xf32>
    %select_n3A = arith.select %gt3A_23, %div3A_22, %broadcast_in_dim3A_25 : vector<128xf32>
    %broadcast_in_dim3A_26 = vector.shape_cast %div3A_10 : vector<128xf32> to vector<1x128xf32>
    %sub3A_27 = vector.broadcast %broadcast_in_dim3A_26 : vector<1x128xf32> to vector<10000x128xf32>
    %sub3A_28 = arith.subf %get3A_1, %sub3A_27 : vector<10000x128xf32>
    %add3A = arith.constant 9.99999974E-6 : f32
    %add3A_29 = vector.broadcast %add3A : f32 to vector<128xf32>
    %add3A_30 = arith.addf %select_n3A, %add3A_29 : vector<128xf32>
    %sqrt3A = math.sqrt %add3A_30 : vector<128xf32>
    %broadcast_in_dim3A_31 = vector.shape_cast %sqrt3A : vector<128xf32> to vector<1x128xf32>
    %div3A_32 = vector.broadcast %broadcast_in_dim3A_31 : vector<1x128xf32> to vector<10000x128xf32>
    %div3A_33 = arith.divf %sub3A_28, %div3A_32 : vector<10000x128xf32>
    %mul3A = vector.broadcast %get3A_4 : vector<1x128xf32> to vector<10000x128xf32>
    %mul3A_34 = arith.mulf %div3A_33, %mul3A : vector<10000x128xf32>
    %add3A_35 = vector.broadcast %get3A_7 : vector<1x128xf32> to vector<10000x128xf32>
    %add3A_36 = arith.addf %mul3A_34, %add3A_35 : vector<10000x128xf32>
    %swap3A = arith.constant 0 : index
    %swap3A_37 = arith.constant 0 : index
    %swap3A_38 = vector.load %arg3[%swap3A, %swap3A_37] : memref<10000x128xf32, #tpu.memory_space<vmem>>, vector<10000x128xf32>
    tpu.vector_store %arg3[%swap3A, %swap3A_37], %add3A_36 {strides = array<i32>} : memref<10000x128xf32, #tpu.memory_space<vmem>>, vector<10000x128xf32>,
    return
  }
}

module attributes {stable_mosaic.version = 14 : i64} {
  func.func @_tc_gin1_body(%arg0: memref<10000x128xf32, #tpu.memory_space<vmem>>, %arg1: memref<2x10240x128xf32, #tpu.memory_space<vmem>>, %arg2: memref<10240x32xf32, #tpu.memory_space<vmem>>, %arg3: memref<128x256xf32, #tpu.memory_space<vmem>>, %arg4: memref<1x256xf32, #tpu.memory_space<vmem>>, %arg5: memref<256x128xf32, #tpu.memory_space<vmem>>, %arg6: memref<1x128xf32, #tpu.memory_space<vmem>>, %arg7: memref<1x128xf32, #tpu.memory_space<vmem>>, %arg8: memref<1x128xf32, #tpu.memory_space<vmem>>, %arg9: memref<128x1xf32, #tpu.memory_space<vmem>>, %arg10: memref<10000x128xf32, #tpu.memory_space<vmem>>, %arg11: memref<10000x1xf32, #tpu.memory_space<vmem>>, %arg12: memref<10000x1xf32, #tpu.memory_space<vmem>>) attributes {dimension_semantics = [], scalar_prefetch = 0 : i64, scratch_operands = 0 : i64, tpu.core_type = #tpu.core_type<tc>} {
    %get3A = arith.constant 0 : index
    %get3A_0 = arith.constant 0 : index
    %get3A_1 = arith.constant 0 : index
    %get3A_2 = vector.load %arg1[%get3A, %get3A_0, %get3A_1] : memref<2x10240x128xf32, #tpu.memory_space<vmem>>, vector<1x10000x128xf32>
    %get3A_3 = vector.shape_cast %get3A_2 : vector<1x10000x128xf32> to vector<10000x128xf32>
    %get3A_4 = arith.constant 1 : index
    %get3A_5 = arith.constant 0 : index
    %get3A_6 = arith.constant 0 : index
    %get3A_7 = vector.load %arg1[%get3A_4, %get3A_5, %get3A_6] : memref<2x10240x128xf32, #tpu.memory_space<vmem>>, vector<1x10000x128xf32>
    %get3A_8 = vector.shape_cast %get3A_7 : vector<1x10000x128xf32> to vector<10000x128xf32>
    %add3A = arith.addf %get3A_3, %get3A_8 : vector<10000x128xf32>
    %get3A_9 = arith.constant 0 : index
    %get3A_10 = arith.constant 0 : index
    %get3A_11 = vector.load %arg0[%get3A_9, %get3A_10] : memref<10000x128xf32, #tpu.memory_space<vmem>>, vector<10000x128xf32>
    %get3A_12 = arith.constant 0 : index
    %get3A_13 = arith.constant 0 : index
    %get3A_14 = vector.load %arg3[%get3A_12, %get3A_13] : memref<128x256xf32, #tpu.memory_space<vmem>>, vector<128x256xf32>
    %get3A_15 = arith.constant 0 : index
    %get3A_16 = arith.constant 0 : index
    %get3A_17 = vector.load %arg4[%get3A_15, %get3A_16] : memref<1x256xf32, #tpu.memory_space<vmem>>, vector<1x256xf32>
    %get3A_18 = arith.constant 0 : index
    %get3A_19 = arith.constant 0 : index
    %get3A_20 = vector.load %arg5[%get3A_18, %get3A_19] : memref<256x128xf32, #tpu.memory_space<vmem>>, vector<256x128xf32>
    %get3A_21 = arith.constant 0 : index
    %get3A_22 = arith.constant 0 : index
    %get3A_23 = vector.load %arg6[%get3A_21, %get3A_22] : memref<1x128xf32, #tpu.memory_space<vmem>>, vector<1x128xf32>
    %get3A_24 = arith.constant 0 : index
    %get3A_25 = arith.constant 0 : index
    %get3A_26 = vector.load %arg7[%get3A_24, %get3A_25] : memref<1x128xf32, #tpu.memory_space<vmem>>, vector<1x128xf32>
    %get3A_27 = arith.constant 0 : index
    %get3A_28 = arith.constant 0 : index
    %get3A_29 = vector.load %arg8[%get3A_27, %get3A_28] : memref<1x128xf32, #tpu.memory_space<vmem>>, vector<1x128xf32>
    %add3A_30 = arith.addf %get3A_11, %add3A : vector<10000x128xf32>
    %dot_general3A = arith.constant dense<0.000000e+00> : vector<10000x256xf32>
    %dot_general3A_31 = tpu.matmul %add3A_30, %get3A_14, %dot_general3A {dimension_numbers = #tpu.dot_dimension_numbers<[1], [0], [0], [1], [0, 0, 1, 1], [], []>, transpose_lhs_hint = false} : vector<10000x128xf32>, vector<128x256xf32>, vector<10000x256xf32> -> vector<10000x256xf32>
    %add3A_32 = vector.broadcast %get3A_17 : vector<1x256xf32> to vector<10000x256xf32>
    %add3A_33 = arith.addf %dot_general3A_31, %add3A_32 : vector<10000x256xf32>
    %max3A = arith.constant 0.000000e+00 : f32
    %max3A_34 = vector.broadcast %max3A : f32 to vector<10000x256xf32>
    %max3A_35 = arith.maximumf %add3A_33, %max3A_34 : vector<10000x256xf32>
    %dot_general3A_36 = arith.constant dense<0.000000e+00> : vector<10000x128xf32>
    %dot_general3A_37 = tpu.matmul %max3A_35, %get3A_20, %dot_general3A_36 {dimension_numbers = #tpu.dot_dimension_numbers<[1], [0], [0], [1], [0, 0, 1, 1], [], []>, transpose_lhs_hint = false} : vector<10000x256xf32>, vector<256x128xf32>, vector<10000x128xf32> -> vector<10000x128xf32>
    %add3A_38 = vector.broadcast %get3A_23 : vector<1x128xf32> to vector<10000x128xf32>
    %add3A_39 = arith.addf %dot_general3A_37, %add3A_38 : vector<10000x128xf32>
    %max3A_40 = arith.constant 0.000000e+00 : f32
    %max3A_41 = vector.broadcast %max3A_40 : f32 to vector<10000x128xf32>
    %max3A_42 = arith.maximumf %add3A_39, %max3A_41 : vector<10000x128xf32>
    %reduce_sum3A = arith.constant dense<0.000000e+00> : vector<128xf32>
    %reduce_sum3A_43 = vector.multi_reduction <add>, %max3A_42, %reduce_sum3A [0] : vector<10000x128xf32> to vector<128xf32>
    %div3A = arith.constant 1.000000e+04 : f32
    %div3A_44 = vector.broadcast %div3A : f32 to vector<128xf32>
    %div3A_45 = arith.divf %reduce_sum3A_43, %div3A_44 : vector<128xf32>
    %jit3A = arith.constant 0 : i32
    %reduce_sum3A_46 = arith.constant dense<0.000000e+00> : vector<128xf32>
    %reduce_sum3A_47 = vector.multi_reduction <add>, %max3A_42, %reduce_sum3A_46 [0] : vector<10000x128xf32> to vector<128xf32>
    %broadcast_in_dim3A = vector.shape_cast %reduce_sum3A_47 : vector<128xf32> to vector<1x128xf32>
    %div3A_48 = arith.constant 1.000000e+04 : f32
    %div3A_49 = vector.broadcast %div3A_48 : f32 to vector<1x128xf32>
    %div3A_50 = arith.divf %broadcast_in_dim3A, %div3A_49 : vector<1x128xf32>
    %sub3A = vector.broadcast %div3A_50 : vector<1x128xf32> to vector<10000x128xf32>
    %sub3A_51 = arith.subf %max3A_42, %sub3A : vector<10000x128xf32>
    %square3A = arith.mulf %sub3A_51, %sub3A_51 : vector<10000x128xf32>
    %convert_element_type3A = arith.sitofp %jit3A : i32 to f32
    %sub3A_52 = arith.constant 1.000000e+04 : f32
    %sub3A_53 = arith.subf %sub3A_52, %convert_element_type3A : f32
    %reduce_sum3A_54 = arith.constant dense<0.000000e+00> : vector<128xf32>
    %reduce_sum3A_55 = vector.multi_reduction <add>, %square3A, %reduce_sum3A_54 [0] : vector<10000x128xf32> to vector<128xf32>
    %div3A_56 = vector.broadcast %sub3A_53 : f32 to vector<128xf32>
    %div3A_57 = arith.divf %reduce_sum3A_55, %div3A_56 : vector<128xf32>
    %gt3A = arith.constant 0.000000e+00 : f32
    %gt3A_58 = arith.cmpf ogt, %sub3A_53, %gt3A : f32
    %jit3A_59 = arith.constant 0x7FC00000 : f32
    %broadcast_in_dim3A_60 = vector.broadcast %jit3A_59 : f32 to vector<128xf32>
    %select_n3A = arith.select %gt3A_58, %div3A_57, %broadcast_in_dim3A_60 : vector<128xf32>
    %broadcast_in_dim3A_61 = vector.shape_cast %div3A_45 : vector<128xf32> to vector<1x128xf32>
    %sub3A_62 = vector.broadcast %broadcast_in_dim3A_61 : vector<1x128xf32> to vector<10000x128xf32>
    %sub3A_63 = arith.subf %max3A_42, %sub3A_62 : vector<10000x128xf32>
    %add3A_64 = arith.constant 9.99999974E-6 : f32
    %add3A_65 = vector.broadcast %add3A_64 : f32 to vector<128xf32>
    %add3A_66 = arith.addf %select_n3A, %add3A_65 : vector<128xf32>
    %sqrt3A = math.sqrt %add3A_66 : vector<128xf32>
    %broadcast_in_dim3A_67 = vector.shape_cast %sqrt3A : vector<128xf32> to vector<1x128xf32>
    %div3A_68 = vector.broadcast %broadcast_in_dim3A_67 : vector<1x128xf32> to vector<10000x128xf32>
    %div3A_69 = arith.divf %sub3A_63, %div3A_68 : vector<10000x128xf32>
    %mul3A = vector.broadcast %get3A_26 : vector<1x128xf32> to vector<10000x128xf32>
    %mul3A_70 = arith.mulf %div3A_69, %mul3A : vector<10000x128xf32>
    %add3A_71 = vector.broadcast %get3A_29 : vector<1x128xf32> to vector<10000x128xf32>
    %add3A_72 = arith.addf %mul3A_70, %add3A_71 : vector<10000x128xf32>
    %swap3A = arith.constant 0 : index
    %swap3A_73 = arith.constant 0 : index
    %swap3A_74 = vector.load %arg10[%swap3A, %swap3A_73] : memref<10000x128xf32, #tpu.memory_space<vmem>>, vector<10000x128xf32>
    tpu.vector_store %arg10[%swap3A, %swap3A_73], %add3A_72 {strides = array<i32>} : memref<10000x128xf32, #tpu.memory_space<vmem>>, vector<10000x128xf32>,
    %get3A_75 = arith.constant 0 : index
    %get3A_76 = arith.constant 0 : index
    %get3A_77 = vector.load %arg2[%get3A_75, %get3A_76] : memref<10240x32xf32, #tpu.memory_space<vmem>>, vector<10000x32xf32>
    %reduce_sum3A_78 = arith.constant dense<0.000000e+00> : vector<10000xf32>
    %reduce_sum3A_79 = vector.multi_reduction <add>, %get3A_77, %reduce_sum3A_78 [1] : vector<10000x32xf32> to vector<10000xf32>
    %broadcast_in_dim3A_80 = vector.shape_cast %reduce_sum3A_79 : vector<10000xf32> to vector<10000x1xf32>
    %add3A_81 = arith.constant 1.000000e+00 : f32
    %add3A_82 = vector.broadcast %add3A_81 : f32 to vector<10000x1xf32>
    %add3A_83 = arith.addf %broadcast_in_dim3A_80, %add3A_82 : vector<10000x1xf32>
    %rsqrt3A = math.rsqrt %add3A_83 : vector<10000x1xf32>
    %swap3A_84 = arith.constant 0 : index
    %swap3A_85 = arith.constant 0 : index
    %swap3A_86 = vector.load %arg12[%swap3A_84, %swap3A_85] : memref<10000x1xf32, #tpu.memory_space<vmem>>, vector<10000x1xf32>
    tpu.vector_store %arg12[%swap3A_84, %swap3A_85], %rsqrt3A {strides = array<i32>} : memref<10000x1xf32, #tpu.memory_space<vmem>>, vector<10000x1xf32>,
    %get3A_87 = arith.constant 0 : index
    %get3A_88 = arith.constant 0 : index
    %get3A_89 = vector.load %arg9[%get3A_87, %get3A_88] : memref<128x1xf32, #tpu.memory_space<vmem>>, vector<128x1xf32>
    %dot_general3A_90 = arith.constant dense<0.000000e+00> : vector<10000x1xf32>
    %dot_general3A_91 = tpu.matmul %add3A_72, %get3A_89, %dot_general3A_90 {dimension_numbers = #tpu.dot_dimension_numbers<[1], [0], [0], [1], [0, 0, 1, 1], [], []>, transpose_lhs_hint = false} : vector<10000x128xf32>, vector<128x1xf32>, vector<10000x1xf32> -> vector<10000x1xf32>
    %mul3A_92 = arith.mulf %dot_general3A_91, %rsqrt3A : vector<10000x1xf32>
    %swap3A_93 = arith.constant 0 : index
    %swap3A_94 = arith.constant 0 : index
    %swap3A_95 = vector.load %arg11[%swap3A_93, %swap3A_94] : memref<10000x1xf32, #tpu.memory_space<vmem>>, vector<10000x1xf32>
    tpu.vector_store %arg11[%swap3A_93, %swap3A_94], %mul3A_92 {strides = array<i32>} : memref<10000x1xf32, #tpu.memory_space<vmem>>, vector<10000x1xf32>,
    return
  }
}

module attributes {stable_mosaic.version = 14 : i64} {
  func.func @_tc_gin2_body(%arg0: memref<10000x128xf32, #tpu.memory_space<vmem>>, %arg1: memref<2x10240x128xf32, #tpu.memory_space<vmem>>, %arg2: memref<10240x32xf32, #tpu.memory_space<vmem>>, %arg3: memref<10000x1xf32, #tpu.memory_space<vmem>>, %arg4: memref<10000x1xf32, #tpu.memory_space<vmem>>, %arg5: memref<128x256xf32, #tpu.memory_space<vmem>>, %arg6: memref<1x256xf32, #tpu.memory_space<vmem>>, %arg7: memref<256x128xf32, #tpu.memory_space<vmem>>, %arg8: memref<1x128xf32, #tpu.memory_space<vmem>>, %arg9: memref<1x128xf32, #tpu.memory_space<vmem>>, %arg10: memref<1x128xf32, #tpu.memory_space<vmem>>, %arg11: memref<128x1xf32, #tpu.memory_space<vmem>>, %arg12: memref<1x1xf32, #tpu.memory_space<vmem>>, %arg13: memref<10000x128xf32, #tpu.memory_space<vmem>>, %arg14: memref<10000x1xf32, #tpu.memory_space<vmem>>, %arg15: memref<10000x1xf32, #tpu.memory_space<vmem>>) attributes {dimension_semantics = [], scalar_prefetch = 0 : i64, scratch_operands = 0 : i64, tpu.core_type = #tpu.core_type<tc>} {
    %get3A = arith.constant 0 : index
    %get3A_0 = arith.constant 0 : index
    %get3A_1 = arith.constant 0 : index
    %get3A_2 = vector.load %arg1[%get3A, %get3A_0, %get3A_1] : memref<2x10240x128xf32, #tpu.memory_space<vmem>>, vector<1x10000x128xf32>
    %get3A_3 = vector.shape_cast %get3A_2 : vector<1x10000x128xf32> to vector<10000x128xf32>
    %get3A_4 = arith.constant 1 : index
    %get3A_5 = arith.constant 0 : index
    %get3A_6 = arith.constant 0 : index
    %get3A_7 = vector.load %arg1[%get3A_4, %get3A_5, %get3A_6] : memref<2x10240x128xf32, #tpu.memory_space<vmem>>, vector<1x10000x128xf32>
    %get3A_8 = vector.shape_cast %get3A_7 : vector<1x10000x128xf32> to vector<10000x128xf32>
    %add3A = arith.addf %get3A_3, %get3A_8 : vector<10000x128xf32>
    %get3A_9 = arith.constant 0 : index
    %get3A_10 = arith.constant 0 : index
    %get3A_11 = vector.load %arg0[%get3A_9, %get3A_10] : memref<10000x128xf32, #tpu.memory_space<vmem>>, vector<10000x128xf32>
    %get3A_12 = arith.constant 0 : index
    %get3A_13 = arith.constant 0 : index
    %get3A_14 = vector.load %arg5[%get3A_12, %get3A_13] : memref<128x256xf32, #tpu.memory_space<vmem>>, vector<128x256xf32>
    %get3A_15 = arith.constant 0 : index
    %get3A_16 = arith.constant 0 : index
    %get3A_17 = vector.load %arg6[%get3A_15, %get3A_16] : memref<1x256xf32, #tpu.memory_space<vmem>>, vector<1x256xf32>
    %get3A_18 = arith.constant 0 : index
    %get3A_19 = arith.constant 0 : index
    %get3A_20 = vector.load %arg7[%get3A_18, %get3A_19] : memref<256x128xf32, #tpu.memory_space<vmem>>, vector<256x128xf32>
    %get3A_21 = arith.constant 0 : index
    %get3A_22 = arith.constant 0 : index
    %get3A_23 = vector.load %arg8[%get3A_21, %get3A_22] : memref<1x128xf32, #tpu.memory_space<vmem>>, vector<1x128xf32>
    %get3A_24 = arith.constant 0 : index
    %get3A_25 = arith.constant 0 : index
    %get3A_26 = vector.load %arg9[%get3A_24, %get3A_25] : memref<1x128xf32, #tpu.memory_space<vmem>>, vector<1x128xf32>
    %get3A_27 = arith.constant 0 : index
    %get3A_28 = arith.constant 0 : index
    %get3A_29 = vector.load %arg10[%get3A_27, %get3A_28] : memref<1x128xf32, #tpu.memory_space<vmem>>, vector<1x128xf32>
    %add3A_30 = arith.addf %get3A_11, %add3A : vector<10000x128xf32>
    %dot_general3A = arith.constant dense<0.000000e+00> : vector<10000x256xf32>
    %dot_general3A_31 = tpu.matmul %add3A_30, %get3A_14, %dot_general3A {dimension_numbers = #tpu.dot_dimension_numbers<[1], [0], [0], [1], [0, 0, 1, 1], [], []>, transpose_lhs_hint = false} : vector<10000x128xf32>, vector<128x256xf32>, vector<10000x256xf32> -> vector<10000x256xf32>
    %add3A_32 = vector.broadcast %get3A_17 : vector<1x256xf32> to vector<10000x256xf32>
    %add3A_33 = arith.addf %dot_general3A_31, %add3A_32 : vector<10000x256xf32>
    %max3A = arith.constant 0.000000e+00 : f32
    %max3A_34 = vector.broadcast %max3A : f32 to vector<10000x256xf32>
    %max3A_35 = arith.maximumf %add3A_33, %max3A_34 : vector<10000x256xf32>
    %dot_general3A_36 = arith.constant dense<0.000000e+00> : vector<10000x128xf32>
    %dot_general3A_37 = tpu.matmul %max3A_35, %get3A_20, %dot_general3A_36 {dimension_numbers = #tpu.dot_dimension_numbers<[1], [0], [0], [1], [0, 0, 1, 1], [], []>, transpose_lhs_hint = false} : vector<10000x256xf32>, vector<256x128xf32>, vector<10000x128xf32> -> vector<10000x128xf32>
    %add3A_38 = vector.broadcast %get3A_23 : vector<1x128xf32> to vector<10000x128xf32>
    %add3A_39 = arith.addf %dot_general3A_37, %add3A_38 : vector<10000x128xf32>
    %max3A_40 = arith.constant 0.000000e+00 : f32
    %max3A_41 = vector.broadcast %max3A_40 : f32 to vector<10000x128xf32>
    %max3A_42 = arith.maximumf %add3A_39, %max3A_41 : vector<10000x128xf32>
    %reduce_sum3A = arith.constant dense<0.000000e+00> : vector<128xf32>
    %reduce_sum3A_43 = vector.multi_reduction <add>, %max3A_42, %reduce_sum3A [0] : vector<10000x128xf32> to vector<128xf32>
    %div3A = arith.constant 1.000000e+04 : f32
    %div3A_44 = vector.broadcast %div3A : f32 to vector<128xf32>
    %div3A_45 = arith.divf %reduce_sum3A_43, %div3A_44 : vector<128xf32>
    %jit3A = arith.constant 0 : i32
    %reduce_sum3A_46 = arith.constant dense<0.000000e+00> : vector<128xf32>
    %reduce_sum3A_47 = vector.multi_reduction <add>, %max3A_42, %reduce_sum3A_46 [0] : vector<10000x128xf32> to vector<128xf32>
    %broadcast_in_dim3A = vector.shape_cast %reduce_sum3A_47 : vector<128xf32> to vector<1x128xf32>
    %div3A_48 = arith.constant 1.000000e+04 : f32
    %div3A_49 = vector.broadcast %div3A_48 : f32 to vector<1x128xf32>
    %div3A_50 = arith.divf %broadcast_in_dim3A, %div3A_49 : vector<1x128xf32>
    %sub3A = vector.broadcast %div3A_50 : vector<1x128xf32> to vector<10000x128xf32>
    %sub3A_51 = arith.subf %max3A_42, %sub3A : vector<10000x128xf32>
    %square3A = arith.mulf %sub3A_51, %sub3A_51 : vector<10000x128xf32>
    %convert_element_type3A = arith.sitofp %jit3A : i32 to f32
    %sub3A_52 = arith.constant 1.000000e+04 : f32
    %sub3A_53 = arith.subf %sub3A_52, %convert_element_type3A : f32
    %reduce_sum3A_54 = arith.constant dense<0.000000e+00> : vector<128xf32>
    %reduce_sum3A_55 = vector.multi_reduction <add>, %square3A, %reduce_sum3A_54 [0] : vector<10000x128xf32> to vector<128xf32>
    %div3A_56 = vector.broadcast %sub3A_53 : f32 to vector<128xf32>
    %div3A_57 = arith.divf %reduce_sum3A_55, %div3A_56 : vector<128xf32>
    %gt3A = arith.constant 0.000000e+00 : f32
    %gt3A_58 = arith.cmpf ogt, %sub3A_53, %gt3A : f32
    %jit3A_59 = arith.constant 0x7FC00000 : f32
    %broadcast_in_dim3A_60 = vector.broadcast %jit3A_59 : f32 to vector<128xf32>
    %select_n3A = arith.select %gt3A_58, %div3A_57, %broadcast_in_dim3A_60 : vector<128xf32>
    %broadcast_in_dim3A_61 = vector.shape_cast %div3A_45 : vector<128xf32> to vector<1x128xf32>
    %sub3A_62 = vector.broadcast %broadcast_in_dim3A_61 : vector<1x128xf32> to vector<10000x128xf32>
    %sub3A_63 = arith.subf %max3A_42, %sub3A_62 : vector<10000x128xf32>
    %add3A_64 = arith.constant 9.99999974E-6 : f32
    %add3A_65 = vector.broadcast %add3A_64 : f32 to vector<128xf32>
    %add3A_66 = arith.addf %select_n3A, %add3A_65 : vector<128xf32>
    %sqrt3A = math.sqrt %add3A_66 : vector<128xf32>
    %broadcast_in_dim3A_67 = vector.shape_cast %sqrt3A : vector<128xf32> to vector<1x128xf32>
    %div3A_68 = vector.broadcast %broadcast_in_dim3A_67 : vector<1x128xf32> to vector<10000x128xf32>
    %div3A_69 = arith.divf %sub3A_63, %div3A_68 : vector<10000x128xf32>
    %mul3A = vector.broadcast %get3A_26 : vector<1x128xf32> to vector<10000x128xf32>
    %mul3A_70 = arith.mulf %div3A_69, %mul3A : vector<10000x128xf32>
    %add3A_71 = vector.broadcast %get3A_29 : vector<1x128xf32> to vector<10000x128xf32>
    %add3A_72 = arith.addf %mul3A_70, %add3A_71 : vector<10000x128xf32>
    %swap3A = arith.constant 0 : index
    %swap3A_73 = arith.constant 0 : index
    %swap3A_74 = vector.load %arg13[%swap3A, %swap3A_73] : memref<10000x128xf32, #tpu.memory_space<vmem>>, vector<10000x128xf32>
    tpu.vector_store %arg13[%swap3A, %swap3A_73], %add3A_72 {strides = array<i32>} : memref<10000x128xf32, #tpu.memory_space<vmem>>, vector<10000x128xf32>,
    %get3A_75 = arith.constant 0 : index
    %get3A_76 = arith.constant 0 : index
    %get3A_77 = vector.load %arg4[%get3A_75, %get3A_76] : memref<10000x1xf32, #tpu.memory_space<vmem>>, vector<10000x1xf32>
    %get3A_78 = arith.constant 0 : index
    %get3A_79 = arith.constant 0 : index
    %get3A_80 = vector.load %arg11[%get3A_78, %get3A_79] : memref<128x1xf32, #tpu.memory_space<vmem>>, vector<128x1xf32>
    %dot_general3A_81 = arith.constant dense<0.000000e+00> : vector<10000x1xf32>
    %dot_general3A_82 = tpu.matmul %add3A_72, %get3A_80, %dot_general3A_81 {dimension_numbers = #tpu.dot_dimension_numbers<[1], [0], [0], [1], [0, 0, 1, 1], [], []>, transpose_lhs_hint = false} : vector<10000x128xf32>, vector<128x1xf32>, vector<10000x1xf32> -> vector<10000x1xf32>
    %mul3A_83 = arith.mulf %dot_general3A_82, %get3A_77 : vector<10000x1xf32>
    %swap3A_84 = arith.constant 0 : index
    %swap3A_85 = arith.constant 0 : index
    %swap3A_86 = vector.load %arg14[%swap3A_84, %swap3A_85] : memref<10000x1xf32, #tpu.memory_space<vmem>>, vector<10000x1xf32>
    tpu.vector_store %arg14[%swap3A_84, %swap3A_85], %mul3A_83 {strides = array<i32>} : memref<10000x1xf32, #tpu.memory_space<vmem>>, vector<10000x1xf32>,
    %get3A_87 = arith.constant 0 : index
    %get3A_88 = arith.constant 0 : index
    %get3A_89 = vector.load %arg2[%get3A_87, %get3A_88] : memref<10240x32xf32, #tpu.memory_space<vmem>>, vector<10000x32xf32>
    %reduce_sum3A_90 = arith.constant dense<0.000000e+00> : vector<10000xf32>
    %reduce_sum3A_91 = vector.multi_reduction <add>, %get3A_89, %reduce_sum3A_90 [1] : vector<10000x32xf32> to vector<10000xf32>
    %broadcast_in_dim3A_92 = vector.shape_cast %reduce_sum3A_91 : vector<10000xf32> to vector<10000x1xf32>
    %get3A_93 = arith.constant 0 : index
    %get3A_94 = arith.constant 0 : index
    %get3A_95 = vector.load %arg3[%get3A_93, %get3A_94] : memref<10000x1xf32, #tpu.memory_space<vmem>>, vector<10000x1xf32>
    %add3A_96 = arith.addf %broadcast_in_dim3A_92, %get3A_95 : vector<10000x1xf32>
    %mul3A_97 = arith.mulf %get3A_77, %add3A_96 : vector<10000x1xf32>
    %get3A_98 = arith.constant 0 : index
    %get3A_99 = arith.constant 0 : index
    %get3A_100 = vector.load %arg12[%get3A_98, %get3A_99] : memref<1x1xf32, #tpu.memory_space<vmem>>, vector<1x1xf32>
    %add3A_101 = vector.broadcast %get3A_100 : vector<1x1xf32> to vector<10000x1xf32>
    %add3A_102 = arith.addf %mul3A_97, %add3A_101 : vector<10000x1xf32>
    %tanh3A = math.tanh %add3A_102 : vector<10000x1xf32>
    %swap3A_103 = arith.constant 0 : index
    %swap3A_104 = arith.constant 0 : index
    %swap3A_105 = vector.load %arg15[%swap3A_103, %swap3A_104] : memref<10000x1xf32, #tpu.memory_space<vmem>>, vector<10000x1xf32>
    tpu.vector_store %arg15[%swap3A_103, %swap3A_104], %tanh3A {strides = array<i32>} : memref<10000x1xf32, #tpu.memory_space<vmem>>, vector<10000x1xf32>,
    return
  }
}

module attributes {stable_mosaic.version = 14 : i64} {
  func.func @_tc_pool_body(%arg0: memref<10000x128xf32, #tpu.memory_space<vmem>>, %arg1: memref<10000x128xf32, #tpu.memory_space<vmem>>, %arg2: memref<10000x1xf32, #tpu.memory_space<vmem>>, %arg3: memref<10240x32xf32, #tpu.memory_space<vmem>>, %arg4: memref<10000x1xf32, #tpu.memory_space<vmem>>, %arg5: memref<10000x1xf32, #tpu.memory_space<vmem>>, %arg6: memref<1x1xf32, #tpu.memory_space<vmem>>, %arg7: memref<10000x1xi32, #tpu.memory_space<vmem>>, %arg8: memref<256x128xf32, #tpu.memory_space<vmem>>, %arg9: memref<256x128xf32, #tpu.memory_space<vmem>>) attributes {dimension_semantics = [], scalar_prefetch = 0 : i64, scratch_operands = 0 : i64, tpu.core_type = #tpu.core_type<tc>} {
    %get3A = arith.constant 0 : index
    %get3A_0 = arith.constant 0 : index
    %get3A_1 = vector.load %arg5[%get3A, %get3A_0] : memref<10000x1xf32, #tpu.memory_space<vmem>>, vector<10000x1xf32>
    %get3A_2 = arith.constant 0 : index
    %get3A_3 = arith.constant 0 : index
    %get3A_4 = vector.load %arg3[%get3A_2, %get3A_3] : memref<10240x32xf32, #tpu.memory_space<vmem>>, vector<10000x32xf32>
    %reduce_sum3A = arith.constant dense<0.000000e+00> : vector<10000xf32>
    %reduce_sum3A_5 = vector.multi_reduction <add>, %get3A_4, %reduce_sum3A [1] : vector<10000x32xf32> to vector<10000xf32>
    %broadcast_in_dim3A = vector.shape_cast %reduce_sum3A_5 : vector<10000xf32> to vector<10000x1xf32>
    %get3A_6 = arith.constant 0 : index
    %get3A_7 = arith.constant 0 : index
    %get3A_8 = vector.load %arg4[%get3A_6, %get3A_7] : memref<10000x1xf32, #tpu.memory_space<vmem>>, vector<10000x1xf32>
    %add3A = arith.addf %broadcast_in_dim3A, %get3A_8 : vector<10000x1xf32>
    %mul3A = arith.mulf %get3A_1, %add3A : vector<10000x1xf32>
    %get3A_9 = arith.constant 0 : index
    %get3A_10 = arith.constant 0 : index
    %get3A_11 = vector.load %arg6[%get3A_9, %get3A_10] : memref<1x1xf32, #tpu.memory_space<vmem>>, vector<1x1xf32>
    %add3A_12 = vector.broadcast %get3A_11 : vector<1x1xf32> to vector<10000x1xf32>
    %add3A_13 = arith.addf %mul3A, %add3A_12 : vector<10000x1xf32>
    %tanh3A = math.tanh %add3A_13 : vector<10000x1xf32>
    %iota3A = tpu.iota {dimensions = array<i32: 1>} : vector<10000x256xi32>
    %get3A_14 = arith.constant 0 : index
    %get3A_15 = arith.constant 0 : index
    %get3A_16 = vector.load %arg7[%get3A_14, %get3A_15] : memref<10000x1xi32, #tpu.memory_space<vmem>>, vector<10000x1xi32>
    %eq3A = vector.broadcast %get3A_16 : vector<10000x1xi32> to vector<10000x256xi32>
    %eq3A_17 = arith.cmpi eq, %eq3A, %iota3A : vector<10000x256xi32>
    %convert_element_type3A = arith.extui %eq3A_17 : vector<10000x256xi1> to vector<10000x256xi32>
    %convert_element_type3A_18 = arith.sitofp %convert_element_type3A : vector<10000x256xi32> to vector<10000x256xf32>
    %get3A_19 = arith.constant 0 : index
    %get3A_20 = arith.constant 0 : index
    %get3A_21 = vector.load %arg2[%get3A_19, %get3A_20] : memref<10000x1xf32, #tpu.memory_space<vmem>>, vector<10000x1xf32>
    %get3A_22 = arith.constant 0 : index
    %get3A_23 = arith.constant 0 : index
    %get3A_24 = vector.load %arg0[%get3A_22, %get3A_23] : memref<10000x128xf32, #tpu.memory_space<vmem>>, vector<10000x128xf32>
    %gt3A = arith.constant 0.000000e+00 : f32
    %gt3A_25 = vector.broadcast %gt3A : f32 to vector<10000x256xf32>
    %gt3A_26 = arith.cmpf ogt, %convert_element_type3A_18, %gt3A_25 : vector<10000x256xf32>
    %jit3A = arith.constant -1.000000e+30 : f32
    %broadcast_in_dim3A_27 = vector.shape_cast %get3A_21 : vector<10000x1xf32> to vector<10000x1xf32>
    %broadcast_in_dim3A_28 = vector.broadcast %broadcast_in_dim3A_27 : vector<10000x1xf32> to vector<10000x256xf32>
    %broadcast_in_dim3A_29 = vector.broadcast %jit3A : f32 to vector<10000x256xf32>
    %select_n3A = arith.select %gt3A_26, %broadcast_in_dim3A_28, %broadcast_in_dim3A_29 : vector<10000x256xi1>, vector<10000x256xf32>
    %reduce_max3A = arith.constant dense<0xFF800000> : vector<256xf32>
    %reduce_max3A_30 = vector.multi_reduction <maximumf>, %select_n3A, %reduce_max3A [0] : vector<10000x256xf32> to vector<256xf32>
    %broadcast_in_dim3A_31 = vector.shape_cast %reduce_max3A_30 : vector<256xf32> to vector<1x256xf32>
    %gt3A_32 = arith.constant -1.000000e+29 : f32
    %gt3A_33 = vector.broadcast %gt3A_32 : f32 to vector<1x256xf32>
    %gt3A_34 = arith.cmpf ogt, %broadcast_in_dim3A_31, %gt3A_33 : vector<1x256xf32>
    %jit3A_35 = arith.constant 0.000000e+00 : f32
    %broadcast_in_dim3A_36 = vector.broadcast %jit3A_35 : f32 to vector<1x256xf32>
    %select_n3A_37 = arith.select %gt3A_34, %broadcast_in_dim3A_31, %broadcast_in_dim3A_36 : vector<1x256xi1>, vector<1x256xf32>
    %mul3A_38 = vector.broadcast %select_n3A_37 : vector<1x256xf32> to vector<10000x256xf32>
    %mul3A_39 = arith.mulf %convert_element_type3A_18, %mul3A_38 : vector<10000x256xf32>
    %reduce_sum3A_40 = arith.constant dense<0.000000e+00> : vector<10000xf32>
    %reduce_sum3A_41 = vector.multi_reduction <add>, %mul3A_39, %reduce_sum3A_40 [1] : vector<10000x256xf32> to vector<10000xf32>
    %broadcast_in_dim3A_42 = vector.shape_cast %reduce_sum3A_41 : vector<10000xf32> to vector<10000x1xf32>
    %sub3A = arith.subf %get3A_21, %broadcast_in_dim3A_42 : vector<10000x1xf32>
    %exp3A = math.exp %sub3A : vector<10000x1xf32>
    %mul3A_43 = vector.broadcast %exp3A : vector<10000x1xf32> to vector<10000x256xf32>
    %mul3A_44 = arith.mulf %convert_element_type3A_18, %mul3A_43 : vector<10000x256xf32>
    %reduce_sum3A_45 = arith.constant dense<0.000000e+00> : vector<256xf32>
    %reduce_sum3A_46 = vector.multi_reduction <add>, %mul3A_44, %reduce_sum3A_45 [0] : vector<10000x256xf32> to vector<256xf32>
    %broadcast_in_dim3A_47 = vector.shape_cast %reduce_sum3A_46 : vector<256xf32> to vector<1x256xf32>
    %mul3A_48 = vector.broadcast %broadcast_in_dim3A_47 : vector<1x256xf32> to vector<10000x256xf32>
    %mul3A_49 = arith.mulf %convert_element_type3A_18, %mul3A_48 : vector<10000x256xf32>
    %reduce_sum3A_50 = arith.constant dense<0.000000e+00> : vector<10000xf32>
    %reduce_sum3A_51 = vector.multi_reduction <add>, %mul3A_49, %reduce_sum3A_50 [1] : vector<10000x256xf32> to vector<10000xf32>
    %broadcast_in_dim3A_52 = vector.shape_cast %reduce_sum3A_51 : vector<10000xf32> to vector<10000x1xf32>
    %div3A = arith.divf %exp3A, %broadcast_in_dim3A_52 : vector<10000x1xf32>
    %mul3A_53 = vector.broadcast %div3A : vector<10000x1xf32> to vector<10000x128xf32>
    %mul3A_54 = arith.mulf %get3A_24, %mul3A_53 : vector<10000x128xf32>
    %dot_general3A = arith.constant dense<0.000000e+00> : vector<256x128xf32>
    %dot_general3A_55 = tpu.matmul %convert_element_type3A_18, %mul3A_54, %dot_general3A {dimension_numbers = #tpu.dot_dimension_numbers<[0], [0], [1], [1], [0, 1, 1, 1], [], []>, transpose_lhs_hint = false} : vector<10000x256xf32>, vector<10000x128xf32>, vector<256x128xf32> -> vector<256x128xf32>
    %swap3A = arith.constant 0 : index
    %swap3A_56 = arith.constant 0 : index
    %swap3A_57 = vector.load %arg8[%swap3A, %swap3A_56] : memref<256x128xf32, #tpu.memory_space<vmem>>, vector<256x128xf32>
    tpu.vector_store %arg8[%swap3A, %swap3A_56], %dot_general3A_55 {strides = array<i32>} : memref<256x128xf32, #tpu.memory_space<vmem>>, vector<256x128xf32>,
    %get3A_58 = arith.constant 0 : index
    %get3A_59 = arith.constant 0 : index
    %get3A_60 = vector.load %arg1[%get3A_58, %get3A_59] : memref<10000x128xf32, #tpu.memory_space<vmem>>, vector<10000x128xf32>
    %gt3A_61 = arith.constant 0.000000e+00 : f32
    %gt3A_62 = vector.broadcast %gt3A_61 : f32 to vector<10000x256xf32>
    %gt3A_63 = arith.cmpf ogt, %convert_element_type3A_18, %gt3A_62 : vector<10000x256xf32>
    %jit3A_64 = arith.constant -1.000000e+30 : f32
    %broadcast_in_dim3A_65 = vector.shape_cast %tanh3A : vector<10000x1xf32> to vector<10000x1xf32>
    %broadcast_in_dim3A_66 = vector.broadcast %broadcast_in_dim3A_65 : vector<10000x1xf32> to vector<10000x256xf32>
    %broadcast_in_dim3A_67 = vector.broadcast %jit3A_64 : f32 to vector<10000x256xf32>
    %select_n3A_68 = arith.select %gt3A_63, %broadcast_in_dim3A_66, %broadcast_in_dim3A_67 : vector<10000x256xi1>, vector<10000x256xf32>
    %reduce_max3A_69 = arith.constant dense<0xFF800000> : vector<256xf32>
    %reduce_max3A_70 = vector.multi_reduction <maximumf>, %select_n3A_68, %reduce_max3A_69 [0] : vector<10000x256xf32> to vector<256xf32>
    %broadcast_in_dim3A_71 = vector.shape_cast %reduce_max3A_70 : vector<256xf32> to vector<1x256xf32>
    %gt3A_72 = arith.constant -1.000000e+29 : f32
    %gt3A_73 = vector.broadcast %gt3A_72 : f32 to vector<1x256xf32>
    %gt3A_74 = arith.cmpf ogt, %broadcast_in_dim3A_71, %gt3A_73 : vector<1x256xf32>
    %jit3A_75 = arith.constant 0.000000e+00 : f32
    %broadcast_in_dim3A_76 = vector.broadcast %jit3A_75 : f32 to vector<1x256xf32>
    %select_n3A_77 = arith.select %gt3A_74, %broadcast_in_dim3A_71, %broadcast_in_dim3A_76 : vector<1x256xi1>, vector<1x256xf32>
    %mul3A_78 = vector.broadcast %select_n3A_77 : vector<1x256xf32> to vector<10000x256xf32>
    %mul3A_79 = arith.mulf %convert_element_type3A_18, %mul3A_78 : vector<10000x256xf32>
    %reduce_sum3A_80 = arith.constant dense<0.000000e+00> : vector<10000xf32>
    %reduce_sum3A_81 = vector.multi_reduction <add>, %mul3A_79, %reduce_sum3A_80 [1] : vector<10000x256xf32> to vector<10000xf32>
    %broadcast_in_dim3A_82 = vector.shape_cast %reduce_sum3A_81 : vector<10000xf32> to vector<10000x1xf32>
    %sub3A_83 = arith.subf %tanh3A, %broadcast_in_dim3A_82 : vector<10000x1xf32>
    %exp3A_84 = math.exp %sub3A_83 : vector<10000x1xf32>
    %mul3A_85 = vector.broadcast %exp3A_84 : vector<10000x1xf32> to vector<10000x256xf32>
    %mul3A_86 = arith.mulf %convert_element_type3A_18, %mul3A_85 : vector<10000x256xf32>
    %reduce_sum3A_87 = arith.constant dense<0.000000e+00> : vector<256xf32>
    %reduce_sum3A_88 = vector.multi_reduction <add>, %mul3A_86, %reduce_sum3A_87 [0] : vector<10000x256xf32> to vector<256xf32>
    %broadcast_in_dim3A_89 = vector.shape_cast %reduce_sum3A_88 : vector<256xf32> to vector<1x256xf32>
    %mul3A_90 = vector.broadcast %broadcast_in_dim3A_89 : vector<1x256xf32> to vector<10000x256xf32>
    %mul3A_91 = arith.mulf %convert_element_type3A_18, %mul3A_90 : vector<10000x256xf32>
    %reduce_sum3A_92 = arith.constant dense<0.000000e+00> : vector<10000xf32>
    %reduce_sum3A_93 = vector.multi_reduction <add>, %mul3A_91, %reduce_sum3A_92 [1] : vector<10000x256xf32> to vector<10000xf32>
    %broadcast_in_dim3A_94 = vector.shape_cast %reduce_sum3A_93 : vector<10000xf32> to vector<10000x1xf32>
    %div3A_95 = arith.divf %exp3A_84, %broadcast_in_dim3A_94 : vector<10000x1xf32>
    %mul3A_96 = vector.broadcast %div3A_95 : vector<10000x1xf32> to vector<10000x128xf32>
    %mul3A_97 = arith.mulf %get3A_60, %mul3A_96 : vector<10000x128xf32>
    %dot_general3A_98 = arith.constant dense<0.000000e+00> : vector<256x128xf32>
    %dot_general3A_99 = tpu.matmul %convert_element_type3A_18, %mul3A_97, %dot_general3A_98 {dimension_numbers = #tpu.dot_dimension_numbers<[0], [0], [1], [1], [0, 1, 1, 1], [], []>, transpose_lhs_hint = false} : vector<10000x256xf32>, vector<10000x128xf32>, vector<256x128xf32> -> vector<256x128xf32>
    %swap3A_100 = arith.constant 0 : index
    %swap3A_101 = arith.constant 0 : index
    %swap3A_102 = vector.load %arg9[%swap3A_100, %swap3A_101] : memref<256x128xf32, #tpu.memory_space<vmem>>, vector<256x128xf32>
    tpu.vector_store %arg9[%swap3A_100, %swap3A_101], %dot_general3A_99 {strides = array<i32>} : memref<256x128xf32, #tpu.memory_space<vmem>>, vector<256x128xf32>,
    return
  }
}

</mosaic_0001>

<sc_bundles>
// kernel: kernel.11.cloned.1.call-start
scs
__scs_entry_jumppad:
0x0: {  	(pc) =	sbr.rel $0x88, $3  }
0x1: {  	(tag) =	ssettag $0x0;
	lr =	simm.s32 $0x1  }
0x2: {  	[smem:$0x3F8C] =	sst lr;
	_ =	strace $0xD0000000  }
0x3: {  	_ = 	snop  }
0x4: {  	_ = 	snop  }
0x5: {  	_ = 	snop  }
0x6: {  	_ = 	snop  }
0x7: {  	_ = 	snop  }
__scs_overlays_trampoline_lowered:
0x8: {  	[smem:$0x3F9B] =	sst s0  }
0x9: {  	[smem:$0x3F9C] =	sst s1  }
0xa: {  	[smem:$0x3F9D] =	sst s2  }
0xb: {  	[smem:$0x3F9E] =	sst s3  }
0xc: {  	[smem:$0x3F9F] =	sst s4  }
0xd: {  	[smem:$0x3FA0] =	sst s5  }
0xe: {  	[smem:$0x3FA1] =	sst s6  }
0xf: {  	[smem:$0x3FA2] =	sst s7  }
0x10: {  	[smem:$0x3FA3] =	sst s8  }
0x11: {  	[smem:$0x3FA4] =	sst s9;
	s0 =	simm.s32 @!p0 $0x0  }
0x12: {  	s1 =	sld [smem:$0x3F8A];
	s0 =	simm.s32 @p0 $0x1  }
0x13: {  	[smem:$0x3FA5] =	sst s0;
	s0 =	simm.s32 @!p1 $0x0  }
0x14: {  	s2 =	sld [smem:$0x3F89];
	s0 =	simm.s32 @p1 $0x1  }
0x15: {  	[smem:$0x3FA6] =	sst s0;
	s0 =	simm.s32 @!p2 $0x0  }
0x16: {  	s3 =	sld [smem:$0x3FDB];
	s0 =	simm.s32 @p2 $0x1  }
0x17: {  	s4 =	simm.s32 $0x1BF5;
	[smem:$0x3FA8] =	sst s0  }
0x18: {  	s0 =	sld [smem:$0x3F8B];
	_ =	swait.ge [sflag:s4], $0x0  }
0x19: {  	s7 =	sld [smem:$0x3F8C]  }
0x1a: {  	s8 =	sadd.s32 $0xFFFFE003, lr  }
0x1b: {  	s9 =	sadd.s32 $0xFFFFFEF7, lr;
	s5 =	simm.s32 $0xFFFFFFFF;
	p2 =	slt.u32 s8, $0xFFFFF086  }
0x1c: {  	p1 =	slt.u32 s9, $0xF7A;
	s5 =	simm.s32 @!p2 $0x0  }
0x1d: {  	s5 =	simm.s32 @p1 $0x1;
	p0 =	seq.s32 s7, s2  }
0x1e: {  	s7 =	smul.u32 @!p0 $0xF7A, s2;
	p2 =	seq.s32 @!p0 s5, $0x0  }
0x1f: {  	s9 =	smul.u32 $0xF7A, s1;
	s8 =	simm.s32 @!p0 $0x1BF5;
	p2 =	por !p2, p0  }
0x20: {  	[sflag:s8] =	ssyncset.s32 @!p0 $0xFFFFF086;
	s6 =	sadd.s32 @!p0 s3, s7;
	s7 =	simm.s32 @!p0 $0x108  }
0x21: {  	s3 =	sadd.s32 s3, s9;
	s6 =	sadd.s32 @!p0 $0x88, s6;
	s7 =	simm.s32 @p2 $0x1082  }
0x22: {  	[simem:s7], [sflag:s8] =	dma.local @!p0 [hbm:s6], $0xF7A  }
0x23: {  	s9 =	sor.u32 $0xD0000000, s2;
	s6 =	simm.s32 $0x108;
	_ =	swait.ge @!p0 [sflag:s8], $0x0  }
0x24: {  	s3 =	sadd.s32 $0x88, s3;
	s6 =	simm.s32 @!p1 $0x1082;
	[sflag:s4] =	ssyncset.s32 $0xFFFFF086  }
0x25: {  	[simem:s6], [sflag:s4] =	dma.local [hbm:s3], $0xF7A  }
0x26: {  	[smem:$0x3F8C] =	sst s1;
	(tag) =	ssettag s2;
	_ =	strace s9  }
0x27: {  	s1 =	sld [smem:$0x3F9C]  }
0x28: {  	s2 =	sld [smem:$0x3F9D]  }
0x29: {  	s4 =	sld [smem:$0x3F9F]  }
0x2a: {  	p0 =	seq.s32 s5, $0x0;
	s5 =	sld [smem:$0x3FA0]  }
0x2b: {  	s6 =	sld [smem:$0x3FA1]  }
0x2c: {  	s7 =	sld [smem:$0x3FA2]  }
0x2d: {  	s3 =	simm.s32 $0x108;
	s8 =	sld [smem:$0x3FA3]  }
0x2e: {  	s3 =	simm.s32 @!p0 $0x1082;
	s9 =	sld [smem:$0x3FA4]  }
0x2f: {  	lr =	sadd.s32 s0, s3;
	s0 =	sld [smem:$0x3F9B]  }
0x30: {  	s3 =	sld [smem:$0x3F9E]  }
0x31: {  	[smem:$0x3FA7] =	sst s10  }
0x32: {  	s10 =	sld [smem:$0x3FA5];
	_ =	sdelay $0x3  }
0x33: {  	p0 =	seq.s32 s10, $0x1;
	s10 =	sld [smem:$0x3FA7];
	_ =	sdelay $0x3  }
0x34: {  	[smem:$0x3FA7] =	sst s10  }
0x35: {  	s10 =	sld [smem:$0x3FA6];
	_ =	sdelay $0x3  }
0x36: {  	p1 =	seq.s32 s10, $0x1;
	s10 =	sld [smem:$0x3FA7];
	_ =	sdelay $0x3  }
0x37: {  	[smem:$0x3FA7] =	sst s10  }
0x38: {  	s10 =	sld [smem:$0x3FA8]  }
0x39: {  	_ = 	snop;
	(pc) =	sbr.ind lr, $3  }
0x3a: {  	_ = 	snop  }
0x3b: {  	_ = 	snop  }
0x3c: {  	p2 =	seq.s32 s10, $0x1;
	s10 =	sld [smem:$0x3FA7]  }
0x3d: {  	_ =	shalt  }
0x3e: {  	_ =	shalt  }
0x3f: {  	_ =	shalt  }
0x40: {  	_ =	shalt  }
0x41: {  	_ =	shalt  }
0x42: {  	_ =	shalt  }
0x43: {  	_ =	shalt  }
0x44: {  	_ =	shalt  }
0x45: {  	_ =	shalt  }
0x46: {  	_ =	shalt  }
0x47: {  	_ =	shalt  }
0x48: {  	_ =	shalt  }
0x49: {  	_ =	shalt  }
0x4a: {  	_ =	shalt  }
0x4b: {  	_ =	shalt  }
0x4c: {  	_ =	shalt  }
0x4d: {  	_ =	shalt  }
0x4e: {  	_ =	shalt  }
0x4f: {  	_ =	shalt  }
0x50: {  	_ =	shalt  }
0x51: {  	_ =	shalt  }
0x52: {  	_ =	shalt  }
0x53: {  	_ =	shalt  }
0x54: {  	_ =	shalt  }
0x55: {  	_ =	shalt  }
0x56: {  	_ =	shalt  }
0x57: {  	_ =	shalt  }
0x58: {  	_ =	shalt  }
0x59: {  	_ =	shalt  }
0x5a: {  	_ =	shalt  }
0x5b: {  	_ =	shalt  }
0x5c: {  	_ =	shalt  }
0x5d: {  	_ =	shalt  }
0x5e: {  	_ =	shalt  }
0x5f: {  	_ =	shalt  }
0x60: {  	_ =	shalt  }
0x61: {  	_ =	shalt  }
0x62: {  	_ =	shalt  }
0x63: {  	_ =	shalt  }
0x64: {  	_ =	shalt  }
0x65: {  	_ =	shalt  }
0x66: {  	_ =	shalt  }
0x67: {  	_ =	shalt  }
0x68: {  	_ =	shalt  }
0x69: {  	_ =	shalt  }
0x6a: {  	_ =	shalt  }
0x6b: {  	_ =	shalt  }
0x6c: {  	_ =	shalt  }
0x6d: {  	_ =	shalt  }
0x6e: {  	_ =	shalt  }
0x6f: {  	_ =	shalt  }
0x70: {  	_ =	shalt  }
0x71: {  	_ =	shalt  }
0x72: {  	_ =	shalt  }
0x73: {  	_ =	shalt  }
0x74: {  	_ =	shalt  }
0x75: {  	_ =	shalt  }
0x76: {  	_ =	shalt  }
0x77: {  	_ =	shalt  }
0x78: {  	_ =	shalt  }
0x79: {  	_ =	shalt  }
0x7a: {  	_ =	shalt  }
0x7b: {  	_ =	shalt  }
0x7c: {  	_ =	shalt  }
0x7d: {  	_ =	shalt  }
0x7e: {  	_ =	shalt  }
0x7f: {  	_ =	shalt  }
0x80: {  	_ =	shalt  }
0x81: {  	_ =	shalt  }
0x82: {  	_ =	shalt  }
0x83: {  	_ =	shalt  }
0x84: {  	_ =	shalt  }
0x85: {  	_ =	shalt  }
0x86: {  	_ =	shalt  }
0x87: {  	_ =	shalt  }
.Lfunc_end0:
.L_simem_size_0:
called_computation_lowered:
.L_overlay_start_0:
0x88: {  	s2 =	sld [smem:$0x3FD9]  }
0x89: {  	s3 =	sld [smem:$0x3FFE];
	_ =	sdelay $0x1  }
0x8a: {  	s1 =	srdreg.scid  }
0x8b: {  	s0 =	sand.u32 $0x1, s1  }
0x8c: {  	s17 =	sshll.u32 s0, $0xA;
	s2 =	sadd.s32 s3, s2  }
0x8d: {  	s2 =	sadd.s32 s2, s17  }
0x8e: {  	[smem:$0x3FB3] =	sst s2  }
0x8f: {  	_ = 	snop  }
0x90: {  	(tm) =	ssettm $0x1  }
0x91: {  	s18 =	sld [smem:$0x3FFB];
	_ =	sdelay $0x3  }
0x92: {  	_ =	strace s18  }
0x93: {  	s2 =	sld [smem:$0x3FFC];
	_ =	sdelay $0x3  }
0x94: {  	_ =	strace s2  }
0x95: {  	s2 =	sld [smem:$0x3FFD];
	_ =	sdelay $0x3  }
0x96: {  	_ =	strace s2  }
0x97: {  	_ =	strace $0x8FFFFFFF  }
0x98: {  	s19 =	sld [smem:$0x3FDB];
	_ =	sdelay $0x1  }
0x99: {  	s20 =	simm.s32 $_scs_section_size  }
0x9a: {  	s4 =	simm.s32 $_size__tile_overlayer_lowered;
	s5 =	simm.s32 $_tile_overlayer_lowered  }
0x9b: {  	s6 =	simm.s32 $0x1BFF;
	s21 =	sshll.u32 s5, $0x1;
	s3 =	sadd.s32 s20, s19  }
0x9c: {  	s22 =	simm.s32 $0x0;
	s4 =	sshll.u32 s4, $0x1;
	s5 =	sadd.s32 s21, s3  }
0x9d: {  	[timem:s22], [sflag:s6] =	dma.local [hbm:s5], s4  }
0x9e: {  	_ =	swait.ge [sflag:s6], s4  }
0x9f: {  	s4 =	ssub.s32 $0x0, s4;
	[sflag:s6] =	ssyncset.done $0x0  }
0xa0: {  	[sflag:s6] =	ssyncadd.s32 s4;
	_ =	sdelay $0x1  }
0xa1: {  	s23 =	simm.s32 $0x1B8B  }
0xa2: {  	_ =	swait.ge [sflag:s23], $0x1  }
0xa3: {  	[sflag:s23] =	ssyncset.done $0x0  }
0xa4: {  	[sflag:s23] =	ssyncadd.s32 $0xFFFFFFFF  }
0xa5: {  	s4 =	sld [smem:$0x0]  }
0xa6: {  	s5 =	sand.u32 $0xFFFFFFFE, s1  }
0xa7: {  	p0 =	sne.s32 s1, s5  }
0xa8: {  	s5 =	sshll.u32 @p0 s5, $0xE  }
0xa9: {  	s5 =	sadd.s32 @p0 $0x11B8D, s5;
	s6 =	sshll.u32 @p0 s4, $0x11  }
0xaa: {  	s5 =	sor.u32 @p0 s6, s5  }
0xab: {  	[sflag:s5] =	ssyncadd.remote.s32 @p0 $0x1;
	_ =	sdelay $0x1  }
0xac: {  	s5 =	simm.s32 @p0 $0x1B8D  }
0xad: {  	_ =	swait.eq @p0 [sflag:s5], $0x1  }
0xae: {  	[sflag:s5] =	ssyncadd.s32 @p0 $0xFFFFFFFF  }
0xaf: {  	s6 =	sshll.u32 @!p0 s1, $0xE  }
0xb0: {  	s6 =	sor.u32 @!p0 $0x4000, s6;
	s5 =	simm.s32 @!p0 $0x1B8D  }
0xb1: {  	s4 =	sshll.u32 @!p0 s4, $0x11;
	s6 =	sadd.s32 @!p0 $0x11B8D, s6;
	_ =	swait.eq @!p0 [sflag:s5], $0x1  }
0xb2: {  	s4 =	sor.u32 @!p0 s4, s6;
	[sflag:s5] =	ssyncadd.s32 @!p0 $0xFFFFFFFF  }
0xb3: {  	s25 =	simm.s32 $0x1B8E;
	s24 =	sld [smem:$0x3FFE];
	[sflag:s4] =	ssyncadd.remote.s32 @!p0 $0x1  }
0xb4: {  	s26 =	simm.s32 $execute0_lowered;
	[smem:$0x3FD2] =	sst s25  }
0xb5: {  	s5 =	sshll.u32 s26, $0x1;
	_ =	strace $0x80000049;
	[dreg:$0x1] =	wrdreg $0xFFFFFFFF  }
0xb6: {  	s28 =	simm.s32 $_size_execute0_lowered;
	s3 =	sadd.s32 s3, s5;
	[dreg:$0x0] =	wrdreg $0x0  }
0xb7: {  	s5 =	sshll.u32 s28, $0x1;
	[dreg:$0x2] =	wrdreg s3  }
0xb8: {  	[dreg:$0x3] =	wrdreg s5  }
0xb9: {  	[dreg:$0x4] =	wrdreg $0xC0  }
0xba: {  	_ =	task [dreg:s22], $0x5FFFF  }
0xbb: {  	[dreg:$0x1] =	wrdreg $0xFFFFFFFF  }
0xbc: {  	[dreg:$0x0] =	wrdreg $0x60  }
0xbd: {  	[dreg:$0x2] =	wrdreg s24  }
0xbe: {  	[dreg:$0x3] =	wrdreg $0x90000  }
0xbf: {  	[dreg:$0x4] =	wrdreg $0x9  }
0xc0: {  	_ =	task.clear_ibuf [dreg:s22], $0x5FFFF;
	_ =	strace $0x90000049  }
0xc1: {  	s29 =	simm.s32 $0x9;
	_ =	strace $0x8000004B  }
0xc2: {  	_ =	swait.ge [sflag:s29], $0x1  }
0xc3: {  	[sflag:s29] =	ssyncadd.s32 $0xFFFFFFFF  }
0xc4: {  	_ =	strace $0x9000004B  }
0xc5: {  	_ =	sfence  }
0xc6: {  	s30 =	sld [smem:$0x0];
	_ =	sdelay $0x2  }
0xc7: {  	s31 =	sshll.u32 s1, $0xD;
	s1 =	sshrl.u32 s1, $0x2  }
0xc8: {  	s4 =	sand.u32 $0x4000, s31;
	s1 =	sadd.s32 s1, s30  }
0xc9: {  	s0 =	sor.u32 s4, s0;
	s1 =	sshll.u32 s1, $0x11  }
0xca: {  	s0 =	sor.u32 s1, s0  }
0xcb: {  	s0 =	sadd.s32 $0x8F2B, s0  }
0xcc: {  	[sflag:s0] =	ssyncadd.remote.s32 $0x1  }
0xcd: {  	_ =	sfence.sel $0xFFFF  }
0xce: {  	[dreg:$0x0] =	wrdreg $0xFFFFFFFF;
	(pc) =	sbr.abs _section_cstart, $3  }
0xcf: {  	[dreg:$0x1] =	wrdreg $0xFFFFFFFF  }
0xd0: {  	_ =	task.clear_ibuf [dreg:s22], $0x2FFFF;
	_ =	strace $0x9FFFFFFF  }
0xd1: {  	(tm) =	ssettm $0x7FFFFFFF  }
tec
execute0_lowered:
.L_overlay_start_1:
0x0: {  	(tag) =	ssettag $0x1  }
0x1: {  	s5 =	rddreg [dreg:$0x0];
	s1 =	srdreg.scid  }
0x2: {  	s0 =	stileid.u32;
	s2 =	rddreg [dreg:$0x1]  }
0x3: {  	s3 =	simm.s32 $0x0;
	s21 =	simm.s32 $0x80;
	s22 =	simm.s32 $0x1  }
0x4: {  	s23 =	simm.s32 $0x0;
	s7 =	sand.u32 $0x1, s1;
	s1 =	rddreg [dreg:$0x2]  }
0x5: {  	s4 =	sshll.u32 s0, $0x1;
	[smem:$0x7FF] =	sst s3;
	s8 =	smul.u32 $0x50000, s0  }
0x6: {  	s11 =	smul.u32 $0x14000, s0;
	s16 =	sadd.s32 $0x49A00, s5;
	s4 =	sor.u32 s7, s4  }
0x7: {  	_ =	strace $0x8000004A;
	s9 =	ssub.s32 $0x2, s7;
	s19 =	smul.u32 $0x140000, s7  }
0x8: {  	s6 =	smul.u32 $0x500, s4;
	s4 =	sadd.s32 $0x22800, s5;
	s29 =	sshrl.u32 s9, $0x1  }
0x9: {  	s30 =	sshrl.u32 s8, $0x2;
	s13 =	sadd.s32 $0x4000, s11;
	s14 =	sadd.s32 $0x8000, s11  }
0xa: {  	s15 =	sadd.s32 $0xC000, s11;
	s18 =	sadd.s32 $0x10000, s11;
	s17 =	ssub.s32 s9, s29  }
0xb: {  	s7 =	sadd.s32 s14, s2;
	s8 =	sadd.s32 s15, s2;
	s9 =	sadd.s32 s18, s2  }
0xc: {  	s20 =	sadd.s32 s11, s19;
	s14 =	sadd.s32 s19, s14;
	s15 =	sadd.s32 s19, s15  }
0xd: {  	s18 =	sadd.s32 s19, s18;
	s12 =	sadd.s32 s6, s5;
	s5 =	sadd.s32 s30, s2  }
0xe: {  	s6 =	sadd.s32 s13, s2;
	s13 =	sadd.s32 s19, s13;
	s31 =	sshrl.u32 s20, $0x3  }
0xf: {  	s14 =	sshrl.u32 s14, $0x3;
	s15 =	sshrl.u32 s15, $0x3;
	s18 =	sshrl.u32 s18, $0x3  }
0x10: {  	s17 =	smax.u32 s17, $0x1;
	s19 =	simm.s32 $0x2;
	s20 =	simm.s32 $0x2800  }
0x11: {  	s10 =	sadd.s32 $0x4800, s12;
	s11 =	sadd.s32 $0xE800, s12;
	s13 =	sshrl.u32 s13, $0x3  }
0x12: {  	s12 =	sadd.s32 s16, s31;
	s14 =	sadd.s32 s16, s14;
	s15 =	sadd.s32 s16, s15  }
0x13: {  	v0 =	vimm.f32 $0.0e+00;
	s13 =	sadd.s32 s16, s13;
	s16 =	sadd.s32 s16, s18;
	s18 =	simm.s32 $0x5000  }
.LBB2_1:
0x14: {  	s24 =	simm.s32 $0x0;
	s25 =	simm.s32 $0x200  }
.LBB2_2:
0x15: {  	p0 =	sne.s32 s25, $0xFE00;
	[tilespmem:s24+$0x5070] =	vst v0  }
0x16: {  	[tilespmem:s24+$0x5000] =	vst v0  }
0x17: {  	[tilespmem:s24+$0x5010] =	vst v0  }
.Ltmp0:
0x18: {  	[tilespmem:s24+$0x5020] =	vst v0;
	(pc) =	sbr.rel @p0 .LBB2_2-.Ltmp0, $4  }
0x19: {  	[tilespmem:s24+$0x5030] =	vst v0  }
0x1a: {  	[tilespmem:s24+$0x5040] =	vst v0  }
0x1b: {  	[tilespmem:s24+$0x5050] =	vst v0  }
0x1c: {  	[tilespmem:s24+$0x5060] =	vst v0;
	s24 =	sshra.s32 s25, $0x2;
	s25 =	sadd.s32 $0x200, s25  }
0x1d: {  	[tilespmem:s24+$0x5070] =	vst v0  }
0x1e: {  	[tilespmem:s24+$0x5000] =	vst v0  }
0x1f: {  	[tilespmem:s24+$0x5010] =	vst v0  }
0x20: {  	[tilespmem:s24+$0x5020] =	vst v0  }
0x21: {  	[tilespmem:s24+$0x5030] =	vst v0  }
0x22: {  	[tilespmem:s24+$0x5040] =	vst v0  }
0x23: {  	[tilespmem:s24+$0x5050] =	vst v0  }
0x24: {  	[tilespmem:s24+$0x5060] =	vst v0  }
0x25: {  	[spmem:s5] =	stream.linear.scatter [tilespmem:s18], [sflag:$0x2], $0x4000, $0x38;
	[tilespmem:$0x1D000] =	vst v63  }
0x26: {  	_ =	swait.ge [sflag:s19], $0x4000  }
0x27: {  	[sflag:s19] =	ssyncset.done $0x0  }
0x28: {  	[sflag:s19] =	ssyncadd.s32 $0xFFFFC000  }
0x29: {  	[spmem:s6] =	stream.linear.scatter [tilespmem:s18], [sflag:$0x2], $0x4000, $0x38;
	[tilespmem:$0x1D000] =	vst v63  }
0x2a: {  	_ =	swait.ge [sflag:s19], $0x4000  }
0x2b: {  	[sflag:s19] =	ssyncset.done $0x0  }
0x2c: {  	[sflag:s19] =	ssyncadd.s32 $0xFFFFC000  }
0x2d: {  	[spmem:s7] =	stream.linear.scatter [tilespmem:s18], [sflag:$0x2], $0x4000, $0x38;
	[tilespmem:$0x1D000] =	vst v63  }
0x2e: {  	_ =	swait.ge [sflag:s19], $0x4000  }
0x2f: {  	[sflag:s19] =	ssyncset.done $0x0  }
0x30: {  	[sflag:s19] =	ssyncadd.s32 $0xFFFFC000  }
0x31: {  	[spmem:s8] =	stream.linear.scatter [tilespmem:s18], [sflag:$0x2], $0x4000, $0x38;
	[tilespmem:$0x1D000] =	vst v63  }
0x32: {  	_ =	swait.ge [sflag:s19], $0x4000  }
0x33: {  	[sflag:s19] =	ssyncset.done $0x0  }
0x34: {  	[sflag:s19] =	ssyncadd.s32 $0xFFFFC000  }
0x35: {  	[spmem:s9] =	stream.linear.scatter [tilespmem:s18], [sflag:$0x2], $0x4000, $0x38;
	[tilespmem:$0x1D000] =	vst v63  }
0x36: {  	_ =	swait.ge [sflag:s19], $0x4000  }
0x37: {  	[sflag:s19] =	ssyncset.done $0x0  }
0x38: {  	[sflag:s19] =	ssyncadd.s32 $0xFFFFC000  }
0x39: {  	s29 =	simm.s32 $0x0;
	[bflag:$0x0] =	sbarrier.arrive $0xFFFF  }
0x3a: {  	[tilespmem:s29], [sflag:$0x2] =	stream.linear.gather [hbm4b:s10+s29], $0x2780, $0x38;
	[tilespmem:$0x1D000] =	vst v63  }
0x3b: {  	_ =	swait.ge [sflag:s19], $0x2780  }
0x3c: {  	[sflag:s19] =	ssyncset.done $0x0  }
0x3d: {  	[sflag:s19] =	ssyncadd.s32 $0xFFFFD880  }
0x3e: {  	[tilespmem:s20], [sflag:$0x2] =	stream.linear.gather [hbm4b:s11+s29], $0x2780, $0x38;
	[tilespmem:$0x1D000] =	vst v63  }
0x3f: {  	_ =	swait.ge [sflag:s19], $0x2780  }
0x40: {  	[sflag:s19] =	ssyncset.done $0x0  }
0x41: {  	s30 =	simm.s32 $0x0;
	[sflag:s19] =	ssyncadd.s32 $0xFFFFD880  }
0x42: {  	[tilespmem:s18], [sflag:$0x1] =	stream.indirect.gather [hbm4b:s4+s21], $0x80, s30, s21, $0xb8;
	[tilespmem:$0x1D000] =	vst v63  }
0x43: {  	_ =	swait.ge [sflag:s22], $0x4000  }
0x44: {  	[sflag:s22] =	ssyncset.done $0x0  }
0x45: {  	s31 =	simm.s32 $0x2800;
	[sflag:s22] =	ssyncadd.s32 $0xFFFFC000  }
0x46: {  	[spmem:s2] =	stream.indirect.scatter.add.f32 [tilespmem:s18], [sflag:$0x2], $0x80, s31, s21, $0xb8;
	[tilespmem:$0x1D000] =	vst v63  }
0x47: {  	_ =	swait.ge [sflag:s19], $0x4000  }
0x48: {  	s24 =	simm.s32 $0x200;
	s25 =	simm.s32 $0x400;
	[sflag:s19] =	ssyncset.done $0x0  }
.LBB2_4:
0x49: {  	s26 =	sshra.s32 s24, $0x2  }
0x4a: {  	[sflag:s19] =	ssyncadd.s32 $0xFFFFC000;
	s24 =	smov.u32 s25;
	s28 =	sadd.s32 $0x200, s25  }
0x4b: {  	[tilespmem:s18], [sflag:$0x1] =	stream.indirect.gather [hbm4b:s4+s21], $0x80, s26, s21, $0xb8;
	[tilespmem:$0x1D000] =	vst v63  }
0x4c: {  	p0 =	sne.s32 s25, $0x9C00;
	_ =	swait.ge [sflag:s22], $0x4000  }
.Ltmp1:
0x4d: {  	[sflag:s22] =	ssyncset.done $0x0;
	(pc) =	sbr.rel @p0 .LBB2_4-.Ltmp1, $4  }
0x4e: {  	s25 =	sadd.s32 $0x2800, s26;
	[sflag:s22] =	ssyncadd.s32 $0xFFFFC000  }
0x4f: {  	[spmem:s2] =	stream.indirect.scatter.add.f32 [tilespmem:s18], [sflag:$0x2], $0x80, s25, s21, $0xb8;
	[tilespmem:$0x1D000] =	vst v63  }
0x50: {  	_ =	swait.ge [sflag:s19], $0x4000  }
0x51: {  	s25 =	smov.u32 s28;
	[sflag:s19] =	ssyncset.done $0x0  }
0x52: {  	s24 =	sshra.s32 s24, $0x2;
	[sflag:s19] =	ssyncadd.s32 $0xFFFFC000  }
0x53: {  	[tilespmem:s18], [sflag:$0x1] =	stream.indirect.gather [hbm4b:s4+s21], $0x80, s24, s21, $0xb8;
	[tilespmem:$0x1D000] =	vst v63  }
0x54: {  	_ =	swait.ge [sflag:s22], $0x4000  }
0x55: {  	[sflag:s22] =	ssyncset.done $0x0  }
0x56: {  	s24 =	sadd.s32 $0x2800, s24;
	[sflag:s22] =	ssyncadd.s32 $0xFFFFC000  }
0x57: {  	[spmem:s2] =	stream.indirect.scatter.add.f32 [tilespmem:s18], [sflag:$0x2], $0x80, s24, s21, $0xb8;
	[tilespmem:$0x1D000] =	vst v63  }
0x58: {  	_ =	swait.ge [sflag:s19], $0x4000  }
0x59: {  	[sflag:s19] =	ssyncset.done $0x0  }
0x5a: {  	[sflag:s19] =	ssyncadd.s32 $0xFFFFC000  }
0x5b: {  	[bflag:$0x0] =	sbarrier.arrive $0xFFFF  }
0x5c: {  	[tilespmem:s18], [sflag:$0x2] =	stream.linear.gather [spmem:s5], $0x4000, $0x38;
	[tilespmem:$0x1D000] =	vst v63  }
0x5d: {  	_ =	swait.ge [sflag:s19], $0x4000  }
0x5e: {  	[sflag:s19] =	ssyncset.done $0x0  }
0x5f: {  	[sflag:s19] =	ssyncadd.s32 $0xFFFFC000  }
0x60: {  	[hbm4b:s12+s3] =	stream.linear.scatter [tilespmem:s18], [sflag:$0x2], $0x4000, $0x38;
	[tilespmem:$0x1D000] =	vst v63  }
0x61: {  	_ =	swait.ge [sflag:s19], $0x4000  }
0x62: {  	[sflag:s19] =	ssyncset.done $0x0  }
0x63: {  	[sflag:s19] =	ssyncadd.s32 $0xFFFFC000  }
0x64: {  	[tilespmem:s18], [sflag:$0x2] =	stream.linear.gather [spmem:s6], $0x4000, $0x38;
	[tilespmem:$0x1D000] =	vst v63  }
0x65: {  	_ =	swait.ge [sflag:s19], $0x4000  }
0x66: {  	[sflag:s19] =	ssyncset.done $0x0  }
0x67: {  	[sflag:s19] =	ssyncadd.s32 $0xFFFFC000  }
0x68: {  	[hbm4b:s13+s3] =	stream.linear.scatter [tilespmem:s18], [sflag:$0x2], $0x4000, $0x38;
	[tilespmem:$0x1D000] =	vst v63  }
0x69: {  	_ =	swait.ge [sflag:s19], $0x4000  }
0x6a: {  	[sflag:s19] =	ssyncset.done $0x0  }
0x6b: {  	[sflag:s19] =	ssyncadd.s32 $0xFFFFC000  }
0x6c: {  	[tilespmem:s18], [sflag:$0x2] =	stream.linear.gather [spmem:s7], $0x4000, $0x38;
	[tilespmem:$0x1D000] =	vst v63  }
0x6d: {  	_ =	swait.ge [sflag:s19], $0x4000  }
0x6e: {  	[sflag:s19] =	ssyncset.done $0x0  }
0x6f: {  	[sflag:s19] =	ssyncadd.s32 $0xFFFFC000  }
0x70: {  	[hbm4b:s14+s3] =	stream.linear.scatter [tilespmem:s18], [sflag:$0x2], $0x4000, $0x38;
	[tilespmem:$0x1D000] =	vst v63  }
0x71: {  	_ =	swait.ge [sflag:s19], $0x4000  }
0x72: {  	[sflag:s19] =	ssyncset.done $0x0  }
0x73: {  	[sflag:s19] =	ssyncadd.s32 $0xFFFFC000  }
0x74: {  	[tilespmem:s18], [sflag:$0x2] =	stream.linear.gather [spmem:s8], $0x4000, $0x38;
	[tilespmem:$0x1D000] =	vst v63  }
0x75: {  	_ =	swait.ge [sflag:s19], $0x4000  }
0x76: {  	[sflag:s19] =	ssyncset.done $0x0  }
0x77: {  	[sflag:s19] =	ssyncadd.s32 $0xFFFFC000  }
0x78: {  	[hbm4b:s15+s3] =	stream.linear.scatter [tilespmem:s18], [sflag:$0x2], $0x4000, $0x38;
	[tilespmem:$0x1D000] =	vst v63  }
0x79: {  	_ =	swait.ge [sflag:s19], $0x4000  }
0x7a: {  	[sflag:s19] =	ssyncset.done $0x0  }
0x7b: {  	[sflag:s19] =	ssyncadd.s32 $0xFFFFC000  }
0x7c: {  	[tilespmem:s18], [sflag:$0x2] =	stream.linear.gather [spmem:s9], $0x4000, $0x38;
	[tilespmem:$0x1D000] =	vst v63  }
0x7d: {  	s23 =	sadd.s32 $0x1, s23;
	_ =	swait.ge [sflag:s19], $0x4000  }
0x7e: {  	p0 =	sne.s32 s23, s17;
	[sflag:s19] =	ssyncset.done $0x0  }
.Ltmp2:
0x7f: {  	[sflag:s19] =	ssyncadd.s32 $0xFFFFC000;
	(pc) =	sbr.rel @p0 .LBB2_1-.Ltmp2, $4  }
0x80: {  	[hbm4b:s16+s3] =	stream.linear.scatter [tilespmem:s18], [sflag:$0x2], $0x4000, $0x38;
	[tilespmem:$0x1D000] =	vst v63  }
0x81: {  	_ =	swait.ge [sflag:s19], $0x4000  }
0x82: {  	[sflag:s19] =	ssyncset.done $0x0  }
0x83: {  	[sflag:s19] =	ssyncadd.s32 $0xFFFFC000  }
0x84: {  	_ =	sfence.sel $0x180000  }
0x85: {  	[bflag:$0x0] =	sbarrier.arrive $0xFFFF  }
0x86: {  	p0 =	sne.s32 s0, $0x0;
	_ =	strace $0x9000004A  }
0x87: {  	s0 =	sadd.s32 @!p0 $0x100000, s1;
	[bflag:$0x2] =	sbarrier.arrive $0xFFFF  }
0x88: {  	[sflag:s0] =	ssyncadd.tile.s32 @!p0 $0x1;
	_ =	shalt  }
.Lfunc_end2:
_tile_overlayer_lowered:
.L_overlay_start_2:
0x89: {  	(tag) =	ssettag $0x2  }
0x8a: {  	s0 =	rddreg [dreg:$0x0];
	s2 =	stileid.u32  }
0x8b: {  	s1 =	rddreg [dreg:$0x1];
	p0 =	sne.s32 s2, $0x0  }
0x8c: {  	s3 =	rddreg [dreg:$0x2];
	[bflag:$0x3] =	sbarrier.arrive $0xFFFF;
	s2 =	simm.s32 @!p0 $0x1C02  }
0x8d: {  	[timem:s3], [sflag:s2] =	dma.local @!p0 [hbm:s0], s1  }
0x8e: {  	s0 =	simm.s32 @!p0 $0x2  }
0x8f: {  	_ =	swait.ge @!p0 [sflag:s0], s1  }
0x90: {  	s1 =	ssub.s32 @!p0 $0x0, s1;
	[sflag:s0] =	ssyncset.done @!p0 $0x0  }
0x91: {  	[sflag:s0] =	ssyncadd.s32 @!p0 s1  }
0x92: {  	[bflag:$0x3] =	sbarrier.arrive $0xFFFF  }
0x93: {  	_ =	shalt  }

// kernel: kernel.14.cloned.1.call-start
scs
__scs_entry_jumppad:
0x0: {  	(pc) =	sbr.rel $0x88, $3  }
0x1: {  	(tag) =	ssettag $0x0;
	lr =	simm.s32 $0x1  }
0x2: {  	[smem:$0x3F8C] =	sst lr;
	_ =	strace $0xD0000000  }
0x3: {  	_ = 	snop  }
0x4: {  	_ = 	snop  }
0x5: {  	_ = 	snop  }
0x6: {  	_ = 	snop  }
0x7: {  	_ = 	snop  }
__scs_overlays_trampoline_lowered:
0x8: {  	[smem:$0x3F9B] =	sst s0  }
0x9: {  	[smem:$0x3F9C] =	sst s1  }
0xa: {  	[smem:$0x3F9D] =	sst s2  }
0xb: {  	[smem:$0x3F9E] =	sst s3  }
0xc: {  	[smem:$0x3F9F] =	sst s4  }
0xd: {  	[smem:$0x3FA0] =	sst s5  }
0xe: {  	[smem:$0x3FA1] =	sst s6  }
0xf: {  	[smem:$0x3FA2] =	sst s7  }
0x10: {  	[smem:$0x3FA3] =	sst s8  }
0x11: {  	[smem:$0x3FA4] =	sst s9;
	s0 =	simm.s32 @!p0 $0x0  }
0x12: {  	s1 =	sld [smem:$0x3F8A];
	s0 =	simm.s32 @p0 $0x1  }
0x13: {  	[smem:$0x3FA5] =	sst s0;
	s0 =	simm.s32 @!p1 $0x0  }
0x14: {  	s2 =	sld [smem:$0x3F89];
	s0 =	simm.s32 @p1 $0x1  }
0x15: {  	[smem:$0x3FA6] =	sst s0;
	s0 =	simm.s32 @!p2 $0x0  }
0x16: {  	s3 =	sld [smem:$0x3FDB];
	s0 =	simm.s32 @p2 $0x1  }
0x17: {  	s4 =	simm.s32 $0x1BF5;
	[smem:$0x3FA8] =	sst s0  }
0x18: {  	s0 =	sld [smem:$0x3F8B];
	_ =	swait.ge [sflag:s4], $0x0  }
0x19: {  	s7 =	sld [smem:$0x3F8C]  }
0x1a: {  	s8 =	sadd.s32 $0xFFFFE003, lr  }
0x1b: {  	s9 =	sadd.s32 $0xFFFFFEF7, lr;
	s5 =	simm.s32 $0xFFFFFFFF;
	p2 =	slt.u32 s8, $0xFFFFF086  }
0x1c: {  	p1 =	slt.u32 s9, $0xF7A;
	s5 =	simm.s32 @!p2 $0x0  }
0x1d: {  	s5 =	simm.s32 @p1 $0x1;
	p0 =	seq.s32 s7, s2  }
0x1e: {  	s7 =	smul.u32 @!p0 $0xF7A, s2;
	p2 =	seq.s32 @!p0 s5, $0x0  }
0x1f: {  	s9 =	smul.u32 $0xF7A, s1;
	s8 =	simm.s32 @!p0 $0x1BF5;
	p2 =	por !p2, p0  }
0x20: {  	[sflag:s8] =	ssyncset.s32 @!p0 $0xFFFFF086;
	s6 =	sadd.s32 @!p0 s3, s7;
	s7 =	simm.s32 @!p0 $0x108  }
0x21: {  	s3 =	sadd.s32 s3, s9;
	s6 =	sadd.s32 @!p0 $0x88, s6;
	s7 =	simm.s32 @p2 $0x1082  }
0x22: {  	[simem:s7], [sflag:s8] =	dma.local @!p0 [hbm:s6], $0xF7A  }
0x23: {  	s9 =	sor.u32 $0xD0000000, s2;
	s6 =	simm.s32 $0x108;
	_ =	swait.ge @!p0 [sflag:s8], $0x0  }
0x24: {  	s3 =	sadd.s32 $0x88, s3;
	s6 =	simm.s32 @!p1 $0x1082;
	[sflag:s4] =	ssyncset.s32 $0xFFFFF086  }
0x25: {  	[simem:s6], [sflag:s4] =	dma.local [hbm:s3], $0xF7A  }
0x26: {  	[smem:$0x3F8C] =	sst s1;
	(tag) =	ssettag s2;
	_ =	strace s9  }
0x27: {  	s1 =	sld [smem:$0x3F9C]  }
0x28: {  	s2 =	sld [smem:$0x3F9D]  }
0x29: {  	s4 =	sld [smem:$0x3F9F]  }
0x2a: {  	p0 =	seq.s32 s5, $0x0;
	s5 =	sld [smem:$0x3FA0]  }
0x2b: {  	s6 =	sld [smem:$0x3FA1]  }
0x2c: {  	s7 =	sld [smem:$0x3FA2]  }
0x2d: {  	s3 =	simm.s32 $0x108;
	s8 =	sld [smem:$0x3FA3]  }
0x2e: {  	s3 =	simm.s32 @!p0 $0x1082;
	s9 =	sld [smem:$0x3FA4]  }
0x2f: {  	lr =	sadd.s32 s0, s3;
	s0 =	sld [smem:$0x3F9B]  }
0x30: {  	s3 =	sld [smem:$0x3F9E]  }
0x31: {  	[smem:$0x3FA7] =	sst s10  }
0x32: {  	s10 =	sld [smem:$0x3FA5];
	_ =	sdelay $0x3  }
0x33: {  	p0 =	seq.s32 s10, $0x1;
	s10 =	sld [smem:$0x3FA7];
	_ =	sdelay $0x3  }
0x34: {  	[smem:$0x3FA7] =	sst s10  }
0x35: {  	s10 =	sld [smem:$0x3FA6];
	_ =	sdelay $0x3  }
0x36: {  	p1 =	seq.s32 s10, $0x1;
	s10 =	sld [smem:$0x3FA7];
	_ =	sdelay $0x3  }
0x37: {  	[smem:$0x3FA7] =	sst s10  }
0x38: {  	s10 =	sld [smem:$0x3FA8]  }
0x39: {  	_ = 	snop;
	(pc) =	sbr.ind lr, $3  }
0x3a: {  	_ = 	snop  }
0x3b: {  	_ = 	snop  }
0x3c: {  	p2 =	seq.s32 s10, $0x1;
	s10 =	sld [smem:$0x3FA7]  }
0x3d: {  	_ =	shalt  }
0x3e: {  	_ =	shalt  }
0x3f: {  	_ =	shalt  }
0x40: {  	_ =	shalt  }
0x41: {  	_ =	shalt  }
0x42: {  	_ =	shalt  }
0x43: {  	_ =	shalt  }
0x44: {  	_ =	shalt  }
0x45: {  	_ =	shalt  }
0x46: {  	_ =	shalt  }
0x47: {  	_ =	shalt  }
0x48: {  	_ =	shalt  }
0x49: {  	_ =	shalt  }
0x4a: {  	_ =	shalt  }
0x4b: {  	_ =	shalt  }
0x4c: {  	_ =	shalt  }
0x4d: {  	_ =	shalt  }
0x4e: {  	_ =	shalt  }
0x4f: {  	_ =	shalt  }
0x50: {  	_ =	shalt  }
0x51: {  	_ =	shalt  }
0x52: {  	_ =	shalt  }
0x53: {  	_ =	shalt  }
0x54: {  	_ =	shalt  }
0x55: {  	_ =	shalt  }
0x56: {  	_ =	shalt  }
0x57: {  	_ =	shalt  }
0x58: {  	_ =	shalt  }
0x59: {  	_ =	shalt  }
0x5a: {  	_ =	shalt  }
0x5b: {  	_ =	shalt  }
0x5c: {  	_ =	shalt  }
0x5d: {  	_ =	shalt  }
0x5e: {  	_ =	shalt  }
0x5f: {  	_ =	shalt  }
0x60: {  	_ =	shalt  }
0x61: {  	_ =	shalt  }
0x62: {  	_ =	shalt  }
0x63: {  	_ =	shalt  }
0x64: {  	_ =	shalt  }
0x65: {  	_ =	shalt  }
0x66: {  	_ =	shalt  }
0x67: {  	_ =	shalt  }
0x68: {  	_ =	shalt  }
0x69: {  	_ =	shalt  }
0x6a: {  	_ =	shalt  }
0x6b: {  	_ =	shalt  }
0x6c: {  	_ =	shalt  }
0x6d: {  	_ =	shalt  }
0x6e: {  	_ =	shalt  }
0x6f: {  	_ =	shalt  }
0x70: {  	_ =	shalt  }
0x71: {  	_ =	shalt  }
0x72: {  	_ =	shalt  }
0x73: {  	_ =	shalt  }
0x74: {  	_ =	shalt  }
0x75: {  	_ =	shalt  }
0x76: {  	_ =	shalt  }
0x77: {  	_ =	shalt  }
0x78: {  	_ =	shalt  }
0x79: {  	_ =	shalt  }
0x7a: {  	_ =	shalt  }
0x7b: {  	_ =	shalt  }
0x7c: {  	_ =	shalt  }
0x7d: {  	_ =	shalt  }
0x7e: {  	_ =	shalt  }
0x7f: {  	_ =	shalt  }
0x80: {  	_ =	shalt  }
0x81: {  	_ =	shalt  }
0x82: {  	_ =	shalt  }
0x83: {  	_ =	shalt  }
0x84: {  	_ =	shalt  }
0x85: {  	_ =	shalt  }
0x86: {  	_ =	shalt  }
0x87: {  	_ =	shalt  }
.Lfunc_end0:
.L_simem_size_0:
called_computation.1_lowered:
.L_overlay_start_0:
0x88: {  	s2 =	sld [smem:$0x3FD9]  }
0x89: {  	s3 =	sld [smem:$0x3FFE];
	_ =	sdelay $0x1  }
0x8a: {  	s1 =	srdreg.scid  }
0x8b: {  	s0 =	sand.u32 $0x1, s1  }
0x8c: {  	s17 =	sshll.u32 s0, $0xA;
	s2 =	sadd.s32 s3, s2  }
0x8d: {  	s2 =	sadd.s32 s2, s17  }
0x8e: {  	[smem:$0x3FB3] =	sst s2  }
0x8f: {  	_ = 	snop  }
0x90: {  	s2 =	sld [smem:$0x3FD0];
	(tm) =	ssettm $0x1  }
0x91: {  	s18 =	sld [smem:$0x3FFB];
	_ =	sdelay $0x3  }
0x92: {  	_ =	strace s18  }
0x93: {  	s3 =	sld [smem:$0x3FFC];
	_ =	sdelay $0x3  }
0x94: {  	_ =	strace s3  }
0x95: {  	s3 =	sld [smem:$0x3FFD];
	_ =	sdelay $0x3  }
0x96: {  	_ =	strace s3  }
0x97: {  	_ =	strace $0x8FFFFFFF  }
0x98: {  	s19 =	sld [smem:$0x3FDB];
	_ =	sdelay $0x1  }
0x99: {  	s4 =	simm.s32 $_scs_section_size  }
0x9a: {  	s5 =	simm.s32 $_size__tile_overlayer_lowered;
	s6 =	simm.s32 $_tile_overlayer_lowered  }
0x9b: {  	s22 =	simm.s32 $0x1BFF;
	s21 =	sshll.u32 s6, $0x1;
	s3 =	sadd.s32 s4, s19  }
0x9c: {  	s7 =	simm.s32 $0x0;
	s20 =	sshll.u32 s5, $0x1;
	s5 =	sadd.s32 s21, s3  }
0x9d: {  	[timem:s7], [sflag:s22] =	dma.local [hbm:s5], s20  }
0x9e: {  	_ =	swait.ge [sflag:s22], s20  }
0x9f: {  	s4 =	ssub.s32 $0x0, s20;
	[sflag:s22] =	ssyncset.done $0x0  }
0xa0: {  	[sflag:s22] =	ssyncadd.s32 s4;
	_ =	sdelay $0x1  }
0xa1: {  	s23 =	simm.s32 $0x1B8B  }
0xa2: {  	_ =	swait.ge [sflag:s23], $0x1  }
0xa3: {  	[sflag:s23] =	ssyncset.done $0x0  }
0xa4: {  	s25 =	simm.s32 $0x1B8E;
	s24 =	sld [smem:$0x3FFE];
	[sflag:s23] =	ssyncadd.s32 $0xFFFFFFFF  }
0xa5: {  	s26 =	simm.s32 $execute0_lowered;
	[smem:$0x3FD2] =	sst s25  }
0xa6: {  	s5 =	sshll.u32 s26, $0x1;
	_ =	strace $0x80000046;
	[dreg:$0x1] =	wrdreg $0xFFFFFFFF  }
0xa7: {  	s28 =	simm.s32 $_size_execute0_lowered;
	s3 =	sadd.s32 s3, s5;
	[dreg:$0x0] =	wrdreg $0x0  }
0xa8: {  	s5 =	sshll.u32 s28, $0x1;
	[dreg:$0x2] =	wrdreg s3  }
0xa9: {  	[dreg:$0x3] =	wrdreg s5  }
0xaa: {  	[dreg:$0x4] =	wrdreg $0xC0  }
0xab: {  	_ =	task [dreg:s7], $0x5FFFF  }
0xac: {  	[dreg:$0x1] =	wrdreg $0xFFFFFFFF  }
0xad: {  	[dreg:$0x0] =	wrdreg $0x60  }
0xae: {  	[dreg:$0x2] =	wrdreg s2  }
0xaf: {  	[dreg:$0x3] =	wrdreg s24  }
0xb0: {  	[dreg:$0x4] =	wrdreg $0xA  }
0xb1: {  	_ =	task.clear_ibuf [dreg:s7], $0x5FFFF;
	_ =	strace $0x90000046  }
0xb2: {  	s29 =	simm.s32 $0xA;
	_ =	strace $0x80000048  }
0xb3: {  	_ =	swait.ge [sflag:s29], $0x1  }
0xb4: {  	[sflag:s29] =	ssyncadd.s32 $0xFFFFFFFF  }
0xb5: {  	_ =	strace $0x90000048  }
0xb6: {  	_ =	sfence  }
0xb7: {  	s30 =	sld [smem:$0x0];
	_ =	sdelay $0x2  }
0xb8: {  	s31 =	sshll.u32 s1, $0xD;
	s1 =	sshrl.u32 s1, $0x2  }
0xb9: {  	s3 =	sand.u32 $0x4000, s31;
	s1 =	sadd.s32 s1, s30  }
0xba: {  	s0 =	sor.u32 s3, s0;
	s1 =	sshll.u32 s1, $0x11  }
0xbb: {  	s0 =	sor.u32 s1, s0  }
0xbc: {  	s0 =	sadd.s32 $0x8F2B, s0  }
0xbd: {  	[sflag:s0] =	ssyncadd.remote.s32 $0x1  }
0xbe: {  	_ =	sfence.sel $0xFFFF  }
0xbf: {  	[dreg:$0x0] =	wrdreg $0xFFFFFFFF;
	(pc) =	sbr.abs _section_cstart, $3  }
0xc0: {  	[dreg:$0x1] =	wrdreg $0xFFFFFFFF  }
0xc1: {  	_ =	task.clear_ibuf [dreg:s7], $0x2FFFF;
	_ =	strace $0x9FFFFFFF  }
0xc2: {  	(tm) =	ssettm $0x7FFFFFFF  }
0xc3: {  	_ =	shalt  }
tec
execute0_lowered:
.L_overlay_start_1:
0x0: {  	(tag) =	ssettag $0x1  }
0x1: {  	s2 =	rddreg [dreg:$0x0]  }
0x2: {  	s1 =	srdreg.scid;
	s0 =	stileid.u32  }
0x3: {  	s4 =	rddreg [dreg:$0x1];
	s9 =	simm.s32 $0x2800;
	s10 =	simm.s32 $0x5000  }
0x4: {  	s11 =	simm.s32 $0x7780;
	s12 =	simm.s32 $0x80;
	s13 =	simm.s32 $0x400  }
0x5: {  	s5 =	sand.u32 $0x1, s1;
	s3 =	sshll.u32 s0, $0x1;
	s1 =	rddreg [dreg:$0x2]  }
0x6: {  	s7 =	sshrl.u32 s0, $0x2;
	s6 =	sor.u32 s5, s3;
	s3 =	simm.s32 $0x0  }
0x7: {  	s7 =	smul.u32 $0x14000, s7;
	s5 =	ssub.s32 $0x2, s5;
	s8 =	sshll.u32 s6, $0x7  }
0x8: {  	[smem:$0x7FF] =	sst s3;
	s6 =	smul.u32 $0x500, s6;
	s8 =	sand.u32 $0x380, s8  }
0x9: {  	s31 =	sshrl.u32 s5, $0x1;
	_ =	strace $0x80000047;
	s7 =	sor.u32 s7, s8  }
0xa: {  	s6 =	sadd.s32 s6, s4;
	s8 =	ssub.s32 s5, s31;
	s7 =	sshrl.u32 s7, $0x3  }
0xb: {  	s5 =	sadd.s32 $0xE800, s6;
	s7 =	sadd.s32 s7, s4;
	s4 =	sadd.s32 $0x4800, s6  }
0xc: {  	v0 =	vimm.f32 $0.0e+00;
	s6 =	sadd.s32 $0x18800, s7;
	s7 =	smax.u32 s8, $0x1;
	s8 =	simm.s32 $0x1  }
.LBB2_1:
0xd: {  	s14 =	simm.s32 $0x40;
	s15 =	simm.s32 $0x0  }
.LBB2_2:
0xe: {  	p0 =	sne.s32 s14, $0x9FC0;
	[tilespmem:s15+$0x7780] =	vst v0;
	s15 =	smov.u32 s14;
	s14 =	sadd.s32 $0x40, s14  }
.Ltmp0:
0xf: {  	(pc) =	sbr.rel @p0 .LBB2_2-.Ltmp0, $2  }
0x10: {  	_ =	sdelay $0x2  }
0x11: {  	s15 =	sshra.s32 s15, $0x2  }
0x12: {  	[tilespmem:s15+$0x7780] =	vst v0;
	s14 =	simm.s32 $0x0  }
0x13: {  	[tilespmem:s14], [sflag:$0x1] =	stream.linear.gather [hbm4b:s4+s14], $0x2780, $0x38;
	[tilespmem:$0x9F80] =	vst v63  }
0x14: {  	_ =	swait.ge [sflag:s8], $0x2780  }
0x15: {  	[sflag:s8] =	ssyncset.done $0x0  }
0x16: {  	[sflag:s8] =	ssyncadd.s32 $0xFFFFD880  }
0x17: {  	[tilespmem:s9], [sflag:$0x1] =	stream.linear.gather [hbm4b:s5+s14], $0x2780, $0x38;
	[tilespmem:$0x9F80] =	vst v63  }
0x18: {  	_ =	swait.ge [sflag:s8], $0x2780  }
0x19: {  	[sflag:s8] =	ssyncset.done $0x0  }
0x1a: {  	[sflag:s8] =	ssyncadd.s32 $0xFFFFD880  }
0x1b: {  	[tilespmem:s10], [sflag:$0x1] =	stream.linear.gather [hbm4b:s2+s14], $0x2780, $0x38;
	[tilespmem:$0x9F80] =	vst v63  }
0x1c: {  	_ =	swait.ge [sflag:s8], $0x2780  }
0x1d: {  	[sflag:s8] =	ssyncset.done $0x0  }
0x1e: {  	[sflag:s8] =	ssyncadd.s32 $0xFFFFD880  }
.LBB2_4:
0x1f: {  	s15 =	sshra.s32 s14, $0x2  }
0x20: {  	v1 =	vld [tilespmem:s15+$0x0];
	_ =	sdelay $0x4  }
0x21: {  	v2 =	vld [tilespmem:s15+$0x2800];
	_ =	sdelay $0x2  }
0x22: {  	v1 =	vld.idx.msk [tilespmem:v1+s10+$0x0], $0xffff;
	_ =	sdelay $0x4  }
0x23: {  	[tilespmem:v2+s11+$0x0] =	vst.idx.add.f32.msk $0xffff, v1  }
0x24: {  	v1 =	vld [tilespmem:s15+$0x10];
	_ =	sdelay $0x4  }
0x25: {  	v2 =	vld [tilespmem:s15+$0x2810];
	_ =	sdelay $0x2  }
0x26: {  	v1 =	vld.idx.msk [tilespmem:v1+s10+$0x0], $0xffff;
	_ =	sdelay $0x4  }
0x27: {  	[tilespmem:v2+s11+$0x0] =	vst.idx.add.f32.msk $0xffff, v1  }
0x28: {  	v1 =	vld [tilespmem:s15+$0x20];
	_ =	sdelay $0x4  }
0x29: {  	v2 =	vld [tilespmem:s15+$0x2820];
	_ =	sdelay $0x2  }
0x2a: {  	v1 =	vld.idx.msk [tilespmem:v1+s10+$0x0], $0xffff;
	_ =	sdelay $0x4  }
0x2b: {  	[tilespmem:v2+s11+$0x0] =	vst.idx.add.f32.msk $0xffff, v1  }
0x2c: {  	v1 =	vld [tilespmem:s15+$0x30];
	_ =	sdelay $0x4  }
0x2d: {  	v2 =	vld [tilespmem:s15+$0x2830];
	_ =	sdelay $0x2  }
0x2e: {  	v1 =	vld.idx.msk [tilespmem:v1+s10+$0x0], $0xffff;
	_ =	sdelay $0x4  }
0x2f: {  	[tilespmem:v2+s11+$0x0] =	vst.idx.add.f32.msk $0xffff, v1  }
0x30: {  	v1 =	vld [tilespmem:s15+$0x40];
	_ =	sdelay $0x4  }
0x31: {  	v2 =	vld [tilespmem:s15+$0x2840];
	_ =	sdelay $0x2  }
0x32: {  	v1 =	vld.idx.msk [tilespmem:v1+s10+$0x0], $0xffff;
	_ =	sdelay $0x4  }
0x33: {  	[tilespmem:v2+s11+$0x0] =	vst.idx.add.f32.msk $0xffff, v1  }
0x34: {  	v1 =	vld [tilespmem:s15+$0x50];
	_ =	sdelay $0x4  }
0x35: {  	v2 =	vld [tilespmem:s15+$0x2850];
	_ =	sdelay $0x2  }
0x36: {  	v1 =	vld.idx.msk [tilespmem:v1+s10+$0x0], $0xffff;
	_ =	sdelay $0x4  }
0x37: {  	[tilespmem:v2+s11+$0x0] =	vst.idx.add.f32.msk $0xffff, v1  }
0x38: {  	v1 =	vld [tilespmem:s15+$0x60];
	_ =	sdelay $0x4  }
0x39: {  	v2 =	vld [tilespmem:s15+$0x2860];
	_ =	sdelay $0x2  }
0x3a: {  	v1 =	vld.idx.msk [tilespmem:v1+s10+$0x0], $0xffff;
	_ =	sdelay $0x4  }
0x3b: {  	[tilespmem:v2+s11+$0x0] =	vst.idx.add.f32.msk $0xffff, v1  }
0x3c: {  	v1 =	vld [tilespmem:s15+$0x70];
	_ =	sdelay $0x4  }
0x3d: {  	v2 =	vld [tilespmem:s15+$0x2870];
	_ =	sdelay $0x2  }
0x3e: {  	p0 =	sne.s32 s14, $0x9C00;
	v1 =	vld.idx.msk [tilespmem:v1+s10+$0x0], $0xffff  }
.Ltmp1:
0x3f: {  	_ = 	snop;
	(pc) =	sbr.rel @p0 .LBB2_4-.Ltmp1, $2  }
0x40: {  	_ =	sdelay $0x2  }
0x41: {  	s14 =	sadd.s32 $0x200, s14;
	[tilespmem:v2+s11+$0x0] =	vst.idx.add.f32.msk $0xffff, v1  }
0x42: {  	s3 =	sadd.s32 $0x1, s3  }
0x43: {  	p0 =	sne.s32 s3, s7  }
.Ltmp2:
0x44: {  	_ = 	snop;
	(pc) =	sbr.rel @p0 .LBB2_1-.Ltmp2, $4  }
0x45: {  	[hbm4b:s6+s12] =	stream.strided.scatter [tilespmem:s11], [sflag:$0x1], $0x2800, s13, s12, $0x38;
	[tilespmem:$0x9F80] =	vst v63  }
0x46: {  	_ =	swait.ge [sflag:s8], $0x2800  }
0x47: {  	[sflag:s8] =	ssyncset.done $0x0  }
0x48: {  	[sflag:s8] =	ssyncadd.s32 $0xFFFFD800  }
0x49: {  	_ =	sfence.sel $0x180000  }
0x4a: {  	[bflag:$0x0] =	sbarrier.arrive $0xFFFF  }
0x4b: {  	p0 =	sne.s32 s0, $0x0;
	_ =	strace $0x90000047  }
0x4c: {  	s0 =	sadd.s32 @!p0 $0x100000, s1;
	[bflag:$0x2] =	sbarrier.arrive $0xFFFF  }
0x4d: {  	[sflag:s0] =	ssyncadd.tile.s32 @!p0 $0x1;
	_ =	shalt  }
.Lfunc_end2:
_tile_overlayer_lowered:
.L_overlay_start_2:
0x4e: {  	(tag) =	ssettag $0x2  }
0x4f: {  	s0 =	rddreg [dreg:$0x0];
	s2 =	stileid.u32  }
0x50: {  	s1 =	rddreg [dreg:$0x1];
	p0 =	sne.s32 s2, $0x0  }
0x51: {  	s3 =	rddreg [dreg:$0x2];
	[bflag:$0x3] =	sbarrier.arrive $0xFFFF;
	s2 =	simm.s32 @!p0 $0x1C01  }
0x52: {  	[timem:s3], [sflag:s2] =	dma.local @!p0 [hbm:s0], s1  }
0x53: {  	s0 =	simm.s32 @!p0 $0x1  }
0x54: {  	_ =	swait.ge @!p0 [sflag:s0], s1  }
0x55: {  	s1 =	ssub.s32 @!p0 $0x0, s1;
	[sflag:s0] =	ssyncset.done @!p0 $0x0  }
0x56: {  	[sflag:s0] =	ssyncadd.s32 @!p0 s1  }
0x57: {  	[bflag:$0x3] =	sbarrier.arrive $0xFFFF  }
0x58: {  	_ =	shalt  }

// kernel: kernel.17.cloned.1.call-start
scs
__scs_entry_jumppad:
0x0: {  	(pc) =	sbr.rel $0x88, $3  }
0x1: {  	(tag) =	ssettag $0x0;
	lr =	simm.s32 $0x1  }
0x2: {  	[smem:$0x3F8C] =	sst lr;
	_ =	strace $0xD0000000  }
0x3: {  	_ = 	snop  }
0x4: {  	_ = 	snop  }
0x5: {  	_ = 	snop  }
0x6: {  	_ = 	snop  }
0x7: {  	_ = 	snop  }
__scs_overlays_trampoline_lowered:
0x8: {  	[smem:$0x3F9B] =	sst s0  }
0x9: {  	[smem:$0x3F9C] =	sst s1  }
0xa: {  	[smem:$0x3F9D] =	sst s2  }
0xb: {  	[smem:$0x3F9E] =	sst s3  }
0xc: {  	[smem:$0x3F9F] =	sst s4  }
0xd: {  	[smem:$0x3FA0] =	sst s5  }
0xe: {  	[smem:$0x3FA1] =	sst s6  }
0xf: {  	[smem:$0x3FA2] =	sst s7  }
0x10: {  	[smem:$0x3FA3] =	sst s8  }
0x11: {  	[smem:$0x3FA4] =	sst s9;
	s0 =	simm.s32 @!p0 $0x0  }
0x12: {  	s1 =	sld [smem:$0x3F8A];
	s0 =	simm.s32 @p0 $0x1  }
0x13: {  	[smem:$0x3FA5] =	sst s0;
	s0 =	simm.s32 @!p1 $0x0  }
0x14: {  	s2 =	sld [smem:$0x3F89];
	s0 =	simm.s32 @p1 $0x1  }
0x15: {  	[smem:$0x3FA6] =	sst s0;
	s0 =	simm.s32 @!p2 $0x0  }
0x16: {  	s3 =	sld [smem:$0x3FDB];
	s0 =	simm.s32 @p2 $0x1  }
0x17: {  	s4 =	simm.s32 $0x1BF5;
	[smem:$0x3FA8] =	sst s0  }
0x18: {  	s0 =	sld [smem:$0x3F8B];
	_ =	swait.ge [sflag:s4], $0x0  }
0x19: {  	s7 =	sld [smem:$0x3F8C]  }
0x1a: {  	s8 =	sadd.s32 $0xFFFFE003, lr  }
0x1b: {  	s9 =	sadd.s32 $0xFFFFFEF7, lr;
	s5 =	simm.s32 $0xFFFFFFFF;
	p2 =	slt.u32 s8, $0xFFFFF086  }
0x1c: {  	p1 =	slt.u32 s9, $0xF7A;
	s5 =	simm.s32 @!p2 $0x0  }
0x1d: {  	s5 =	simm.s32 @p1 $0x1;
	p0 =	seq.s32 s7, s2  }
0x1e: {  	s7 =	smul.u32 @!p0 $0xF7A, s2;
	p2 =	seq.s32 @!p0 s5, $0x0  }
0x1f: {  	s9 =	smul.u32 $0xF7A, s1;
	s8 =	simm.s32 @!p0 $0x1BF5;
	p2 =	por !p2, p0  }
0x20: {  	[sflag:s8] =	ssyncset.s32 @!p0 $0xFFFFF086;
	s6 =	sadd.s32 @!p0 s3, s7;
	s7 =	simm.s32 @!p0 $0x108  }
0x21: {  	s3 =	sadd.s32 s3, s9;
	s6 =	sadd.s32 @!p0 $0x88, s6;
	s7 =	simm.s32 @p2 $0x1082  }
0x22: {  	[simem:s7], [sflag:s8] =	dma.local @!p0 [hbm:s6], $0xF7A  }
0x23: {  	s9 =	sor.u32 $0xD0000000, s2;
	s6 =	simm.s32 $0x108;
	_ =	swait.ge @!p0 [sflag:s8], $0x0  }
0x24: {  	s3 =	sadd.s32 $0x88, s3;
	s6 =	simm.s32 @!p1 $0x1082;
	[sflag:s4] =	ssyncset.s32 $0xFFFFF086  }
0x25: {  	[simem:s6], [sflag:s4] =	dma.local [hbm:s3], $0xF7A  }
0x26: {  	[smem:$0x3F8C] =	sst s1;
	(tag) =	ssettag s2;
	_ =	strace s9  }
0x27: {  	s1 =	sld [smem:$0x3F9C]  }
0x28: {  	s2 =	sld [smem:$0x3F9D]  }
0x29: {  	s4 =	sld [smem:$0x3F9F]  }
0x2a: {  	p0 =	seq.s32 s5, $0x0;
	s5 =	sld [smem:$0x3FA0]  }
0x2b: {  	s6 =	sld [smem:$0x3FA1]  }
0x2c: {  	s7 =	sld [smem:$0x3FA2]  }
0x2d: {  	s3 =	simm.s32 $0x108;
	s8 =	sld [smem:$0x3FA3]  }
0x2e: {  	s3 =	simm.s32 @!p0 $0x1082;
	s9 =	sld [smem:$0x3FA4]  }
0x2f: {  	lr =	sadd.s32 s0, s3;
	s0 =	sld [smem:$0x3F9B]  }
0x30: {  	s3 =	sld [smem:$0x3F9E]  }
0x31: {  	[smem:$0x3FA7] =	sst s10  }
0x32: {  	s10 =	sld [smem:$0x3FA5];
	_ =	sdelay $0x3  }
0x33: {  	p0 =	seq.s32 s10, $0x1;
	s10 =	sld [smem:$0x3FA7];
	_ =	sdelay $0x3  }
0x34: {  	[smem:$0x3FA7] =	sst s10  }
0x35: {  	s10 =	sld [smem:$0x3FA6];
	_ =	sdelay $0x3  }
0x36: {  	p1 =	seq.s32 s10, $0x1;
	s10 =	sld [smem:$0x3FA7];
	_ =	sdelay $0x3  }
0x37: {  	[smem:$0x3FA7] =	sst s10  }
0x38: {  	s10 =	sld [smem:$0x3FA8]  }
0x39: {  	_ = 	snop;
	(pc) =	sbr.ind lr, $3  }
0x3a: {  	_ = 	snop  }
0x3b: {  	_ = 	snop  }
0x3c: {  	p2 =	seq.s32 s10, $0x1;
	s10 =	sld [smem:$0x3FA7]  }
0x3d: {  	_ =	shalt  }
0x3e: {  	_ =	shalt  }
0x3f: {  	_ =	shalt  }
0x40: {  	_ =	shalt  }
0x41: {  	_ =	shalt  }
0x42: {  	_ =	shalt  }
0x43: {  	_ =	shalt  }
0x44: {  	_ =	shalt  }
0x45: {  	_ =	shalt  }
0x46: {  	_ =	shalt  }
0x47: {  	_ =	shalt  }
0x48: {  	_ =	shalt  }
0x49: {  	_ =	shalt  }
0x4a: {  	_ =	shalt  }
0x4b: {  	_ =	shalt  }
0x4c: {  	_ =	shalt  }
0x4d: {  	_ =	shalt  }
0x4e: {  	_ =	shalt  }
0x4f: {  	_ =	shalt  }
0x50: {  	_ =	shalt  }
0x51: {  	_ =	shalt  }
0x52: {  	_ =	shalt  }
0x53: {  	_ =	shalt  }
0x54: {  	_ =	shalt  }
0x55: {  	_ =	shalt  }
0x56: {  	_ =	shalt  }
0x57: {  	_ =	shalt  }
0x58: {  	_ =	shalt  }
0x59: {  	_ =	shalt  }
0x5a: {  	_ =	shalt  }
0x5b: {  	_ =	shalt  }
0x5c: {  	_ =	shalt  }
0x5d: {  	_ =	shalt  }
0x5e: {  	_ =	shalt  }
0x5f: {  	_ =	shalt  }
0x60: {  	_ =	shalt  }
0x61: {  	_ =	shalt  }
0x62: {  	_ =	shalt  }
0x63: {  	_ =	shalt  }
0x64: {  	_ =	shalt  }
0x65: {  	_ =	shalt  }
0x66: {  	_ =	shalt  }
0x67: {  	_ =	shalt  }
0x68: {  	_ =	shalt  }
0x69: {  	_ =	shalt  }
0x6a: {  	_ =	shalt  }
0x6b: {  	_ =	shalt  }
0x6c: {  	_ =	shalt  }
0x6d: {  	_ =	shalt  }
0x6e: {  	_ =	shalt  }
0x6f: {  	_ =	shalt  }
0x70: {  	_ =	shalt  }
0x71: {  	_ =	shalt  }
0x72: {  	_ =	shalt  }
0x73: {  	_ =	shalt  }
0x74: {  	_ =	shalt  }
0x75: {  	_ =	shalt  }
0x76: {  	_ =	shalt  }
0x77: {  	_ =	shalt  }
0x78: {  	_ =	shalt  }
0x79: {  	_ =	shalt  }
0x7a: {  	_ =	shalt  }
0x7b: {  	_ =	shalt  }
0x7c: {  	_ =	shalt  }
0x7d: {  	_ =	shalt  }
0x7e: {  	_ =	shalt  }
0x7f: {  	_ =	shalt  }
0x80: {  	_ =	shalt  }
0x81: {  	_ =	shalt  }
0x82: {  	_ =	shalt  }
0x83: {  	_ =	shalt  }
0x84: {  	_ =	shalt  }
0x85: {  	_ =	shalt  }
0x86: {  	_ =	shalt  }
0x87: {  	_ =	shalt  }
.Lfunc_end0:
.L_simem_size_0:
called_computation.2_lowered:
.L_overlay_start_0:
0x88: {  	s2 =	sld [smem:$0x3FD9]  }
0x89: {  	s3 =	sld [smem:$0x3FFE];
	_ =	sdelay $0x1  }
0x8a: {  	s1 =	srdreg.scid  }
0x8b: {  	s0 =	sand.u32 $0x1, s1  }
0x8c: {  	s17 =	sshll.u32 s0, $0xA;
	s2 =	sadd.s32 s3, s2  }
0x8d: {  	s2 =	sadd.s32 s2, s17  }
0x8e: {  	[smem:$0x3FB3] =	sst s2  }
0x8f: {  	_ = 	snop  }
0x90: {  	(tm) =	ssettm $0x1  }
0x91: {  	s18 =	sld [smem:$0x3FFB];
	_ =	sdelay $0x3  }
0x92: {  	_ =	strace s18  }
0x93: {  	s2 =	sld [smem:$0x3FFC];
	_ =	sdelay $0x3  }
0x94: {  	_ =	strace s2  }
0x95: {  	s2 =	sld [smem:$0x3FFD];
	_ =	sdelay $0x3  }
0x96: {  	_ =	strace s2  }
0x97: {  	_ =	strace $0x8FFFFFFF  }
0x98: {  	s19 =	sld [smem:$0x3FDB];
	_ =	sdelay $0x1  }
0x99: {  	s20 =	simm.s32 $_scs_section_size  }
0x9a: {  	s4 =	simm.s32 $_size__tile_overlayer_lowered;
	s5 =	simm.s32 $_tile_overlayer_lowered  }
0x9b: {  	s6 =	simm.s32 $0x1BFF;
	s21 =	sshll.u32 s5, $0x1;
	s3 =	sadd.s32 s20, s19  }
0x9c: {  	s22 =	simm.s32 $0x0;
	s4 =	sshll.u32 s4, $0x1;
	s5 =	sadd.s32 s21, s3  }
0x9d: {  	[timem:s22], [sflag:s6] =	dma.local [hbm:s5], s4  }
0x9e: {  	_ =	swait.ge [sflag:s6], s4  }
0x9f: {  	s4 =	ssub.s32 $0x0, s4;
	[sflag:s6] =	ssyncset.done $0x0  }
0xa0: {  	[sflag:s6] =	ssyncadd.s32 s4;
	_ =	sdelay $0x1  }
0xa1: {  	s23 =	simm.s32 $0x1B8B  }
0xa2: {  	_ =	swait.ge [sflag:s23], $0x1  }
0xa3: {  	[sflag:s23] =	ssyncset.done $0x0  }
0xa4: {  	[sflag:s23] =	ssyncadd.s32 $0xFFFFFFFF  }
0xa5: {  	s4 =	sld [smem:$0x0]  }
0xa6: {  	s5 =	sand.u32 $0xFFFFFFFE, s1  }
0xa7: {  	p0 =	sne.s32 s1, s5  }
0xa8: {  	s5 =	sshll.u32 @p0 s5, $0xE  }
0xa9: {  	s5 =	sadd.s32 @p0 $0x11B8D, s5;
	s6 =	sshll.u32 @p0 s4, $0x11  }
0xaa: {  	s5 =	sor.u32 @p0 s6, s5  }
0xab: {  	[sflag:s5] =	ssyncadd.remote.s32 @p0 $0x1;
	_ =	sdelay $0x1  }
0xac: {  	s5 =	simm.s32 @p0 $0x1B8D  }
0xad: {  	_ =	swait.eq @p0 [sflag:s5], $0x1  }
0xae: {  	[sflag:s5] =	ssyncadd.s32 @p0 $0xFFFFFFFF  }
0xaf: {  	s6 =	sshll.u32 @!p0 s1, $0xE  }
0xb0: {  	s6 =	sor.u32 @!p0 $0x4000, s6;
	s5 =	simm.s32 @!p0 $0x1B8D  }
0xb1: {  	s4 =	sshll.u32 @!p0 s4, $0x11;
	s6 =	sadd.s32 @!p0 $0x11B8D, s6;
	_ =	swait.eq @!p0 [sflag:s5], $0x1  }
0xb2: {  	s4 =	sor.u32 @!p0 s4, s6;
	[sflag:s5] =	ssyncadd.s32 @!p0 $0xFFFFFFFF  }
0xb3: {  	s25 =	simm.s32 $0x1B8E;
	s24 =	sld [smem:$0x3FFE];
	[sflag:s4] =	ssyncadd.remote.s32 @!p0 $0x1  }
0xb4: {  	s26 =	simm.s32 $execute0_lowered;
	[smem:$0x3FD2] =	sst s25  }
0xb5: {  	s5 =	sshll.u32 s26, $0x1;
	_ =	strace $0x8000004F;
	[dreg:$0x1] =	wrdreg $0xFFFFFFFF  }
0xb6: {  	s28 =	simm.s32 $_size_execute0_lowered;
	s3 =	sadd.s32 s3, s5;
	[dreg:$0x0] =	wrdreg $0x0  }
0xb7: {  	s5 =	sshll.u32 s28, $0x1;
	[dreg:$0x2] =	wrdreg s3  }
0xb8: {  	[dreg:$0x3] =	wrdreg s5  }
0xb9: {  	[dreg:$0x4] =	wrdreg $0xC0  }
0xba: {  	_ =	task [dreg:s22], $0x5FFFF  }
0xbb: {  	[dreg:$0x1] =	wrdreg $0xFFFFFFFF  }
0xbc: {  	[dreg:$0x0] =	wrdreg $0x60  }
0xbd: {  	[dreg:$0x2] =	wrdreg s24  }
0xbe: {  	[dreg:$0x3] =	wrdreg $0x90000  }
0xbf: {  	[dreg:$0x4] =	wrdreg $0x9  }
0xc0: {  	_ =	task.clear_ibuf [dreg:s22], $0x5FFFF;
	_ =	strace $0x9000004F  }
0xc1: {  	s29 =	simm.s32 $0x9;
	_ =	strace $0x80000051  }
0xc2: {  	_ =	swait.ge [sflag:s29], $0x1  }
0xc3: {  	[sflag:s29] =	ssyncadd.s32 $0xFFFFFFFF  }
0xc4: {  	_ =	strace $0x90000051  }
0xc5: {  	_ =	sfence  }
0xc6: {  	s30 =	sld [smem:$0x0];
	_ =	sdelay $0x2  }
0xc7: {  	s31 =	sshll.u32 s1, $0xD;
	s1 =	sshrl.u32 s1, $0x2  }
0xc8: {  	s4 =	sand.u32 $0x4000, s31;
	s1 =	sadd.s32 s1, s30  }
0xc9: {  	s0 =	sor.u32 s4, s0;
	s1 =	sshll.u32 s1, $0x11  }
0xca: {  	s0 =	sor.u32 s1, s0  }
0xcb: {  	s0 =	sadd.s32 $0x8F2B, s0  }
0xcc: {  	[sflag:s0] =	ssyncadd.remote.s32 $0x1  }
0xcd: {  	_ =	sfence.sel $0xFFFF  }
0xce: {  	[dreg:$0x0] =	wrdreg $0xFFFFFFFF;
	(pc) =	sbr.abs _section_cstart, $3  }
0xcf: {  	[dreg:$0x1] =	wrdreg $0xFFFFFFFF  }
0xd0: {  	_ =	task.clear_ibuf [dreg:s22], $0x2FFFF;
	_ =	strace $0x9FFFFFFF  }
0xd1: {  	(tm) =	ssettm $0x7FFFFFFF  }
tec
execute0_lowered:
.L_overlay_start_1:
0x0: {  	(tag) =	ssettag $0x1  }
0x1: {  	s5 =	rddreg [dreg:$0x0];
	s1 =	srdreg.scid  }
0x2: {  	s0 =	stileid.u32;
	s2 =	rddreg [dreg:$0x1]  }
0x3: {  	s3 =	simm.s32 $0x0;
	s21 =	simm.s32 $0x80;
	s22 =	simm.s32 $0x1  }
0x4: {  	s23 =	simm.s32 $0x0;
	s7 =	sand.u32 $0x1, s1;
	s1 =	rddreg [dreg:$0x2]  }
0x5: {  	s4 =	sshll.u32 s0, $0x1;
	[smem:$0x7FF] =	sst s3;
	s8 =	smul.u32 $0x50000, s0  }
0x6: {  	s11 =	smul.u32 $0x14000, s0;
	s16 =	sadd.s32 $0x97E00, s5;
	s4 =	sor.u32 s7, s4  }
0x7: {  	_ =	strace $0x80000050;
	s9 =	ssub.s32 $0x2, s7;
	s19 =	smul.u32 $0x140000, s7  }
0x8: {  	s6 =	smul.u32 $0x500, s4;
	s4 =	sadd.s32 $0x3FA00, s5;
	s29 =	sshrl.u32 s9, $0x1  }
0x9: {  	s30 =	sshrl.u32 s8, $0x2;
	s13 =	sadd.s32 $0x4000, s11;
	s14 =	sadd.s32 $0x8000, s11  }
0xa: {  	s15 =	sadd.s32 $0xC000, s11;
	s18 =	sadd.s32 $0x10000, s11;
	s17 =	ssub.s32 s9, s29  }
0xb: {  	s7 =	sadd.s32 s14, s2;
	s8 =	sadd.s32 s15, s2;
	s9 =	sadd.s32 s18, s2  }
0xc: {  	s20 =	sadd.s32 s11, s19;
	s14 =	sadd.s32 s19, s14;
	s15 =	sadd.s32 s19, s15  }
0xd: {  	s18 =	sadd.s32 s19, s18;
	s12 =	sadd.s32 s6, s5;
	s5 =	sadd.s32 s30, s2  }
0xe: {  	s6 =	sadd.s32 s13, s2;
	s13 =	sadd.s32 s19, s13;
	s31 =	sshrl.u32 s20, $0x3  }
0xf: {  	s14 =	sshrl.u32 s14, $0x3;
	s15 =	sshrl.u32 s15, $0x3;
	s18 =	sshrl.u32 s18, $0x3  }
0x10: {  	s17 =	smax.u32 s17, $0x1;
	s19 =	simm.s32 $0x2;
	s20 =	simm.s32 $0x2800  }
0x11: {  	s10 =	sadd.s32 $0x4800, s12;
	s11 =	sadd.s32 $0xE800, s12;
	s13 =	sshrl.u32 s13, $0x3  }
0x12: {  	s12 =	sadd.s32 s16, s31;
	s14 =	sadd.s32 s16, s14;
	s15 =	sadd.s32 s16, s15  }
0x13: {  	v0 =	vimm.f32 $0.0e+00;
	s13 =	sadd.s32 s16, s13;
	s16 =	sadd.s32 s16, s18;
	s18 =	simm.s32 $0x5000  }
.LBB2_1:
0x14: {  	s24 =	simm.s32 $0x0;
	s25 =	simm.s32 $0x200  }
.LBB2_2:
0x15: {  	p0 =	sne.s32 s25, $0xFE00;
	[tilespmem:s24+$0x5070] =	vst v0  }
0x16: {  	[tilespmem:s24+$0x5000] =	vst v0  }
0x17: {  	[tilespmem:s24+$0x5010] =	vst v0  }
.Ltmp0:
0x18: {  	[tilespmem:s24+$0x5020] =	vst v0;
	(pc) =	sbr.rel @p0 .LBB2_2-.Ltmp0, $4  }
0x19: {  	[tilespmem:s24+$0x5030] =	vst v0  }
0x1a: {  	[tilespmem:s24+$0x5040] =	vst v0  }
0x1b: {  	[tilespmem:s24+$0x5050] =	vst v0  }
0x1c: {  	[tilespmem:s24+$0x5060] =	vst v0;
	s24 =	sshra.s32 s25, $0x2;
	s25 =	sadd.s32 $0x200, s25  }
0x1d: {  	[tilespmem:s24+$0x5070] =	vst v0  }
0x1e: {  	[tilespmem:s24+$0x5000] =	vst v0  }
0x1f: {  	[tilespmem:s24+$0x5010] =	vst v0  }
0x20: {  	[tilespmem:s24+$0x5020] =	vst v0  }
0x21: {  	[tilespmem:s24+$0x5030] =	vst v0  }
0x22: {  	[tilespmem:s24+$0x5040] =	vst v0  }
0x23: {  	[tilespmem:s24+$0x5050] =	vst v0  }
0x24: {  	[tilespmem:s24+$0x5060] =	vst v0  }
0x25: {  	[spmem:s5] =	stream.linear.scatter [tilespmem:s18], [sflag:$0x2], $0x4000, $0x38;
	[tilespmem:$0x1D000] =	vst v63  }
0x26: {  	_ =	swait.ge [sflag:s19], $0x4000  }
0x27: {  	[sflag:s19] =	ssyncset.done $0x0  }
0x28: {  	[sflag:s19] =	ssyncadd.s32 $0xFFFFC000  }
0x29: {  	[spmem:s6] =	stream.linear.scatter [tilespmem:s18], [sflag:$0x2], $0x4000, $0x38;
	[tilespmem:$0x1D000] =	vst v63  }
0x2a: {  	_ =	swait.ge [sflag:s19], $0x4000  }
0x2b: {  	[sflag:s19] =	ssyncset.done $0x0  }
0x2c: {  	[sflag:s19] =	ssyncadd.s32 $0xFFFFC000  }
0x2d: {  	[spmem:s7] =	stream.linear.scatter [tilespmem:s18], [sflag:$0x2], $0x4000, $0x38;
	[tilespmem:$0x1D000] =	vst v63  }
0x2e: {  	_ =	swait.ge [sflag:s19], $0x4000  }
0x2f: {  	[sflag:s19] =	ssyncset.done $0x0  }
0x30: {  	[sflag:s19] =	ssyncadd.s32 $0xFFFFC000  }
0x31: {  	[spmem:s8] =	stream.linear.scatter [tilespmem:s18], [sflag:$0x2], $0x4000, $0x38;
	[tilespmem:$0x1D000] =	vst v63  }
0x32: {  	_ =	swait.ge [sflag:s19], $0x4000  }
0x33: {  	[sflag:s19] =	ssyncset.done $0x0  }
0x34: {  	[sflag:s19] =	ssyncadd.s32 $0xFFFFC000  }
0x35: {  	[spmem:s9] =	stream.linear.scatter [tilespmem:s18], [sflag:$0x2], $0x4000, $0x38;
	[tilespmem:$0x1D000] =	vst v63  }
0x36: {  	_ =	swait.ge [sflag:s19], $0x4000  }
0x37: {  	[sflag:s19] =	ssyncset.done $0x0  }
0x38: {  	[sflag:s19] =	ssyncadd.s32 $0xFFFFC000  }
0x39: {  	s29 =	simm.s32 $0x0;
	[bflag:$0x0] =	sbarrier.arrive $0xFFFF  }
0x3a: {  	[tilespmem:s29], [sflag:$0x2] =	stream.linear.gather [hbm4b:s10+s29], $0x2780, $0x38;
	[tilespmem:$0x1D000] =	vst v63  }
0x3b: {  	_ =	swait.ge [sflag:s19], $0x2780  }
0x3c: {  	[sflag:s19] =	ssyncset.done $0x0  }
0x3d: {  	[sflag:s19] =	ssyncadd.s32 $0xFFFFD880  }
0x3e: {  	[tilespmem:s20], [sflag:$0x2] =	stream.linear.gather [hbm4b:s11+s29], $0x2780, $0x38;
	[tilespmem:$0x1D000] =	vst v63  }
0x3f: {  	_ =	swait.ge [sflag:s19], $0x2780  }
0x40: {  	[sflag:s19] =	ssyncset.done $0x0  }
0x41: {  	s30 =	simm.s32 $0x0;
	[sflag:s19] =	ssyncadd.s32 $0xFFFFD880  }
0x42: {  	[tilespmem:s18], [sflag:$0x1] =	stream.indirect.gather [hbm4b:s4+s21], $0x80, s30, s21, $0xb8;
	[tilespmem:$0x1D000] =	vst v63  }
0x43: {  	_ =	swait.ge [sflag:s22], $0x4000  }
0x44: {  	[sflag:s22] =	ssyncset.done $0x0  }
0x45: {  	s31 =	simm.s32 $0x2800;
	[sflag:s22] =	ssyncadd.s32 $0xFFFFC000  }
0x46: {  	[spmem:s2] =	stream.indirect.scatter.add.f32 [tilespmem:s18], [sflag:$0x2], $0x80, s31, s21, $0xb8;
	[tilespmem:$0x1D000] =	vst v63  }
0x47: {  	_ =	swait.ge [sflag:s19], $0x4000  }
0x48: {  	s24 =	simm.s32 $0x200;
	s25 =	simm.s32 $0x400;
	[sflag:s19] =	ssyncset.done $0x0  }
.LBB2_4:
0x49: {  	s26 =	sshra.s32 s24, $0x2  }
0x4a: {  	[sflag:s19] =	ssyncadd.s32 $0xFFFFC000;
	s24 =	smov.u32 s25;
	s28 =	sadd.s32 $0x200, s25  }
0x4b: {  	[tilespmem:s18], [sflag:$0x1] =	stream.indirect.gather [hbm4b:s4+s21], $0x80, s26, s21, $0xb8;
	[tilespmem:$0x1D000] =	vst v63  }
0x4c: {  	p0 =	sne.s32 s25, $0x9C00;
	_ =	swait.ge [sflag:s22], $0x4000  }
.Ltmp1:
0x4d: {  	[sflag:s22] =	ssyncset.done $0x0;
	(pc) =	sbr.rel @p0 .LBB2_4-.Ltmp1, $4  }
0x4e: {  	s25 =	sadd.s32 $0x2800, s26;
	[sflag:s22] =	ssyncadd.s32 $0xFFFFC000  }
0x4f: {  	[spmem:s2] =	stream.indirect.scatter.add.f32 [tilespmem:s18], [sflag:$0x2], $0x80, s25, s21, $0xb8;
	[tilespmem:$0x1D000] =	vst v63  }
0x50: {  	_ =	swait.ge [sflag:s19], $0x4000  }
0x51: {  	s25 =	smov.u32 s28;
	[sflag:s19] =	ssyncset.done $0x0  }
0x52: {  	s24 =	sshra.s32 s24, $0x2;
	[sflag:s19] =	ssyncadd.s32 $0xFFFFC000  }
0x53: {  	[tilespmem:s18], [sflag:$0x1] =	stream.indirect.gather [hbm4b:s4+s21], $0x80, s24, s21, $0xb8;
	[tilespmem:$0x1D000] =	vst v63  }
0x54: {  	_ =	swait.ge [sflag:s22], $0x4000  }
0x55: {  	[sflag:s22] =	ssyncset.done $0x0  }
0x56: {  	s24 =	sadd.s32 $0x2800, s24;
	[sflag:s22] =	ssyncadd.s32 $0xFFFFC000  }
0x57: {  	[spmem:s2] =	stream.indirect.scatter.add.f32 [tilespmem:s18], [sflag:$0x2], $0x80, s24, s21, $0xb8;
	[tilespmem:$0x1D000] =	vst v63  }
0x58: {  	_ =	swait.ge [sflag:s19], $0x4000  }
0x59: {  	[sflag:s19] =	ssyncset.done $0x0  }
0x5a: {  	[sflag:s19] =	ssyncadd.s32 $0xFFFFC000  }
0x5b: {  	[bflag:$0x0] =	sbarrier.arrive $0xFFFF  }
0x5c: {  	[tilespmem:s18], [sflag:$0x2] =	stream.linear.gather [spmem:s5], $0x4000, $0x38;
	[tilespmem:$0x1D000] =	vst v63  }
0x5d: {  	_ =	swait.ge [sflag:s19], $0x4000  }
0x5e: {  	[sflag:s19] =	ssyncset.done $0x0  }
0x5f: {  	[sflag:s19] =	ssyncadd.s32 $0xFFFFC000  }
0x60: {  	[hbm4b:s12+s3] =	stream.linear.scatter [tilespmem:s18], [sflag:$0x2], $0x4000, $0x38;
	[tilespmem:$0x1D000] =	vst v63  }
0x61: {  	_ =	swait.ge [sflag:s19], $0x4000  }
0x62: {  	[sflag:s19] =	ssyncset.done $0x0  }
0x63: {  	[sflag:s19] =	ssyncadd.s32 $0xFFFFC000  }
0x64: {  	[tilespmem:s18], [sflag:$0x2] =	stream.linear.gather [spmem:s6], $0x4000, $0x38;
	[tilespmem:$0x1D000] =	vst v63  }
0x65: {  	_ =	swait.ge [sflag:s19], $0x4000  }
0x66: {  	[sflag:s19] =	ssyncset.done $0x0  }
0x67: {  	[sflag:s19] =	ssyncadd.s32 $0xFFFFC000  }
0x68: {  	[hbm4b:s13+s3] =	stream.linear.scatter [tilespmem:s18], [sflag:$0x2], $0x4000, $0x38;
	[tilespmem:$0x1D000] =	vst v63  }
0x69: {  	_ =	swait.ge [sflag:s19], $0x4000  }
0x6a: {  	[sflag:s19] =	ssyncset.done $0x0  }
0x6b: {  	[sflag:s19] =	ssyncadd.s32 $0xFFFFC000  }
0x6c: {  	[tilespmem:s18], [sflag:$0x2] =	stream.linear.gather [spmem:s7], $0x4000, $0x38;
	[tilespmem:$0x1D000] =	vst v63  }
0x6d: {  	_ =	swait.ge [sflag:s19], $0x4000  }
0x6e: {  	[sflag:s19] =	ssyncset.done $0x0  }
0x6f: {  	[sflag:s19] =	ssyncadd.s32 $0xFFFFC000  }
0x70: {  	[hbm4b:s14+s3] =	stream.linear.scatter [tilespmem:s18], [sflag:$0x2], $0x4000, $0x38;
	[tilespmem:$0x1D000] =	vst v63  }
0x71: {  	_ =	swait.ge [sflag:s19], $0x4000  }
0x72: {  	[sflag:s19] =	ssyncset.done $0x0  }
0x73: {  	[sflag:s19] =	ssyncadd.s32 $0xFFFFC000  }
0x74: {  	[tilespmem:s18], [sflag:$0x2] =	stream.linear.gather [spmem:s8], $0x4000, $0x38;
	[tilespmem:$0x1D000] =	vst v63  }
0x75: {  	_ =	swait.ge [sflag:s19], $0x4000  }
0x76: {  	[sflag:s19] =	ssyncset.done $0x0  }
0x77: {  	[sflag:s19] =	ssyncadd.s32 $0xFFFFC000  }
0x78: {  	[hbm4b:s15+s3] =	stream.linear.scatter [tilespmem:s18], [sflag:$0x2], $0x4000, $0x38;
	[tilespmem:$0x1D000] =	vst v63  }
0x79: {  	_ =	swait.ge [sflag:s19], $0x4000  }
0x7a: {  	[sflag:s19] =	ssyncset.done $0x0  }
0x7b: {  	[sflag:s19] =	ssyncadd.s32 $0xFFFFC000  }
0x7c: {  	[tilespmem:s18], [sflag:$0x2] =	stream.linear.gather [spmem:s9], $0x4000, $0x38;
	[tilespmem:$0x1D000] =	vst v63  }
0x7d: {  	s23 =	sadd.s32 $0x1, s23;
	_ =	swait.ge [sflag:s19], $0x4000  }
0x7e: {  	p0 =	sne.s32 s23, s17;
	[sflag:s19] =	ssyncset.done $0x0  }
.Ltmp2:
0x7f: {  	[sflag:s19] =	ssyncadd.s32 $0xFFFFC000;
	(pc) =	sbr.rel @p0 .LBB2_1-.Ltmp2, $4  }
0x80: {  	[hbm4b:s16+s3] =	stream.linear.scatter [tilespmem:s18], [sflag:$0x2], $0x4000, $0x38;
	[tilespmem:$0x1D000] =	vst v63  }
0x81: {  	_ =	swait.ge [sflag:s19], $0x4000  }
0x82: {  	[sflag:s19] =	ssyncset.done $0x0  }
0x83: {  	[sflag:s19] =	ssyncadd.s32 $0xFFFFC000  }
0x84: {  	_ =	sfence.sel $0x180000  }
0x85: {  	[bflag:$0x0] =	sbarrier.arrive $0xFFFF  }
0x86: {  	p0 =	sne.s32 s0, $0x0;
	_ =	strace $0x90000050  }
0x87: {  	s0 =	sadd.s32 @!p0 $0x100000, s1;
	[bflag:$0x2] =	sbarrier.arrive $0xFFFF  }
0x88: {  	[sflag:s0] =	ssyncadd.tile.s32 @!p0 $0x1;
	_ =	shalt  }
.Lfunc_end2:
_tile_overlayer_lowered:
.L_overlay_start_2:
0x89: {  	(tag) =	ssettag $0x2  }
0x8a: {  	s0 =	rddreg [dreg:$0x0];
	s2 =	stileid.u32  }
0x8b: {  	s1 =	rddreg [dreg:$0x1];
	p0 =	sne.s32 s2, $0x0  }
0x8c: {  	s3 =	rddreg [dreg:$0x2];
	[bflag:$0x3] =	sbarrier.arrive $0xFFFF;
	s2 =	simm.s32 @!p0 $0x1C02  }
0x8d: {  	[timem:s3], [sflag:s2] =	dma.local @!p0 [hbm:s0], s1  }
0x8e: {  	s0 =	simm.s32 @!p0 $0x2  }
0x8f: {  	_ =	swait.ge @!p0 [sflag:s0], s1  }
0x90: {  	s1 =	ssub.s32 @!p0 $0x0, s1;
	[sflag:s0] =	ssyncset.done @!p0 $0x0  }
0x91: {  	[sflag:s0] =	ssyncadd.s32 @!p0 s1  }
0x92: {  	[bflag:$0x3] =	sbarrier.arrive $0xFFFF  }
0x93: {  	_ =	shalt  }

// kernel: kernel.20.cloned.1.call-start
scs
__scs_entry_jumppad:
0x0: {  	(pc) =	sbr.rel $0x88, $3  }
0x1: {  	(tag) =	ssettag $0x0;
	lr =	simm.s32 $0x1  }
0x2: {  	[smem:$0x3F8C] =	sst lr;
	_ =	strace $0xD0000000  }
0x3: {  	_ = 	snop  }
0x4: {  	_ = 	snop  }
0x5: {  	_ = 	snop  }
0x6: {  	_ = 	snop  }
0x7: {  	_ = 	snop  }
__scs_overlays_trampoline_lowered:
0x8: {  	[smem:$0x3F9B] =	sst s0  }
0x9: {  	[smem:$0x3F9C] =	sst s1  }
0xa: {  	[smem:$0x3F9D] =	sst s2  }
0xb: {  	[smem:$0x3F9E] =	sst s3  }
0xc: {  	[smem:$0x3F9F] =	sst s4  }
0xd: {  	[smem:$0x3FA0] =	sst s5  }
0xe: {  	[smem:$0x3FA1] =	sst s6  }
0xf: {  	[smem:$0x3FA2] =	sst s7  }
0x10: {  	[smem:$0x3FA3] =	sst s8  }
0x11: {  	[smem:$0x3FA4] =	sst s9;
	s0 =	simm.s32 @!p0 $0x0  }
0x12: {  	s1 =	sld [smem:$0x3F8A];
	s0 =	simm.s32 @p0 $0x1  }
0x13: {  	[smem:$0x3FA5] =	sst s0;
	s0 =	simm.s32 @!p1 $0x0  }
0x14: {  	s2 =	sld [smem:$0x3F89];
	s0 =	simm.s32 @p1 $0x1  }
0x15: {  	[smem:$0x3FA6] =	sst s0;
	s0 =	simm.s32 @!p2 $0x0  }
0x16: {  	s3 =	sld [smem:$0x3FDB];
	s0 =	simm.s32 @p2 $0x1  }
0x17: {  	s4 =	simm.s32 $0x1BF5;
	[smem:$0x3FA8] =	sst s0  }
0x18: {  	s0 =	sld [smem:$0x3F8B];
	_ =	swait.ge [sflag:s4], $0x0  }
0x19: {  	s7 =	sld [smem:$0x3F8C]  }
0x1a: {  	s8 =	sadd.s32 $0xFFFFE003, lr  }
0x1b: {  	s9 =	sadd.s32 $0xFFFFFEF7, lr;
	s5 =	simm.s32 $0xFFFFFFFF;
	p2 =	slt.u32 s8, $0xFFFFF086  }
0x1c: {  	p1 =	slt.u32 s9, $0xF7A;
	s5 =	simm.s32 @!p2 $0x0  }
0x1d: {  	s5 =	simm.s32 @p1 $0x1;
	p0 =	seq.s32 s7, s2  }
0x1e: {  	s7 =	smul.u32 @!p0 $0xF7A, s2;
	p2 =	seq.s32 @!p0 s5, $0x0  }
0x1f: {  	s9 =	smul.u32 $0xF7A, s1;
	s8 =	simm.s32 @!p0 $0x1BF5;
	p2 =	por !p2, p0  }
0x20: {  	[sflag:s8] =	ssyncset.s32 @!p0 $0xFFFFF086;
	s6 =	sadd.s32 @!p0 s3, s7;
	s7 =	simm.s32 @!p0 $0x108  }
0x21: {  	s3 =	sadd.s32 s3, s9;
	s6 =	sadd.s32 @!p0 $0x88, s6;
	s7 =	simm.s32 @p2 $0x1082  }
0x22: {  	[simem:s7], [sflag:s8] =	dma.local @!p0 [hbm:s6], $0xF7A  }
0x23: {  	s9 =	sor.u32 $0xD0000000, s2;
	s6 =	simm.s32 $0x108;
	_ =	swait.ge @!p0 [sflag:s8], $0x0  }
0x24: {  	s3 =	sadd.s32 $0x88, s3;
	s6 =	simm.s32 @!p1 $0x1082;
	[sflag:s4] =	ssyncset.s32 $0xFFFFF086  }
0x25: {  	[simem:s6], [sflag:s4] =	dma.local [hbm:s3], $0xF7A  }
0x26: {  	[smem:$0x3F8C] =	sst s1;
	(tag) =	ssettag s2;
	_ =	strace s9  }
0x27: {  	s1 =	sld [smem:$0x3F9C]  }
0x28: {  	s2 =	sld [smem:$0x3F9D]  }
0x29: {  	s4 =	sld [smem:$0x3F9F]  }
0x2a: {  	p0 =	seq.s32 s5, $0x0;
	s5 =	sld [smem:$0x3FA0]  }
0x2b: {  	s6 =	sld [smem:$0x3FA1]  }
0x2c: {  	s7 =	sld [smem:$0x3FA2]  }
0x2d: {  	s3 =	simm.s32 $0x108;
	s8 =	sld [smem:$0x3FA3]  }
0x2e: {  	s3 =	simm.s32 @!p0 $0x1082;
	s9 =	sld [smem:$0x3FA4]  }
0x2f: {  	lr =	sadd.s32 s0, s3;
	s0 =	sld [smem:$0x3F9B]  }
0x30: {  	s3 =	sld [smem:$0x3F9E]  }
0x31: {  	[smem:$0x3FA7] =	sst s10  }
0x32: {  	s10 =	sld [smem:$0x3FA5];
	_ =	sdelay $0x3  }
0x33: {  	p0 =	seq.s32 s10, $0x1;
	s10 =	sld [smem:$0x3FA7];
	_ =	sdelay $0x3  }
0x34: {  	[smem:$0x3FA7] =	sst s10  }
0x35: {  	s10 =	sld [smem:$0x3FA6];
	_ =	sdelay $0x3  }
0x36: {  	p1 =	seq.s32 s10, $0x1;
	s10 =	sld [smem:$0x3FA7];
	_ =	sdelay $0x3  }
0x37: {  	[smem:$0x3FA7] =	sst s10  }
0x38: {  	s10 =	sld [smem:$0x3FA8]  }
0x39: {  	_ = 	snop;
	(pc) =	sbr.ind lr, $3  }
0x3a: {  	_ = 	snop  }
0x3b: {  	_ = 	snop  }
0x3c: {  	p2 =	seq.s32 s10, $0x1;
	s10 =	sld [smem:$0x3FA7]  }
0x3d: {  	_ =	shalt  }
0x3e: {  	_ =	shalt  }
0x3f: {  	_ =	shalt  }
0x40: {  	_ =	shalt  }
0x41: {  	_ =	shalt  }
0x42: {  	_ =	shalt  }
0x43: {  	_ =	shalt  }
0x44: {  	_ =	shalt  }
0x45: {  	_ =	shalt  }
0x46: {  	_ =	shalt  }
0x47: {  	_ =	shalt  }
0x48: {  	_ =	shalt  }
0x49: {  	_ =	shalt  }
0x4a: {  	_ =	shalt  }
0x4b: {  	_ =	shalt  }
0x4c: {  	_ =	shalt  }
0x4d: {  	_ =	shalt  }
0x4e: {  	_ =	shalt  }
0x4f: {  	_ =	shalt  }
0x50: {  	_ =	shalt  }
0x51: {  	_ =	shalt  }
0x52: {  	_ =	shalt  }
0x53: {  	_ =	shalt  }
0x54: {  	_ =	shalt  }
0x55: {  	_ =	shalt  }
0x56: {  	_ =	shalt  }
0x57: {  	_ =	shalt  }
0x58: {  	_ =	shalt  }
0x59: {  	_ =	shalt  }
0x5a: {  	_ =	shalt  }
0x5b: {  	_ =	shalt  }
0x5c: {  	_ =	shalt  }
0x5d: {  	_ =	shalt  }
0x5e: {  	_ =	shalt  }
0x5f: {  	_ =	shalt  }
0x60: {  	_ =	shalt  }
0x61: {  	_ =	shalt  }
0x62: {  	_ =	shalt  }
0x63: {  	_ =	shalt  }
0x64: {  	_ =	shalt  }
0x65: {  	_ =	shalt  }
0x66: {  	_ =	shalt  }
0x67: {  	_ =	shalt  }
0x68: {  	_ =	shalt  }
0x69: {  	_ =	shalt  }
0x6a: {  	_ =	shalt  }
0x6b: {  	_ =	shalt  }
0x6c: {  	_ =	shalt  }
0x6d: {  	_ =	shalt  }
0x6e: {  	_ =	shalt  }
0x6f: {  	_ =	shalt  }
0x70: {  	_ =	shalt  }
0x71: {  	_ =	shalt  }
0x72: {  	_ =	shalt  }
0x73: {  	_ =	shalt  }
0x74: {  	_ =	shalt  }
0x75: {  	_ =	shalt  }
0x76: {  	_ =	shalt  }
0x77: {  	_ =	shalt  }
0x78: {  	_ =	shalt  }
0x79: {  	_ =	shalt  }
0x7a: {  	_ =	shalt  }
0x7b: {  	_ =	shalt  }
0x7c: {  	_ =	shalt  }
0x7d: {  	_ =	shalt  }
0x7e: {  	_ =	shalt  }
0x7f: {  	_ =	shalt  }
0x80: {  	_ =	shalt  }
0x81: {  	_ =	shalt  }
0x82: {  	_ =	shalt  }
0x83: {  	_ =	shalt  }
0x84: {  	_ =	shalt  }
0x85: {  	_ =	shalt  }
0x86: {  	_ =	shalt  }
0x87: {  	_ =	shalt  }
.Lfunc_end0:
.L_simem_size_0:
called_computation.3_lowered:
.L_overlay_start_0:
0x88: {  	s2 =	sld [smem:$0x3FD9]  }
0x89: {  	s3 =	sld [smem:$0x3FFE];
	_ =	sdelay $0x1  }
0x8a: {  	s1 =	srdreg.scid  }
0x8b: {  	s0 =	sand.u32 $0x1, s1  }
0x8c: {  	s17 =	sshll.u32 s0, $0xA;
	s2 =	sadd.s32 s3, s2  }
0x8d: {  	s2 =	sadd.s32 s2, s17  }
0x8e: {  	[smem:$0x3FB3] =	sst s2  }
0x8f: {  	_ = 	snop  }
0x90: {  	s2 =	sld [smem:$0x3FD0];
	(tm) =	ssettm $0x1  }
0x91: {  	s18 =	sld [smem:$0x3FFB];
	_ =	sdelay $0x3  }
0x92: {  	_ =	strace s18  }
0x93: {  	s3 =	sld [smem:$0x3FFC];
	_ =	sdelay $0x3  }
0x94: {  	_ =	strace s3  }
0x95: {  	s3 =	sld [smem:$0x3FFD];
	_ =	sdelay $0x3  }
0x96: {  	_ =	strace s3  }
0x97: {  	_ =	strace $0x8FFFFFFF  }
0x98: {  	s19 =	sld [smem:$0x3FDB];
	_ =	sdelay $0x1  }
0x99: {  	s4 =	simm.s32 $_scs_section_size  }
0x9a: {  	s5 =	simm.s32 $_size__tile_overlayer_lowered;
	s6 =	simm.s32 $_tile_overlayer_lowered  }
0x9b: {  	s22 =	simm.s32 $0x1BFF;
	s21 =	sshll.u32 s6, $0x1;
	s3 =	sadd.s32 s4, s19  }
0x9c: {  	s7 =	simm.s32 $0x0;
	s20 =	sshll.u32 s5, $0x1;
	s5 =	sadd.s32 s21, s3  }
0x9d: {  	[timem:s7], [sflag:s22] =	dma.local [hbm:s5], s20  }
0x9e: {  	_ =	swait.ge [sflag:s22], s20  }
0x9f: {  	s4 =	ssub.s32 $0x0, s20;
	[sflag:s22] =	ssyncset.done $0x0  }
0xa0: {  	[sflag:s22] =	ssyncadd.s32 s4;
	_ =	sdelay $0x1  }
0xa1: {  	s23 =	simm.s32 $0x1B8B  }
0xa2: {  	_ =	swait.ge [sflag:s23], $0x1  }
0xa3: {  	[sflag:s23] =	ssyncset.done $0x0  }
0xa4: {  	s25 =	simm.s32 $0x1B8E;
	s24 =	sld [smem:$0x3FFE];
	[sflag:s23] =	ssyncadd.s32 $0xFFFFFFFF  }
0xa5: {  	s26 =	simm.s32 $execute0_lowered;
	[smem:$0x3FD2] =	sst s25  }
0xa6: {  	s5 =	sshll.u32 s26, $0x1;
	_ =	strace $0x8000004C;
	[dreg:$0x1] =	wrdreg $0xFFFFFFFF  }
0xa7: {  	s28 =	simm.s32 $_size_execute0_lowered;
	s3 =	sadd.s32 s3, s5;
	[dreg:$0x0] =	wrdreg $0x0  }
0xa8: {  	s5 =	sshll.u32 s28, $0x1;
	[dreg:$0x2] =	wrdreg s3  }
0xa9: {  	[dreg:$0x3] =	wrdreg s5  }
0xaa: {  	[dreg:$0x4] =	wrdreg $0xC0  }
0xab: {  	_ =	task [dreg:s7], $0x5FFFF  }
0xac: {  	[dreg:$0x1] =	wrdreg $0xFFFFFFFF  }
0xad: {  	[dreg:$0x0] =	wrdreg $0x60  }
0xae: {  	[dreg:$0x2] =	wrdreg s2  }
0xaf: {  	[dreg:$0x3] =	wrdreg s24  }
0xb0: {  	[dreg:$0x4] =	wrdreg $0xA  }
0xb1: {  	_ =	task.clear_ibuf [dreg:s7], $0x5FFFF;
	_ =	strace $0x9000004C  }
0xb2: {  	s29 =	simm.s32 $0xA;
	_ =	strace $0x8000004E  }
0xb3: {  	_ =	swait.ge [sflag:s29], $0x1  }
0xb4: {  	[sflag:s29] =	ssyncadd.s32 $0xFFFFFFFF  }
0xb5: {  	_ =	strace $0x9000004E  }
0xb6: {  	_ =	sfence  }
0xb7: {  	s30 =	sld [smem:$0x0];
	_ =	sdelay $0x2  }
0xb8: {  	s31 =	sshll.u32 s1, $0xD;
	s1 =	sshrl.u32 s1, $0x2  }
0xb9: {  	s3 =	sand.u32 $0x4000, s31;
	s1 =	sadd.s32 s1, s30  }
0xba: {  	s0 =	sor.u32 s3, s0;
	s1 =	sshll.u32 s1, $0x11  }
0xbb: {  	s0 =	sor.u32 s1, s0  }
0xbc: {  	s0 =	sadd.s32 $0x8F2B, s0  }
0xbd: {  	[sflag:s0] =	ssyncadd.remote.s32 $0x1  }
0xbe: {  	_ =	sfence.sel $0xFFFF  }
0xbf: {  	[dreg:$0x0] =	wrdreg $0xFFFFFFFF;
	(pc) =	sbr.abs _section_cstart, $3  }
0xc0: {  	[dreg:$0x1] =	wrdreg $0xFFFFFFFF  }
0xc1: {  	_ =	task.clear_ibuf [dreg:s7], $0x2FFFF;
	_ =	strace $0x9FFFFFFF  }
0xc2: {  	(tm) =	ssettm $0x7FFFFFFF  }
0xc3: {  	_ =	shalt  }
tec
execute0_lowered:
.L_overlay_start_1:
0x0: {  	(tag) =	ssettag $0x1  }
0x1: {  	s2 =	rddreg [dreg:$0x0]  }
0x2: {  	s1 =	srdreg.scid;
	s0 =	stileid.u32  }
0x3: {  	s4 =	rddreg [dreg:$0x1];
	s9 =	simm.s32 $0x2800;
	s10 =	simm.s32 $0x5000  }
0x4: {  	s11 =	simm.s32 $0x7780;
	s12 =	simm.s32 $0x80;
	s13 =	simm.s32 $0x400  }
0x5: {  	s5 =	sand.u32 $0x1, s1;
	s3 =	sshll.u32 s0, $0x1;
	s1 =	rddreg [dreg:$0x2]  }
0x6: {  	s7 =	sshrl.u32 s0, $0x2;
	s6 =	sor.u32 s5, s3;
	s3 =	simm.s32 $0x0  }
0x7: {  	s7 =	smul.u32 $0x14000, s7;
	s5 =	ssub.s32 $0x2, s5;
	s8 =	sshll.u32 s6, $0x7  }
0x8: {  	[smem:$0x7FF] =	sst s3;
	s6 =	smul.u32 $0x500, s6;
	s8 =	sand.u32 $0x380, s8  }
0x9: {  	s31 =	sshrl.u32 s5, $0x1;
	_ =	strace $0x8000004D;
	s7 =	sor.u32 s7, s8  }
0xa: {  	s6 =	sadd.s32 s6, s4;
	s8 =	ssub.s32 s5, s31;
	s7 =	sshrl.u32 s7, $0x3  }
0xb: {  	s5 =	sadd.s32 $0xE800, s6;
	s7 =	sadd.s32 s7, s4;
	s4 =	sadd.s32 $0x4800, s6  }
0xc: {  	v0 =	vimm.f32 $0.0e+00;
	s6 =	sadd.s32 $0x8DE00, s7;
	s7 =	smax.u32 s8, $0x1;
	s8 =	simm.s32 $0x1  }
.LBB2_1:
0xd: {  	s14 =	simm.s32 $0x40;
	s15 =	simm.s32 $0x0  }
.LBB2_2:
0xe: {  	p0 =	sne.s32 s14, $0x9FC0;
	[tilespmem:s15+$0x7780] =	vst v0;
	s15 =	smov.u32 s14;
	s14 =	sadd.s32 $0x40, s14  }
.Ltmp0:
0xf: {  	(pc) =	sbr.rel @p0 .LBB2_2-.Ltmp0, $2  }
0x10: {  	_ =	sdelay $0x2  }
0x11: {  	s15 =	sshra.s32 s15, $0x2  }
0x12: {  	[tilespmem:s15+$0x7780] =	vst v0;
	s14 =	simm.s32 $0x0  }
0x13: {  	[tilespmem:s14], [sflag:$0x1] =	stream.linear.gather [hbm4b:s4+s14], $0x2780, $0x38;
	[tilespmem:$0x9F80] =	vst v63  }
0x14: {  	_ =	swait.ge [sflag:s8], $0x2780  }
0x15: {  	[sflag:s8] =	ssyncset.done $0x0  }
0x16: {  	[sflag:s8] =	ssyncadd.s32 $0xFFFFD880  }
0x17: {  	[tilespmem:s9], [sflag:$0x1] =	stream.linear.gather [hbm4b:s5+s14], $0x2780, $0x38;
	[tilespmem:$0x9F80] =	vst v63  }
0x18: {  	_ =	swait.ge [sflag:s8], $0x2780  }
0x19: {  	[sflag:s8] =	ssyncset.done $0x0  }
0x1a: {  	[sflag:s8] =	ssyncadd.s32 $0xFFFFD880  }
0x1b: {  	[tilespmem:s10], [sflag:$0x1] =	stream.linear.gather [hbm4b:s2+s14], $0x2780, $0x38;
	[tilespmem:$0x9F80] =	vst v63  }
0x1c: {  	_ =	swait.ge [sflag:s8], $0x2780  }
0x1d: {  	[sflag:s8] =	ssyncset.done $0x0  }
0x1e: {  	[sflag:s8] =	ssyncadd.s32 $0xFFFFD880  }
.LBB2_4:
0x1f: {  	s15 =	sshra.s32 s14, $0x2  }
0x20: {  	v1 =	vld [tilespmem:s15+$0x0];
	_ =	sdelay $0x4  }
0x21: {  	v2 =	vld [tilespmem:s15+$0x2800];
	_ =	sdelay $0x2  }
0x22: {  	v1 =	vld.idx.msk [tilespmem:v1+s10+$0x0], $0xffff;
	_ =	sdelay $0x4  }
0x23: {  	[tilespmem:v2+s11+$0x0] =	vst.idx.add.f32.msk $0xffff, v1  }
0x24: {  	v1 =	vld [tilespmem:s15+$0x10];
	_ =	sdelay $0x4  }
0x25: {  	v2 =	vld [tilespmem:s15+$0x2810];
	_ =	sdelay $0x2  }
0x26: {  	v1 =	vld.idx.msk [tilespmem:v1+s10+$0x0], $0xffff;
	_ =	sdelay $0x4  }
0x27: {  	[tilespmem:v2+s11+$0x0] =	vst.idx.add.f32.msk $0xffff, v1  }
0x28: {  	v1 =	vld [tilespmem:s15+$0x20];
	_ =	sdelay $0x4  }
0x29: {  	v2 =	vld [tilespmem:s15+$0x2820];
	_ =	sdelay $0x2  }
0x2a: {  	v1 =	vld.idx.msk [tilespmem:v1+s10+$0x0], $0xffff;
	_ =	sdelay $0x4  }
0x2b: {  	[tilespmem:v2+s11+$0x0] =	vst.idx.add.f32.msk $0xffff, v1  }
0x2c: {  	v1 =	vld [tilespmem:s15+$0x30];
	_ =	sdelay $0x4  }
0x2d: {  	v2 =	vld [tilespmem:s15+$0x2830];
	_ =	sdelay $0x2  }
0x2e: {  	v1 =	vld.idx.msk [tilespmem:v1+s10+$0x0], $0xffff;
	_ =	sdelay $0x4  }
0x2f: {  	[tilespmem:v2+s11+$0x0] =	vst.idx.add.f32.msk $0xffff, v1  }
0x30: {  	v1 =	vld [tilespmem:s15+$0x40];
	_ =	sdelay $0x4  }
0x31: {  	v2 =	vld [tilespmem:s15+$0x2840];
	_ =	sdelay $0x2  }
0x32: {  	v1 =	vld.idx.msk [tilespmem:v1+s10+$0x0], $0xffff;
	_ =	sdelay $0x4  }
0x33: {  	[tilespmem:v2+s11+$0x0] =	vst.idx.add.f32.msk $0xffff, v1  }
0x34: {  	v1 =	vld [tilespmem:s15+$0x50];
	_ =	sdelay $0x4  }
0x35: {  	v2 =	vld [tilespmem:s15+$0x2850];
	_ =	sdelay $0x2  }
0x36: {  	v1 =	vld.idx.msk [tilespmem:v1+s10+$0x0], $0xffff;
	_ =	sdelay $0x4  }
0x37: {  	[tilespmem:v2+s11+$0x0] =	vst.idx.add.f32.msk $0xffff, v1  }
0x38: {  	v1 =	vld [tilespmem:s15+$0x60];
	_ =	sdelay $0x4  }
0x39: {  	v2 =	vld [tilespmem:s15+$0x2860];
	_ =	sdelay $0x2  }
0x3a: {  	v1 =	vld.idx.msk [tilespmem:v1+s10+$0x0], $0xffff;
	_ =	sdelay $0x4  }
0x3b: {  	[tilespmem:v2+s11+$0x0] =	vst.idx.add.f32.msk $0xffff, v1  }
0x3c: {  	v1 =	vld [tilespmem:s15+$0x70];
	_ =	sdelay $0x4  }
0x3d: {  	v2 =	vld [tilespmem:s15+$0x2870];
	_ =	sdelay $0x2  }
0x3e: {  	p0 =	sne.s32 s14, $0x9C00;
	v1 =	vld.idx.msk [tilespmem:v1+s10+$0x0], $0xffff  }
.Ltmp1:
0x3f: {  	_ = 	snop;
	(pc) =	sbr.rel @p0 .LBB2_4-.Ltmp1, $2  }
0x40: {  	_ =	sdelay $0x2  }
0x41: {  	s14 =	sadd.s32 $0x200, s14;
	[tilespmem:v2+s11+$0x0] =	vst.idx.add.f32.msk $0xffff, v1  }
0x42: {  	s3 =	sadd.s32 $0x1, s3  }
0x43: {  	p0 =	sne.s32 s3, s7  }
.Ltmp2:
0x44: {  	_ = 	snop;
	(pc) =	sbr.rel @p0 .LBB2_1-.Ltmp2, $4  }
0x45: {  	[hbm4b:s6+s12] =	stream.strided.scatter [tilespmem:s11], [sflag:$0x1], $0x2800, s13, s12, $0x38;
	[tilespmem:$0x9F80] =	vst v63  }
0x46: {  	_ =	swait.ge [sflag:s8], $0x2800  }
0x47: {  	[sflag:s8] =	ssyncset.done $0x0  }
0x48: {  	[sflag:s8] =	ssyncadd.s32 $0xFFFFD800  }
0x49: {  	_ =	sfence.sel $0x180000  }
0x4a: {  	[bflag:$0x0] =	sbarrier.arrive $0xFFFF  }
0x4b: {  	p0 =	sne.s32 s0, $0x0;
	_ =	strace $0x9000004D  }
0x4c: {  	s0 =	sadd.s32 @!p0 $0x100000, s1;
	[bflag:$0x2] =	sbarrier.arrive $0xFFFF  }
0x4d: {  	[sflag:s0] =	ssyncadd.tile.s32 @!p0 $0x1;
	_ =	shalt  }
.Lfunc_end2:
_tile_overlayer_lowered:
.L_overlay_start_2:
0x4e: {  	(tag) =	ssettag $0x2  }
0x4f: {  	s0 =	rddreg [dreg:$0x0];
	s2 =	stileid.u32  }
0x50: {  	s1 =	rddreg [dreg:$0x1];
	p0 =	sne.s32 s2, $0x0  }
0x51: {  	s3 =	rddreg [dreg:$0x2];
	[bflag:$0x3] =	sbarrier.arrive $0xFFFF;
	s2 =	simm.s32 @!p0 $0x1C01  }
0x52: {  	[timem:s3], [sflag:s2] =	dma.local @!p0 [hbm:s0], s1  }
0x53: {  	s0 =	simm.s32 @!p0 $0x1  }
0x54: {  	_ =	swait.ge @!p0 [sflag:s0], s1  }
0x55: {  	s1 =	ssub.s32 @!p0 $0x0, s1;
	[sflag:s0] =	ssyncset.done @!p0 $0x0  }
0x56: {  	[sflag:s0] =	ssyncadd.s32 @!p0 s1  }
0x57: {  	[bflag:$0x3] =	sbarrier.arrive $0xFFFF  }
0x58: {  	_ =	shalt  }

// kernel: kernel.23.cloned.1.call-start
scs
__scs_entry_jumppad:
0x0: {  	(pc) =	sbr.rel $0x88, $3  }
0x1: {  	(tag) =	ssettag $0x0;
	lr =	simm.s32 $0x1  }
0x2: {  	[smem:$0x3F8C] =	sst lr;
	_ =	strace $0xD0000000  }
0x3: {  	_ = 	snop  }
0x4: {  	_ = 	snop  }
0x5: {  	_ = 	snop  }
0x6: {  	_ = 	snop  }
0x7: {  	_ = 	snop  }
__scs_overlays_trampoline_lowered:
0x8: {  	[smem:$0x3F9B] =	sst s0  }
0x9: {  	[smem:$0x3F9C] =	sst s1  }
0xa: {  	[smem:$0x3F9D] =	sst s2  }
0xb: {  	[smem:$0x3F9E] =	sst s3  }
0xc: {  	[smem:$0x3F9F] =	sst s4  }
0xd: {  	[smem:$0x3FA0] =	sst s5  }
0xe: {  	[smem:$0x3FA1] =	sst s6  }
0xf: {  	[smem:$0x3FA2] =	sst s7  }
0x10: {  	[smem:$0x3FA3] =	sst s8  }
0x11: {  	[smem:$0x3FA4] =	sst s9;
	s0 =	simm.s32 @!p0 $0x0  }
0x12: {  	s1 =	sld [smem:$0x3F8A];
	s0 =	simm.s32 @p0 $0x1  }
0x13: {  	[smem:$0x3FA5] =	sst s0;
	s0 =	simm.s32 @!p1 $0x0  }
0x14: {  	s2 =	sld [smem:$0x3F89];
	s0 =	simm.s32 @p1 $0x1  }
0x15: {  	[smem:$0x3FA6] =	sst s0;
	s0 =	simm.s32 @!p2 $0x0  }
0x16: {  	s3 =	sld [smem:$0x3FDB];
	s0 =	simm.s32 @p2 $0x1  }
0x17: {  	s4 =	simm.s32 $0x1BF5;
	[smem:$0x3FA8] =	sst s0  }
0x18: {  	s0 =	sld [smem:$0x3F8B];
	_ =	swait.ge [sflag:s4], $0x0  }
0x19: {  	s7 =	sld [smem:$0x3F8C]  }
0x1a: {  	s8 =	sadd.s32 $0xFFFFE003, lr  }
0x1b: {  	s9 =	sadd.s32 $0xFFFFFEF7, lr;
	s5 =	simm.s32 $0xFFFFFFFF;
	p2 =	slt.u32 s8, $0xFFFFF086  }
0x1c: {  	p1 =	slt.u32 s9, $0xF7A;
	s5 =	simm.s32 @!p2 $0x0  }
0x1d: {  	s5 =	simm.s32 @p1 $0x1;
	p0 =	seq.s32 s7, s2  }
0x1e: {  	s7 =	smul.u32 @!p0 $0xF7A, s2;
	p2 =	seq.s32 @!p0 s5, $0x0  }
0x1f: {  	s9 =	smul.u32 $0xF7A, s1;
	s8 =	simm.s32 @!p0 $0x1BF5;
	p2 =	por !p2, p0  }
0x20: {  	[sflag:s8] =	ssyncset.s32 @!p0 $0xFFFFF086;
	s6 =	sadd.s32 @!p0 s3, s7;
	s7 =	simm.s32 @!p0 $0x108  }
0x21: {  	s3 =	sadd.s32 s3, s9;
	s6 =	sadd.s32 @!p0 $0x88, s6;
	s7 =	simm.s32 @p2 $0x1082  }
0x22: {  	[simem:s7], [sflag:s8] =	dma.local @!p0 [hbm:s6], $0xF7A  }
0x23: {  	s9 =	sor.u32 $0xD0000000, s2;
	s6 =	simm.s32 $0x108;
	_ =	swait.ge @!p0 [sflag:s8], $0x0  }
0x24: {  	s3 =	sadd.s32 $0x88, s3;
	s6 =	simm.s32 @!p1 $0x1082;
	[sflag:s4] =	ssyncset.s32 $0xFFFFF086  }
0x25: {  	[simem:s6], [sflag:s4] =	dma.local [hbm:s3], $0xF7A  }
0x26: {  	[smem:$0x3F8C] =	sst s1;
	(tag) =	ssettag s2;
	_ =	strace s9  }
0x27: {  	s1 =	sld [smem:$0x3F9C]  }
0x28: {  	s2 =	sld [smem:$0x3F9D]  }
0x29: {  	s4 =	sld [smem:$0x3F9F]  }
0x2a: {  	p0 =	seq.s32 s5, $0x0;
	s5 =	sld [smem:$0x3FA0]  }
0x2b: {  	s6 =	sld [smem:$0x3FA1]  }
0x2c: {  	s7 =	sld [smem:$0x3FA2]  }
0x2d: {  	s3 =	simm.s32 $0x108;
	s8 =	sld [smem:$0x3FA3]  }
0x2e: {  	s3 =	simm.s32 @!p0 $0x1082;
	s9 =	sld [smem:$0x3FA4]  }
0x2f: {  	lr =	sadd.s32 s0, s3;
	s0 =	sld [smem:$0x3F9B]  }
0x30: {  	s3 =	sld [smem:$0x3F9E]  }
0x31: {  	[smem:$0x3FA7] =	sst s10  }
0x32: {  	s10 =	sld [smem:$0x3FA5];
	_ =	sdelay $0x3  }
0x33: {  	p0 =	seq.s32 s10, $0x1;
	s10 =	sld [smem:$0x3FA7];
	_ =	sdelay $0x3  }
0x34: {  	[smem:$0x3FA7] =	sst s10  }
0x35: {  	s10 =	sld [smem:$0x3FA6];
	_ =	sdelay $0x3  }
0x36: {  	p1 =	seq.s32 s10, $0x1;
	s10 =	sld [smem:$0x3FA7];
	_ =	sdelay $0x3  }
0x37: {  	[smem:$0x3FA7] =	sst s10  }
0x38: {  	s10 =	sld [smem:$0x3FA8]  }
0x39: {  	_ = 	snop;
	(pc) =	sbr.ind lr, $3  }
0x3a: {  	_ = 	snop  }
0x3b: {  	_ = 	snop  }
0x3c: {  	p2 =	seq.s32 s10, $0x1;
	s10 =	sld [smem:$0x3FA7]  }
0x3d: {  	_ =	shalt  }
0x3e: {  	_ =	shalt  }
0x3f: {  	_ =	shalt  }
0x40: {  	_ =	shalt  }
0x41: {  	_ =	shalt  }
0x42: {  	_ =	shalt  }
0x43: {  	_ =	shalt  }
0x44: {  	_ =	shalt  }
0x45: {  	_ =	shalt  }
0x46: {  	_ =	shalt  }
0x47: {  	_ =	shalt  }
0x48: {  	_ =	shalt  }
0x49: {  	_ =	shalt  }
0x4a: {  	_ =	shalt  }
0x4b: {  	_ =	shalt  }
0x4c: {  	_ =	shalt  }
0x4d: {  	_ =	shalt  }
0x4e: {  	_ =	shalt  }
0x4f: {  	_ =	shalt  }
0x50: {  	_ =	shalt  }
0x51: {  	_ =	shalt  }
0x52: {  	_ =	shalt  }
0x53: {  	_ =	shalt  }
0x54: {  	_ =	shalt  }
0x55: {  	_ =	shalt  }
0x56: {  	_ =	shalt  }
0x57: {  	_ =	shalt  }
0x58: {  	_ =	shalt  }
0x59: {  	_ =	shalt  }
0x5a: {  	_ =	shalt  }
0x5b: {  	_ =	shalt  }
0x5c: {  	_ =	shalt  }
0x5d: {  	_ =	shalt  }
0x5e: {  	_ =	shalt  }
0x5f: {  	_ =	shalt  }
0x60: {  	_ =	shalt  }
0x61: {  	_ =	shalt  }
0x62: {  	_ =	shalt  }
0x63: {  	_ =	shalt  }
0x64: {  	_ =	shalt  }
0x65: {  	_ =	shalt  }
0x66: {  	_ =	shalt  }
0x67: {  	_ =	shalt  }
0x68: {  	_ =	shalt  }
0x69: {  	_ =	shalt  }
0x6a: {  	_ =	shalt  }
0x6b: {  	_ =	shalt  }
0x6c: {  	_ =	shalt  }
0x6d: {  	_ =	shalt  }
0x6e: {  	_ =	shalt  }
0x6f: {  	_ =	shalt  }
0x70: {  	_ =	shalt  }
0x71: {  	_ =	shalt  }
0x72: {  	_ =	shalt  }
0x73: {  	_ =	shalt  }
0x74: {  	_ =	shalt  }
0x75: {  	_ =	shalt  }
0x76: {  	_ =	shalt  }
0x77: {  	_ =	shalt  }
0x78: {  	_ =	shalt  }
0x79: {  	_ =	shalt  }
0x7a: {  	_ =	shalt  }
0x7b: {  	_ =	shalt  }
0x7c: {  	_ =	shalt  }
0x7d: {  	_ =	shalt  }
0x7e: {  	_ =	shalt  }
0x7f: {  	_ =	shalt  }
0x80: {  	_ =	shalt  }
0x81: {  	_ =	shalt  }
0x82: {  	_ =	shalt  }
0x83: {  	_ =	shalt  }
0x84: {  	_ =	shalt  }
0x85: {  	_ =	shalt  }
0x86: {  	_ =	shalt  }
0x87: {  	_ =	shalt  }
.Lfunc_end0:
.L_simem_size_0:
called_computation.4_lowered:
.L_overlay_start_0:
0x88: {  	s2 =	sld [smem:$0x3FD9]  }
0x89: {  	s3 =	sld [smem:$0x3FFE];
	_ =	sdelay $0x1  }
0x8a: {  	s1 =	srdreg.scid  }
0x8b: {  	s0 =	sand.u32 $0x1, s1  }
0x8c: {  	s17 =	sshll.u32 s0, $0xA;
	s2 =	sadd.s32 s3, s2  }
0x8d: {  	s2 =	sadd.s32 s2, s17  }
0x8e: {  	[smem:$0x3FB3] =	sst s2  }
0x8f: {  	_ = 	snop  }
0x90: {  	s2 =	sld [smem:$0x3FD0];
	(tm) =	ssettm $0x1  }
0x91: {  	s18 =	sld [smem:$0x3FFB];
	_ =	sdelay $0x3  }
0x92: {  	_ =	strace s18  }
0x93: {  	s3 =	sld [smem:$0x3FFC];
	_ =	sdelay $0x3  }
0x94: {  	_ =	strace s3  }
0x95: {  	s3 =	sld [smem:$0x3FFD];
	_ =	sdelay $0x3  }
0x96: {  	_ =	strace s3  }
0x97: {  	_ =	strace $0x8FFFFFFF  }
0x98: {  	s19 =	sld [smem:$0x3FDB];
	_ =	sdelay $0x1  }
0x99: {  	s4 =	simm.s32 $_scs_section_size  }
0x9a: {  	s5 =	simm.s32 $_size__tile_overlayer_lowered;
	s6 =	simm.s32 $_tile_overlayer_lowered  }
0x9b: {  	s22 =	simm.s32 $0x1BFF;
	s21 =	sshll.u32 s6, $0x1;
	s3 =	sadd.s32 s4, s19  }
0x9c: {  	s7 =	simm.s32 $0x0;
	s20 =	sshll.u32 s5, $0x1;
	s5 =	sadd.s32 s21, s3  }
0x9d: {  	[timem:s7], [sflag:s22] =	dma.local [hbm:s5], s20  }
0x9e: {  	_ =	swait.ge [sflag:s22], s20  }
0x9f: {  	s4 =	ssub.s32 $0x0, s20;
	[sflag:s22] =	ssyncset.done $0x0  }
0xa0: {  	[sflag:s22] =	ssyncadd.s32 s4;
	_ =	sdelay $0x1  }
0xa1: {  	s23 =	simm.s32 $0x1B8B  }
0xa2: {  	_ =	swait.ge [sflag:s23], $0x1  }
0xa3: {  	[sflag:s23] =	ssyncset.done $0x0  }
0xa4: {  	s25 =	simm.s32 $0x1B8E;
	s24 =	sld [smem:$0x3FFE];
	[sflag:s23] =	ssyncadd.s32 $0xFFFFFFFF  }
0xa5: {  	s26 =	simm.s32 $execute0_lowered;
	[smem:$0x3FD2] =	sst s25  }
0xa6: {  	s5 =	sshll.u32 s26, $0x1;
	_ =	strace $0x80000052;
	[dreg:$0x1] =	wrdreg $0xFFFFFFFF  }
0xa7: {  	s28 =	simm.s32 $_size_execute0_lowered;
	s3 =	sadd.s32 s3, s5;
	[dreg:$0x0] =	wrdreg $0x0  }
0xa8: {  	s5 =	sshll.u32 s28, $0x1;
	[dreg:$0x2] =	wrdreg s3  }
0xa9: {  	[dreg:$0x3] =	wrdreg s5  }
0xaa: {  	[dreg:$0x4] =	wrdreg $0xC0  }
0xab: {  	_ =	task [dreg:s7], $0x5FFFF  }
0xac: {  	[dreg:$0x1] =	wrdreg $0xFFFFFFFF  }
0xad: {  	[dreg:$0x0] =	wrdreg $0x60  }
0xae: {  	[dreg:$0x2] =	wrdreg s2  }
0xaf: {  	[dreg:$0x3] =	wrdreg s24  }
0xb0: {  	[dreg:$0x4] =	wrdreg $0x9  }
0xb1: {  	_ =	task.clear_ibuf [dreg:s7], $0x5FFFF;
	_ =	strace $0x90000052  }
0xb2: {  	s29 =	simm.s32 $0x9;
	_ =	strace $0x80000054  }
0xb3: {  	_ =	swait.ge [sflag:s29], $0x1  }
0xb4: {  	[sflag:s29] =	ssyncadd.s32 $0xFFFFFFFF  }
0xb5: {  	_ =	strace $0x90000054  }
0xb6: {  	_ =	sfence  }
0xb7: {  	s30 =	sld [smem:$0x0];
	_ =	sdelay $0x2  }
0xb8: {  	s31 =	sshll.u32 s1, $0xD;
	s1 =	sshrl.u32 s1, $0x2  }
0xb9: {  	s3 =	sand.u32 $0x4000, s31;
	s1 =	sadd.s32 s1, s30  }
0xba: {  	s0 =	sor.u32 s3, s0;
	s1 =	sshll.u32 s1, $0x11  }
0xbb: {  	s0 =	sor.u32 s1, s0  }
0xbc: {  	s0 =	sadd.s32 $0x8F2B, s0  }
0xbd: {  	[sflag:s0] =	ssyncadd.remote.s32 $0x1  }
0xbe: {  	_ =	sfence.sel $0xFFFF  }
0xbf: {  	[dreg:$0x0] =	wrdreg $0xFFFFFFFF;
	(pc) =	sbr.abs _section_cstart, $3  }
0xc0: {  	[dreg:$0x1] =	wrdreg $0xFFFFFFFF  }
0xc1: {  	_ =	task.clear_ibuf [dreg:s7], $0x2FFFF;
	_ =	strace $0x9FFFFFFF  }
0xc2: {  	(tm) =	ssettm $0x7FFFFFFF  }
0xc3: {  	_ =	shalt  }
tec
execute0_lowered:
.L_overlay_start_1:
0x0: {  	(tag) =	ssettag $0x1  }
0x1: {  	s2 =	rddreg [dreg:$0x0]  }
0x2: {  	s1 =	srdreg.scid;
	s0 =	stileid.u32  }
0x3: {  	s4 =	rddreg [dreg:$0x1];
	s9 =	simm.s32 $0x2800;
	s10 =	simm.s32 $0x5000  }
0x4: {  	s11 =	simm.s32 $0x7780;
	s12 =	simm.s32 $0x80;
	s13 =	simm.s32 $0x400  }
0x5: {  	s5 =	sand.u32 $0x1, s1;
	s3 =	sshll.u32 s0, $0x1;
	s1 =	rddreg [dreg:$0x2]  }
0x6: {  	s7 =	sshrl.u32 s0, $0x2;
	s6 =	sor.u32 s5, s3;
	s3 =	simm.s32 $0x0  }
0x7: {  	s7 =	smul.u32 $0x14000, s7;
	s5 =	ssub.s32 $0x2, s5;
	s8 =	sshll.u32 s6, $0x7  }
0x8: {  	[smem:$0x7FF] =	sst s3;
	s6 =	smul.u32 $0x500, s6;
	s8 =	sand.u32 $0x380, s8  }
0x9: {  	s31 =	sshrl.u32 s5, $0x1;
	_ =	strace $0x80000053;
	s7 =	sor.u32 s7, s8  }
0xa: {  	s6 =	sadd.s32 s6, s4;
	s8 =	ssub.s32 s5, s31;
	s7 =	sshrl.u32 s7, $0x3  }
0xb: {  	s5 =	sadd.s32 $0xE800, s6;
	s7 =	sadd.s32 s7, s4;
	s4 =	sadd.s32 $0x4800, s6  }
0xc: {  	v0 =	vimm.f32 $0.0e+00;
	s6 =	sadd.s32 $0xDC200, s7;
	s7 =	smax.u32 s8, $0x1;
	s8 =	simm.s32 $0x1  }
.LBB2_1:
0xd: {  	s14 =	simm.s32 $0x40;
	s15 =	simm.s32 $0x0  }
.LBB2_2:
0xe: {  	p0 =	sne.s32 s14, $0x9FC0;
	[tilespmem:s15+$0x7780] =	vst v0;
	s15 =	smov.u32 s14;
	s14 =	sadd.s32 $0x40, s14  }
.Ltmp0:
0xf: {  	(pc) =	sbr.rel @p0 .LBB2_2-.Ltmp0, $2  }
0x10: {  	_ =	sdelay $0x2  }
0x11: {  	s15 =	sshra.s32 s15, $0x2  }
0x12: {  	[tilespmem:s15+$0x7780] =	vst v0;
	s14 =	simm.s32 $0x0  }
0x13: {  	[tilespmem:s14], [sflag:$0x1] =	stream.linear.gather [hbm4b:s4+s14], $0x2780, $0x38;
	[tilespmem:$0x9F80] =	vst v63  }
0x14: {  	_ =	swait.ge [sflag:s8], $0x2780  }
0x15: {  	[sflag:s8] =	ssyncset.done $0x0  }
0x16: {  	[sflag:s8] =	ssyncadd.s32 $0xFFFFD880  }
0x17: {  	[tilespmem:s9], [sflag:$0x1] =	stream.linear.gather [hbm4b:s5+s14], $0x2780, $0x38;
	[tilespmem:$0x9F80] =	vst v63  }
0x18: {  	_ =	swait.ge [sflag:s8], $0x2780  }
0x19: {  	[sflag:s8] =	ssyncset.done $0x0  }
0x1a: {  	[sflag:s8] =	ssyncadd.s32 $0xFFFFD880  }
0x1b: {  	[tilespmem:s10], [sflag:$0x1] =	stream.linear.gather [hbm4b:s2+s14], $0x2780, $0x38;
	[tilespmem:$0x9F80] =	vst v63  }
0x1c: {  	_ =	swait.ge [sflag:s8], $0x2780  }
0x1d: {  	[sflag:s8] =	ssyncset.done $0x0  }
0x1e: {  	[sflag:s8] =	ssyncadd.s32 $0xFFFFD880  }
.LBB2_4:
0x1f: {  	s15 =	sshra.s32 s14, $0x2  }
0x20: {  	v1 =	vld [tilespmem:s15+$0x0];
	_ =	sdelay $0x4  }
0x21: {  	v2 =	vld [tilespmem:s15+$0x2800];
	_ =	sdelay $0x2  }
0x22: {  	v1 =	vld.idx.msk [tilespmem:v1+s10+$0x0], $0xffff;
	_ =	sdelay $0x4  }
0x23: {  	[tilespmem:v2+s11+$0x0] =	vst.idx.add.f32.msk $0xffff, v1  }
0x24: {  	v1 =	vld [tilespmem:s15+$0x10];
	_ =	sdelay $0x4  }
0x25: {  	v2 =	vld [tilespmem:s15+$0x2810];
	_ =	sdelay $0x2  }
0x26: {  	v1 =	vld.idx.msk [tilespmem:v1+s10+$0x0], $0xffff;
	_ =	sdelay $0x4  }
0x27: {  	[tilespmem:v2+s11+$0x0] =	vst.idx.add.f32.msk $0xffff, v1  }
0x28: {  	v1 =	vld [tilespmem:s15+$0x20];
	_ =	sdelay $0x4  }
0x29: {  	v2 =	vld [tilespmem:s15+$0x2820];
	_ =	sdelay $0x2  }
0x2a: {  	v1 =	vld.idx.msk [tilespmem:v1+s10+$0x0], $0xffff;
	_ =	sdelay $0x4  }
0x2b: {  	[tilespmem:v2+s11+$0x0] =	vst.idx.add.f32.msk $0xffff, v1  }
0x2c: {  	v1 =	vld [tilespmem:s15+$0x30];
	_ =	sdelay $0x4  }
0x2d: {  	v2 =	vld [tilespmem:s15+$0x2830];
	_ =	sdelay $0x2  }
0x2e: {  	v1 =	vld.idx.msk [tilespmem:v1+s10+$0x0], $0xffff;
	_ =	sdelay $0x4  }
0x2f: {  	[tilespmem:v2+s11+$0x0] =	vst.idx.add.f32.msk $0xffff, v1  }
0x30: {  	v1 =	vld [tilespmem:s15+$0x40];
	_ =	sdelay $0x4  }
0x31: {  	v2 =	vld [tilespmem:s15+$0x2840];
	_ =	sdelay $0x2  }
0x32: {  	v1 =	vld.idx.msk [tilespmem:v1+s10+$0x0], $0xffff;
	_ =	sdelay $0x4  }
0x33: {  	[tilespmem:v2+s11+$0x0] =	vst.idx.add.f32.msk $0xffff, v1  }
0x34: {  	v1 =	vld [tilespmem:s15+$0x50];
	_ =	sdelay $0x4  }
0x35: {  	v2 =	vld [tilespmem:s15+$0x2850];
	_ =	sdelay $0x2  }
0x36: {  	v1 =	vld.idx.msk [tilespmem:v1+s10+$0x0], $0xffff;
	_ =	sdelay $0x4  }
0x37: {  	[tilespmem:v2+s11+$0x0] =	vst.idx.add.f32.msk $0xffff, v1  }
0x38: {  	v1 =	vld [tilespmem:s15+$0x60];
	_ =	sdelay $0x4  }
0x39: {  	v2 =	vld [tilespmem:s15+$0x2860];
	_ =	sdelay $0x2  }
0x3a: {  	v1 =	vld.idx.msk [tilespmem:v1+s10+$0x0], $0xffff;
	_ =	sdelay $0x4  }
0x3b: {  	[tilespmem:v2+s11+$0x0] =	vst.idx.add.f32.msk $0xffff, v1  }
0x3c: {  	v1 =	vld [tilespmem:s15+$0x70];
	_ =	sdelay $0x4  }
0x3d: {  	v2 =	vld [tilespmem:s15+$0x2870];
	_ =	sdelay $0x2  }
0x3e: {  	p0 =	sne.s32 s14, $0x9C00;
	v1 =	vld.idx.msk [tilespmem:v1+s10+$0x0], $0xffff  }
.Ltmp1:
0x3f: {  	_ = 	snop;
	(pc) =	sbr.rel @p0 .LBB2_4-.Ltmp1, $2  }
0x40: {  	_ =	sdelay $0x2  }
0x41: {  	s14 =	sadd.s32 $0x200, s14;
	[tilespmem:v2+s11+$0x0] =	vst.idx.add.f32.msk $0xffff, v1  }
0x42: {  	s3 =	sadd.s32 $0x1, s3  }
0x43: {  	p0 =	sne.s32 s3, s7  }
.Ltmp2:
0x44: {  	_ = 	snop;
	(pc) =	sbr.rel @p0 .LBB2_1-.Ltmp2, $4  }
0x45: {  	[hbm4b:s6+s12] =	stream.strided.scatter [tilespmem:s11], [sflag:$0x1], $0x2800, s13, s12, $0x38;
	[tilespmem:$0x9F80] =	vst v63  }
0x46: {  	_ =	swait.ge [sflag:s8], $0x2800  }
0x47: {  	[sflag:s8] =	ssyncset.done $0x0  }
0x48: {  	[sflag:s8] =	ssyncadd.s32 $0xFFFFD800  }
0x49: {  	_ =	sfence.sel $0x180000  }
0x4a: {  	[bflag:$0x0] =	sbarrier.arrive $0xFFFF  }
0x4b: {  	p0 =	sne.s32 s0, $0x0;
	_ =	strace $0x90000053  }
0x4c: {  	s0 =	sadd.s32 @!p0 $0x100000, s1;
	[bflag:$0x2] =	sbarrier.arrive $0xFFFF  }
0x4d: {  	[sflag:s0] =	ssyncadd.tile.s32 @!p0 $0x1;
	_ =	shalt  }
.Lfunc_end2:
_tile_overlayer_lowered:
.L_overlay_start_2:
0x4e: {  	(tag) =	ssettag $0x2  }
0x4f: {  	s0 =	rddreg [dreg:$0x0];
	s2 =	stileid.u32  }
0x50: {  	s1 =	rddreg [dreg:$0x1];
	p0 =	sne.s32 s2, $0x0  }
0x51: {  	s3 =	rddreg [dreg:$0x2];
	[bflag:$0x3] =	sbarrier.arrive $0xFFFF;
	s2 =	simm.s32 @!p0 $0x1C01  }
0x52: {  	[timem:s3], [sflag:s2] =	dma.local @!p0 [hbm:s0], s1  }
0x53: {  	s0 =	simm.s32 @!p0 $0x1  }
0x54: {  	_ =	swait.ge @!p0 [sflag:s0], s1  }
0x55: {  	s1 =	ssub.s32 @!p0 $0x0, s1;
	[sflag:s0] =	ssyncset.done @!p0 $0x0  }
0x56: {  	[sflag:s0] =	ssyncadd.s32 @!p0 s1  }
0x57: {  	[bflag:$0x3] =	sbarrier.arrive $0xFFFF  }
0x58: {  	_ =	shalt  }

</sc_bundles>
